<compile_context>
chip_gen: v7x
topology: tpu7x:2x2x1
jax: 0.10.2.dev20260603
libtpu: 0.0.44.dev20260713+nightly
codegen_flags: <defaults>
</compile_context>

<pallas_src>
import functools

import jax
import jax.numpy as jnp
from jax import lax
from jax.experimental import pallas as pl
from jax.experimental.pallas import tpu as pltpu
from jax.experimental.pallas import tpu_sc as plsc

ALPHA = 0.1
NC, NS = 2, 16
NW = NC * NS
L = 16
CH = 128
PAD = 16
T0C = 104
T1C = 56


def _sc_mesh():
    return plsc.VectorSubcoreMesh(
        core_axis_name="c", subcore_axis_name="s", num_cores=NC, num_subcores=NS
    )


def _spans(N):
    base_sz = (N // NS) // 8 * 8
    last_sz = N - base_sz * (NS - 1)
    return base_sz, last_sz


@functools.lru_cache(maxsize=None)
def _make_deg_kernel(nchunk, N):
    base_sz, last_sz = _spans(N)
    tail = last_sz - base_sz
    toff = (NS - 1) * base_sz + base_sz

    @functools.partial(
        pl.kernel,
        mesh=_sc_mesh(),
        out_type=jax.ShapeDtypeStruct((NC * N,), jnp.float32),
        scratch_types=[
            pltpu.VMEM_SHARED((N + PAD,), jnp.float32),
            pltpu.VMEM((nchunk, CH), jnp.int32),
            pltpu.VMEM((CH,), jnp.float32),
            pltpu.VMEM((base_sz + tail,), jnp.float32),
        ],
    )
    def deg_kernel(col_hbm, out_hbm, acc_s, cidx_v, ones_v, zb_v):
        cid = lax.axis_index("c")
        sid = lax.axis_index("s")
        wid = sid * NC + cid
        pltpu.sync_copy(col_hbm.at[wid], cidx_v)

        onesv = jnp.ones((L,), jnp.float32)
        zerov = jnp.zeros((L,), jnp.float32)

        def fill_ones(i, _):
            ones_v[pl.ds(i * L, L)] = onesv
            return 0

        lax.fori_loop(0, CH // L, fill_ones, 0)

        def fill_zero(i, _):
            zb_v[pl.ds(i * L, L)] = zerov
            return 0

        lax.fori_loop(0, (base_sz + tail) // L, fill_zero, 0)

        start = sid * base_sz
        pltpu.sync_copy(zb_v.at[pl.ds(0, base_sz)], acc_s.at[pl.ds(start, base_sz)])

        @pl.when(sid == NS - 1)
        def _():
            pltpu.sync_copy(
                zb_v.at[pl.ds(0, tail + PAD)], acc_s.at[pl.ds(toff, tail + PAD)]
            )

        plsc.subcore_barrier()

        def body(j, _):
            pltpu.sync_copy(ones_v, acc_s.at[cidx_v.at[j]], add=True)
            return 0

        lax.fori_loop(0, nchunk, body, 0)
        plsc.subcore_barrier()

        pltpu.sync_copy(acc_s.at[pl.ds(start, base_sz)], zb_v.at[pl.ds(0, base_sz)])
        pltpu.sync_copy(
            zb_v.at[pl.ds(0, base_sz)],
            out_hbm.at[pl.ds(cid * N + start, base_sz)],
        )

        @pl.when(sid == NS - 1)
        def _():
            pltpu.sync_copy(acc_s.at[pl.ds(toff, tail)], zb_v.at[pl.ds(0, tail)])
            pltpu.sync_copy(
                zb_v.at[pl.ds(0, tail)], out_hbm.at[pl.ds(cid * N + toff, tail)]
            )

    return deg_kernel


@functools.lru_cache(maxsize=None)
def _make_agg_kernel(nchunk, N, D):
    base_sz, last_sz = _spans(N)
    zr = 16

    @functools.partial(
        pl.kernel,
        mesh=_sc_mesh(),
        out_type=jax.ShapeDtypeStruct((NC, N, D), jnp.float32),
        scratch_types=[
            pltpu.VMEM_SHARED((N + PAD, D), jnp.float32),
            pltpu.VMEM((nchunk, CH), jnp.int32),
            pltpu.VMEM((nchunk, CH), jnp.int32),
            pltpu.VMEM((CH, D), jnp.float32),
            pltpu.VMEM((zr, D), jnp.float32),
            pltpu.SemaphoreType.DMA,
        ],
    )
    def agg_kernel(g_hbm, row_hbm, col_hbm, out_hbm, acc_s, ridx_v, cidx_v,
                   rows_v, zb_v, gsem):
        cid = lax.axis_index("c")
        sid = lax.axis_index("s")
        wid = sid * NC + cid
        nch = nchunk if T0C == T1C else jnp.where(cid == 0, T0C, T1C)
        pltpu.sync_copy(row_hbm.at[wid], ridx_v)
        pltpu.sync_copy(col_hbm.at[wid], cidx_v)

        zerov = jnp.zeros((L,), jnp.float32)

        def fill_zero(i, _):
            r = i // (D // L)
            c = i % (D // L)
            zb_v[r, pl.ds(c * L, L)] = zerov
            return 0

        lax.fori_loop(0, zr * D // L, fill_zero, 0)

        start = sid * base_sz
        nz = jnp.where(sid == NS - 1, (last_sz + PAD) // zr, base_sz // zr)

        def zero_acc(k, _):
            pltpu.sync_copy(zb_v, acc_s.at[pl.ds(start + k * zr, zr)])
            return 0

        lax.fori_loop(0, nz, zero_acc, 0)
        plsc.subcore_barrier()

        def body(j, _):
            pltpu.async_copy(g_hbm.at[ridx_v.at[j]], rows_v, gsem).wait()
            pltpu.sync_copy(rows_v, acc_s.at[cidx_v.at[j]], add=True)
            return 0

        lax.fori_loop(0, nch, body, 0)
        plsc.subcore_barrier()

        def wb_body(k, _):
            off = start + k * zr
            pltpu.sync_copy(acc_s.at[pl.ds(off, zr)], zb_v)
            pltpu.sync_copy(zb_v, out_hbm.at[cid, pl.ds(off, zr)])
            return 0

        nw_ = jnp.where(sid == NS - 1, last_sz // zr, base_sz // zr)
        lax.fori_loop(0, nw_, wb_body, 0)

    return agg_kernel


def _dinv_of(degp_blk):
    deg = degp_blk[:, 0] + degp_blk[:, 1]
    return jnp.where(deg > 0.0, lax.rsqrt(deg), 0.0)[:, None]


def _fc1_body(x_ref, w1_ref, b1_ref, degp_ref, h_ref, g_ref):
    h = jnp.maximum(
        jnp.dot(x_ref[...], w1_ref[...], preferred_element_type=jnp.float32)
        + b1_ref[...],
        0.0,
    )
    h_ref[...] = h
    g_ref[...] = h * _dinv_of(degp_ref[...])


def _layer_body(p_ref, x0_ref, degp_ref, w_ref, g_ref):
    dinv = _dinv_of(degp_ref[...])
    p = p_ref[...]
    t = (1.0 - ALPHA) * dinv * (p[0] + p[1]) + ALPHA * x0_ref[...]
    h = jnp.maximum(
        jnp.dot(t, w_ref[...], preferred_element_type=jnp.float32), 0.0
    )
    g_ref[...] = h * dinv


def _final_body(p_ref, x0_ref, degp_ref, w_ref, w2_ref, b2_ref, out_ref):
    dinv = _dinv_of(degp_ref[...])
    p = p_ref[...]
    t = (1.0 - ALPHA) * dinv * (p[0] + p[1]) + ALPHA * x0_ref[...]
    h = jnp.maximum(
        jnp.dot(t, w_ref[...], preferred_element_type=jnp.float32), 0.0
    )
    out_ref[...] = (
        jnp.dot(h, w2_ref[...], preferred_element_type=jnp.float32) + b2_ref[...]
    )


def _row_blk(i):
    return (i, 0)


@functools.lru_cache(maxsize=None)
def _make_tc_kernels(N, D, D_OUT, R):
    grid = (N // R,)
    mat = pl.BlockSpec((D, D), lambda i: (0, 0))
    vec = pl.BlockSpec((1, D), lambda i: (0, 0))
    rows = pl.BlockSpec((R, D), _row_blk)
    degp = pl.BlockSpec((R, NC), _row_blk)
    part = pl.BlockSpec((NC, R, D), lambda i: (0, i, 0))

    fc1 = pl.pallas_call(
        _fc1_body,
        grid=grid,
        in_specs=[rows, mat, vec, degp],
        out_specs=[rows, rows],
        out_shape=[
            jax.ShapeDtypeStruct((N, D), jnp.float32),
            jax.ShapeDtypeStruct((N, D), jnp.float32),
        ],
    )
    layer = pl.pallas_call(
        _layer_body,
        grid=grid,
        in_specs=[part, rows, degp, mat],
        out_specs=rows,
        out_shape=jax.ShapeDtypeStruct((N, D), jnp.float32),
    )
    final = pl.pallas_call(
        _final_body,
        grid=grid,
        in_specs=[
            part,
            rows,
            degp,
            mat,
            pl.BlockSpec((D, D_OUT), lambda i: (0, 0)),
            pl.BlockSpec((1, D_OUT), lambda i: (0, 0)),
        ],
        out_specs=pl.BlockSpec((R, D_OUT), _row_blk),
        out_shape=jax.ShapeDtypeStruct((N, D_OUT), jnp.float32),
    )
    return fc1, layer, final


def kernel(x, edge_index, W1, b1, conv_ws, W2, b2):
    N, D = x.shape
    E = edge_index.shape[1]
    D_OUT = W2.shape[1]
    nlayers = conv_ws.shape[0]

    nchunk = T0C
    c0 = NS * T0C * CH

    def split(arr, fill):
        a0 = arr[:c0].reshape(NS, T0C, CH)
        pad1 = NS * T1C * CH - (E - c0)
        a1 = jnp.concatenate(
            [arr[c0:], jnp.full((pad1,), fill, jnp.int32)]
        ).reshape(NS, T1C, CH)
        a1 = jnp.concatenate(
            [a1, jnp.full((NS, T0C - T1C, CH), fill, jnp.int32)], axis=1
        )
        return jnp.stack([a0, a1], axis=1).reshape(NW, T0C, CH)

    row3 = split(edge_index[0], 0)
    col3 = split(edge_index[1], N)

    deg_k = _make_deg_kernel(nchunk, N)
    agg_k = _make_agg_kernel(nchunk, N, D)
    fc1, layer, final = _make_tc_kernels(N, D, D_OUT, 2000)

    degp = deg_k(col3).reshape(NC, N).T
    h, g = fc1(x, W1, b1.reshape(1, D), degp)
    x0 = h
    for i in range(nlayers - 1):
        part = agg_k(g, row3, col3)
        g = layer(part, x0, degp, conv_ws[i])
    part = agg_k(g, row3, col3)
    return final(part, x0, degp, conv_ws[nlayers - 1], W2, b2.reshape(1, D_OUT))

# --- scband reference (transcript-rebuilt; emitter-appended) ---
"""Pipeline reference for scband-gcnconv-net-44152263803032 (READ-ONLY COPY).

The authoritative reference and input builder live on the scoring server;
editing this copy changes nothing except your own understanding.
"""

import jax, jax.numpy as jnp
import numpy as np

N = 10000
E = 320000
D_IN = 128
NHID = 128
D_OUT = 40
NLAYERS = 4
ALPHA = 0.1


def setup_inputs(seed: int = 0) -> dict:
    key = jax.random.key(seed)
    ks = jax.random.split(key, 6)
    x = jax.random.normal(ks[0], (N, D_IN), dtype=jnp.float32)
    edge_index = jax.random.randint(ks[1], (2, E), 0, N, dtype=jnp.int32)
    W1 = jax.random.normal(ks[2], (D_IN, NHID), dtype=jnp.float32) * (1.0 / np.sqrt(D_IN))
    b1 = jnp.zeros((NHID,), dtype=jnp.float32)
    conv_ws = jax.random.normal(ks[3], (NLAYERS, NHID, NHID), dtype=jnp.float32) * (1.0 / np.sqrt(NHID))
    W2 = jax.random.normal(ks[4], (NHID, D_OUT), dtype=jnp.float32) * (1.0 / np.sqrt(NHID))
    b2 = jnp.zeros((D_OUT,), dtype=jnp.float32)
    return {"x": x, "edge_index": edge_index, "W1": W1, "b1": b1, "conv_ws": conv_ws, "W2": W2, "b2": b2}


def reference(x, edge_index, W1, b1, conv_ws, W2, b2):
    # Eval mode: dropout layers are identity.
    row = edge_index[0]
    col = edge_index[1]
    # gcn_norm with add_self_loops=False (flow source_to_target: deg over dst)
    deg = jax.ops.segment_sum(jnp.ones((E,), dtype=jnp.float32), col, num_segments=N)
    dinv = jnp.where(deg > 0, 1.0 / jnp.sqrt(deg), 0.0)
    norm = dinv[row] * dinv[col]
    # fc1 + ReLU
    h = jax.nn.relu(x @ W1 + b1)
    x0 = h
    # GCN2Conv layers (shared_weights=True, theta/layer None -> beta=1.0 so out = h @ W)
    for i in range(NLAYERS):
        agg = jax.ops.segment_sum(norm[:, None] * h[row], col, num_segments=N)
        t = (1.0 - ALPHA) * agg + ALPHA * x0
        h = jax.nn.relu(t @ conv_ws[i])
    out = h @ W2 + b2
    return out

if __name__ == "__main__":
    import jax
    _d = setup_inputs()
    print(jax.jit(kernel)(*tuple(_d.values())))

</pallas_src>

<mosaic_0001>
#map = affine_map<(d0, d1) -> (0, 0)>
#map1 = affine_map<(d0, d1) -> (0, 0, 0)>
module attributes {stable_mosaic.version = 14 : i64} {
  func.func @agg_kernel(%arg0: i32, %arg1: i32, %arg2: memref<10000x128xf32, #tpu.memory_space<hbm>>, %arg3: memref<32x104x128xi32, #tpu.memory_space<hbm>>, %arg4: memref<32x104x128xi32, #tpu.memory_space<hbm>>, %arg5: memref<2x10000x128xf32, #tpu.memory_space<hbm>>, %arg6: memref<10016x128xf32, #tpu.memory_space<vmem_shared>>, %arg7: memref<104x128xi32, #tpu.memory_space<vmem>>, %arg8: memref<104x128xi32, #tpu.memory_space<vmem>>, %arg9: memref<128x128xf32, #tpu.memory_space<vmem>>, %arg10: memref<16x128xf32, #tpu.memory_space<vmem>>, %arg11: memref<!tpu.dma_semaphore, #tpu.memory_space<semaphore_mem>>) attributes {dimension_semantics = [#tpu.dimension_semantics<core_parallel>, #tpu.dimension_semantics<subcore_parallel>], iteration_bounds = array<i64: 2, 16>, scalar_prefetch = 0 : i64, scratch_operands = 6 : i64, tpu.core_type = #tpu.core_type<sc_vector_subcore>, window_params = [{transform_indices = #map}, {transform_indices = #map1}, {transform_indices = #map1}, {transform_indices = #map1}]} {
    %mul3A = arith.constant 2 : i32
    %mul3A_0 = arith.muli %arg1, %mul3A : i32
    %add3A = arith.addi %mul3A_0, %arg0 : i32
    %eq3A = arith.constant 0 : i32
    %eq3A_1 = arith.cmpi eq, %arg0, %eq3A : i32
    %jit3A = arith.constant 104 : i32
    %jit3A_2 = arith.constant 56 : i32
    %select_n3A = arith.select %eq3A_1, %jit3A, %jit3A_2 : i32
    "tpu.region"() ({
      %run_scoped3A = tpu.sem_alloc : memref<!tpu.dma_semaphore, #tpu.memory_space<semaphore_mem>>
      %dma_start3A = arith.constant 0 : i32
      %dma_start3A_58 = arith.constant 0 : i32
      %dma_start3A_59 = tpu.memref_slice %arg3[%add3A, %dma_start3A, %dma_start3A_58] : memref<32x104x128xi32, #tpu.memory_space<hbm>> -> memref<1x104x128xi32, #tpu.memory_space<hbm>>
      %dma_start3A_60 = tpu.memref_squeeze %dma_start3A_59 : memref<1x104x128xi32, #tpu.memory_space<hbm>> -> memref<104x128xi32, #tpu.memory_space<hbm>>
      %dma_start3A_61 = arith.constant 0 : i32
      %dma_start3A_62 = arith.constant 0 : i32
      %dma_start3A_63 = tpu.memref_slice %arg3[%add3A, %dma_start3A_61, %dma_start3A_62] : memref<32x104x128xi32, #tpu.memory_space<hbm>> -> memref<1x104x128xi32, #tpu.memory_space<hbm>>
      %dma_start3A_64 = tpu.memref_squeeze %dma_start3A_63 : memref<1x104x128xi32, #tpu.memory_space<hbm>> -> memref<104x128xi32, #tpu.memory_space<hbm>>
      tpu.enqueue_dma source(%dma_start3A_64 : memref<104x128xi32, #tpu.memory_space<hbm>>) target(%arg7 : memref<104x128xi32, #tpu.memory_space<vmem>>) target_semaphore(%run_scoped3A : memref<!tpu.dma_semaphore, #tpu.memory_space<semaphore_mem>>)
      %dma_wait3A = arith.constant 0 : i32
      %dma_wait3A_65 = arith.constant 0 : i32
      %dma_wait3A_66 = tpu.memref_slice %arg3[%add3A, %dma_wait3A, %dma_wait3A_65] : memref<32x104x128xi32, #tpu.memory_space<hbm>> -> memref<1x104x128xi32, #tpu.memory_space<hbm>>
      %dma_wait3A_67 = tpu.memref_squeeze %dma_wait3A_66 : memref<1x104x128xi32, #tpu.memory_space<hbm>> -> memref<104x128xi32, #tpu.memory_space<hbm>>
      %dma_wait3A_68 = arith.constant 0 : i32
      %dma_wait3A_69 = arith.constant 0 : i32
      %dma_wait3A_70 = tpu.memref_slice %arg3[%add3A, %dma_wait3A_68, %dma_wait3A_69] : memref<32x104x128xi32, #tpu.memory_space<hbm>> -> memref<1x104x128xi32, #tpu.memory_space<hbm>>
      %dma_wait3A_71 = tpu.memref_squeeze %dma_wait3A_70 : memref<1x104x128xi32, #tpu.memory_space<hbm>> -> memref<104x128xi32, #tpu.memory_space<hbm>>
      tpu.wait_dma2 semaphore(%run_scoped3A : memref<!tpu.dma_semaphore, #tpu.memory_space<semaphore_mem>>) src(%dma_wait3A_71 : memref<104x128xi32, #tpu.memory_space<hbm>>) dst(%arg7 : memref<104x128xi32, #tpu.memory_space<vmem>>)
      tpu.yield
    }) : () -> ()
    "tpu.region"() ({
      %run_scoped3A = tpu.sem_alloc : memref<!tpu.dma_semaphore, #tpu.memory_space<semaphore_mem>>
      %dma_start3A = arith.constant 0 : i32
      %dma_start3A_58 = arith.constant 0 : i32
      %dma_start3A_59 = tpu.memref_slice %arg4[%add3A, %dma_start3A, %dma_start3A_58] : memref<32x104x128xi32, #tpu.memory_space<hbm>> -> memref<1x104x128xi32, #tpu.memory_space<hbm>>
      %dma_start3A_60 = tpu.memref_squeeze %dma_start3A_59 : memref<1x104x128xi32, #tpu.memory_space<hbm>> -> memref<104x128xi32, #tpu.memory_space<hbm>>
      %dma_start3A_61 = arith.constant 0 : i32
      %dma_start3A_62 = arith.constant 0 : i32
      %dma_start3A_63 = tpu.memref_slice %arg4[%add3A, %dma_start3A_61, %dma_start3A_62] : memref<32x104x128xi32, #tpu.memory_space<hbm>> -> memref<1x104x128xi32, #tpu.memory_space<hbm>>
      %dma_start3A_64 = tpu.memref_squeeze %dma_start3A_63 : memref<1x104x128xi32, #tpu.memory_space<hbm>> -> memref<104x128xi32, #tpu.memory_space<hbm>>
      tpu.enqueue_dma source(%dma_start3A_64 : memref<104x128xi32, #tpu.memory_space<hbm>>) target(%arg8 : memref<104x128xi32, #tpu.memory_space<vmem>>) target_semaphore(%run_scoped3A : memref<!tpu.dma_semaphore, #tpu.memory_space<semaphore_mem>>)
      %dma_wait3A = arith.constant 0 : i32
      %dma_wait3A_65 = arith.constant 0 : i32
      %dma_wait3A_66 = tpu.memref_slice %arg4[%add3A, %dma_wait3A, %dma_wait3A_65] : memref<32x104x128xi32, #tpu.memory_space<hbm>> -> memref<1x104x128xi32, #tpu.memory_space<hbm>>
      %dma_wait3A_67 = tpu.memref_squeeze %dma_wait3A_66 : memref<1x104x128xi32, #tpu.memory_space<hbm>> -> memref<104x128xi32, #tpu.memory_space<hbm>>
      %dma_wait3A_68 = arith.constant 0 : i32
      %dma_wait3A_69 = arith.constant 0 : i32
      %dma_wait3A_70 = tpu.memref_slice %arg4[%add3A, %dma_wait3A_68, %dma_wait3A_69] : memref<32x104x128xi32, #tpu.memory_space<hbm>> -> memref<1x104x128xi32, #tpu.memory_space<hbm>>
      %dma_wait3A_71 = tpu.memref_squeeze %dma_wait3A_70 : memref<1x104x128xi32, #tpu.memory_space<hbm>> -> memref<104x128xi32, #tpu.memory_space<hbm>>
      tpu.wait_dma2 semaphore(%run_scoped3A : memref<!tpu.dma_semaphore, #tpu.memory_space<semaphore_mem>>) src(%dma_wait3A_71 : memref<104x128xi32, #tpu.memory_space<hbm>>) dst(%arg8 : memref<104x128xi32, #tpu.memory_space<vmem>>)
      tpu.yield
    }) : () -> ()
    %broadcast_in_dim3A = arith.constant 0.000000e+00 : f32
    %broadcast_in_dim3A_3 = vector.broadcast %broadcast_in_dim3A : f32 to vector<16xf32>
    %scan3A = arith.constant 0 : i32
    %scan3A_4 = arith.constant 0 : i32
    %scan3A_5 = arith.constant 128 : i32
    %scan3A_6 = arith.addi %scan3A_4, %scan3A_5 : i32
    %scan3A_7 = arith.constant 1 : i32
    %scan3A_8 = scf.for %scan3A_58 = %scan3A_4 to %scan3A_6 step %scan3A_7 iter_args(%scan3A_59 = %scan3A) -> (i32)  : i32 {
      %jit3A_60 = arith.constant 8 : i32
      %div3A = arith.divsi %scan3A_58, %jit3A_60 : i32
      %sign3A = arith.constant 0 : i32
      %sign3A_61 = arith.cmpi sgt, %scan3A_58, %sign3A : i32
      %sign3A_62 = arith.extui %sign3A_61 : i1 to i32
      %sign3A_63 = arith.constant 0 : i32
      %sign3A_64 = arith.cmpi slt, %scan3A_58, %sign3A_63 : i32
      %sign3A_65 = arith.extui %sign3A_64 : i1 to i32
      %sign3A_66 = arith.subi %sign3A_62, %sign3A_65 : i32
      %sign3A_67 = arith.constant 0 : i32
      %sign3A_68 = arith.cmpi sgt, %jit3A_60, %sign3A_67 : i32
      %sign3A_69 = arith.extui %sign3A_68 : i1 to i32
      %sign3A_70 = arith.constant 0 : i32
      %sign3A_71 = arith.cmpi slt, %jit3A_60, %sign3A_70 : i32
      %sign3A_72 = arith.extui %sign3A_71 : i1 to i32
      %sign3A_73 = arith.subi %sign3A_69, %sign3A_72 : i32
      %ne3A = arith.cmpi ne, %sign3A_66, %sign3A_73 : i32
      %rem3A = arith.remsi %scan3A_58, %jit3A_60 : i32
      %ne3A_74 = arith.constant 0 : i32
      %ne3A_75 = arith.cmpi ne, %rem3A, %ne3A_74 : i32
      %and3A = arith.andi %ne3A, %ne3A_75 : i1
      %sub3A = arith.constant 1 : i32
      %sub3A_76 = arith.subi %div3A, %sub3A : i32
      %select_n3A_77 = arith.select %and3A, %sub3A_76, %div3A : i32
      %jit3A_78 = arith.constant 8 : i32
      %eq3A_79 = arith.constant 0 : i32
      %eq3A_80 = arith.cmpi eq, %jit3A_78, %eq3A_79 : i32
      %jit3A_81 = arith.constant 1 : i32
      %select_n3A_82 = arith.select %eq3A_80, %jit3A_81, %jit3A_78 : i32
      %rem3A_83 = arith.remsi %scan3A_58, %select_n3A_82 : i32
      %ne3A_84 = arith.constant 0 : i32
      %ne3A_85 = arith.cmpi ne, %rem3A_83, %ne3A_84 : i32
      %lt3A = arith.constant 0 : i32
      %lt3A_86 = arith.cmpi slt, %rem3A_83, %lt3A : i32
      %lt3A_87 = arith.constant 0 : i32
      %lt3A_88 = arith.cmpi slt, %select_n3A_82, %lt3A_87 : i32
      %ne3A_89 = arith.xori %lt3A_86, %lt3A_88 : i1
      %and3A_90 = arith.andi %ne3A_89, %ne3A_85 : i1
      %add3A_91 = arith.addi %rem3A_83, %select_n3A_82 : i32
      %select_n3A_92 = arith.select %and3A_90, %add3A_91, %rem3A_83 : i32
      %mul3A_93 = arith.constant 16 : i32
      %mul3A_94 = arith.muli %select_n3A_92, %mul3A_93 : i32
      %swap3A = arith.index_cast %select_n3A_77 : i32 to index
      %swap3A_95 = arith.index_cast %mul3A_94 : i32 to index
      %swap3A_96 = tpu.vector_load %arg10[%swap3A, %swap3A_95] {strides = array<i32>} : memref<16x128xf32, #tpu.memory_space<vmem>>, vector<1x16xf32>,
      %swap3A_97 = vector.shape_cast %swap3A_96 : vector<1x16xf32> to vector<16xf32>
      %swap3A_98 = vector.shape_cast %broadcast_in_dim3A_3 : vector<16xf32> to vector<1x16xf32>
      tpu.vector_store %arg10[%swap3A, %swap3A_95], %swap3A_98 {strides = array<i32>} : memref<16x128xf32, #tpu.memory_space<vmem>>, vector<1x16xf32>,
      %scan3A_99 = arith.constant 0 : i32
      scf.yield %scan3A_99 : i32
    }
    %scan3A_9 = arith.constant 128 : i32
    %mul3A_10 = arith.constant 624 : i32
    %mul3A_11 = arith.muli %arg1, %mul3A_10 : i32
    %eq3A_12 = arith.constant 15 : i32
    %eq3A_13 = arith.cmpi eq, %arg1, %eq3A_12 : i32
    %jit3A_14 = arith.constant 41 : i32
    %jit3A_15 = arith.constant 39 : i32
    %select_n3A_16 = arith.select %eq3A_13, %jit3A_14, %jit3A_15 : i32
    %while3A = arith.constant 0 : i32
    %while3A_17 = arith.constant 0 : i32
    %while3A_18 = arith.subi %select_n3A_16, %while3A : i32
    %while3A_19 = arith.addi %while3A, %while3A_18 : i32
    %while3A_20 = arith.constant 1 : i32
    %while3A_21 = arith.divsi %while3A_18, %while3A_20 : i32
    %while3A_22 = arith.muli %while3A_21, %while3A_20 : i32
    %while3A_23 = arith.addi %while3A, %while3A_22 : i32
    %while3A_24 = arith.constant 1 : i32
    %while3A_25 = scf.for %while3A_58 = %while3A to %while3A_23 step %while3A_24 iter_args(%while3A_59 = %while3A_17) -> (i32)  : i32 {
      %mul3A_60 = arith.constant 16 : i32
      %mul3A_61 = arith.muli %while3A_58, %mul3A_60 : i32
      %add3A_62 = arith.addi %mul3A_11, %mul3A_61 : i32
      "tpu.region"() ({
        %run_scoped3A = tpu.sem_alloc : memref<!tpu.dma_semaphore, #tpu.memory_space<semaphore_mem>>
        %dma_start3A = arith.constant 0 : i32
        %dma_start3A_64 = tpu.memref_slice %arg6[%add3A_62, %dma_start3A] : memref<10016x128xf32, #tpu.memory_space<vmem_shared>> -> memref<16x128xf32, #tpu.memory_space<vmem_shared>>
        %dma_start3A_65 = arith.constant 0 : i32
        %dma_start3A_66 = tpu.memref_slice %arg6[%add3A_62, %dma_start3A_65] : memref<10016x128xf32, #tpu.memory_space<vmem_shared>> -> memref<16x128xf32, #tpu.memory_space<vmem_shared>>
        tpu.enqueue_dma source(%arg10 : memref<16x128xf32, #tpu.memory_space<vmem>>) target(%dma_start3A_66 : memref<16x128xf32, #tpu.memory_space<vmem_shared>>) target_semaphore(%run_scoped3A : memref<!tpu.dma_semaphore, #tpu.memory_space<semaphore_mem>>)
        %dma_wait3A = arith.constant 0 : i32
        %dma_wait3A_67 = tpu.memref_slice %arg6[%add3A_62, %dma_wait3A] : memref<10016x128xf32, #tpu.memory_space<vmem_shared>> -> memref<16x128xf32, #tpu.memory_space<vmem_shared>>
        %dma_wait3A_68 = arith.constant 0 : i32
        %dma_wait3A_69 = tpu.memref_slice %arg6[%add3A_62, %dma_wait3A_68] : memref<10016x128xf32, #tpu.memory_space<vmem_shared>> -> memref<16x128xf32, #tpu.memory_space<vmem_shared>>
        tpu.wait_dma2 semaphore(%run_scoped3A : memref<!tpu.dma_semaphore, #tpu.memory_space<semaphore_mem>>) src(%arg10 : memref<16x128xf32, #tpu.memory_space<vmem>>) dst(%dma_wait3A_69 : memref<16x128xf32, #tpu.memory_space<vmem_shared>>)
        tpu.yield
      }) : () -> ()
      %while3A_63 = arith.constant 0 : i32
      scf.yield %while3A_63 : i32
    }
    %while3A_26 = arith.constant 1 : i32
    %while3A_27 = scf.for %while3A_58 = %while3A_23 to %while3A_19 step %while3A_26 iter_args(%while3A_59 = %while3A_25) -> (i32)  : i32 {
      %mul3A_60 = arith.constant 16 : i32
      %mul3A_61 = arith.muli %while3A_58, %mul3A_60 : i32
      %add3A_62 = arith.addi %mul3A_11, %mul3A_61 : i32
      "tpu.region"() ({
        %run_scoped3A = tpu.sem_alloc : memref<!tpu.dma_semaphore, #tpu.memory_space<semaphore_mem>>
        %dma_start3A = arith.constant 0 : i32
        %dma_start3A_64 = tpu.memref_slice %arg6[%add3A_62, %dma_start3A] : memref<10016x128xf32, #tpu.memory_space<vmem_shared>> -> memref<16x128xf32, #tpu.memory_space<vmem_shared>>
        %dma_start3A_65 = arith.constant 0 : i32
        %dma_start3A_66 = tpu.memref_slice %arg6[%add3A_62, %dma_start3A_65] : memref<10016x128xf32, #tpu.memory_space<vmem_shared>> -> memref<16x128xf32, #tpu.memory_space<vmem_shared>>
        tpu.enqueue_dma source(%arg10 : memref<16x128xf32, #tpu.memory_space<vmem>>) target(%dma_start3A_66 : memref<16x128xf32, #tpu.memory_space<vmem_shared>>) target_semaphore(%run_scoped3A : memref<!tpu.dma_semaphore, #tpu.memory_space<semaphore_mem>>)
        %dma_wait3A = arith.constant 0 : i32
        %dma_wait3A_67 = tpu.memref_slice %arg6[%add3A_62, %dma_wait3A] : memref<10016x128xf32, #tpu.memory_space<vmem_shared>> -> memref<16x128xf32, #tpu.memory_space<vmem_shared>>
        %dma_wait3A_68 = arith.constant 0 : i32
        %dma_wait3A_69 = tpu.memref_slice %arg6[%add3A_62, %dma_wait3A_68] : memref<10016x128xf32, #tpu.memory_space<vmem_shared>> -> memref<16x128xf32, #tpu.memory_space<vmem_shared>>
        tpu.wait_dma2 semaphore(%run_scoped3A : memref<!tpu.dma_semaphore, #tpu.memory_space<semaphore_mem>>) src(%arg10 : memref<16x128xf32, #tpu.memory_space<vmem>>) dst(%dma_wait3A_69 : memref<16x128xf32, #tpu.memory_space<vmem_shared>>)
        tpu.yield
      }) : () -> ()
      %while3A_63 = arith.constant 0 : i32
      scf.yield %while3A_63 : i32
    }
    %barrier3A = arith.constant 0 : index
    tpu.barrier barrier_id(%barrier3A)
    %while3A_28 = arith.constant 0 : i32
    %while3A_29 = arith.constant 0 : i32
    %while3A_30 = arith.subi %select_n3A, %while3A_28 : i32
    %while3A_31 = arith.addi %while3A_28, %while3A_30 : i32
    %while3A_32 = arith.constant 1 : i32
    %while3A_33 = arith.divsi %while3A_30, %while3A_32 : i32
    %while3A_34 = arith.muli %while3A_33, %while3A_32 : i32
    %while3A_35 = arith.addi %while3A_28, %while3A_34 : i32
    %while3A_36 = arith.constant 1 : i32
    %while3A_37 = scf.for %while3A_58 = %while3A_28 to %while3A_35 step %while3A_36 iter_args(%while3A_59 = %while3A_29) -> (i32)  : i32 {
      %dma_start3A = arith.constant 0 : i32
      %dma_start3A_60 = tpu.memref_slice %arg7[%while3A_58, %dma_start3A] : memref<104x128xi32, #tpu.memory_space<vmem>> -> memref<1x128xi32, #tpu.memory_space<vmem>>
      %dma_start3A_61 = tpu.memref_squeeze %dma_start3A_60 : memref<1x128xi32, #tpu.memory_space<vmem>> -> memref<128xi32, #tpu.memory_space<vmem>>
      %dma_start3A_62 = arith.constant 0 : i32
      %dma_start3A_63 = arith.constant 0 : i32
      %dma_start3A_64 = tpu.memref_slice %arg2[%dma_start3A_62, %dma_start3A_63] : memref<10000x128xf32, #tpu.memory_space<hbm>> -> memref<10000x128xf32, #tpu.memory_space<hbm>>
      tpu.enqueue_indirect_dma source(%dma_start3A_64 : memref<10000x128xf32, #tpu.memory_space<hbm>>) target(%arg9 : memref<128x128xf32, #tpu.memory_space<vmem>>) offsets(%dma_start3A_61 : memref<128xi32, #tpu.memory_space<vmem>>) semaphore(%arg11 : memref<!tpu.dma_semaphore, #tpu.memory_space<semaphore_mem>>)
      %dma_wait3A = arith.constant 0 : i32
      %dma_wait3A_65 = tpu.memref_slice %arg7[%while3A_58, %dma_wait3A] : memref<104x128xi32, #tpu.memory_space<vmem>> -> memref<1x128xi32, #tpu.memory_space<vmem>>
      %dma_wait3A_66 = tpu.memref_squeeze %dma_wait3A_65 : memref<1x128xi32, #tpu.memory_space<vmem>> -> memref<128xi32, #tpu.memory_space<vmem>>
      %dma_wait3A_67 = arith.constant 0 : i32
      %dma_wait3A_68 = arith.constant 0 : i32
      %dma_wait3A_69 = tpu.memref_slice %arg2[%dma_wait3A_67, %dma_wait3A_68] : memref<10000x128xf32, #tpu.memory_space<hbm>> -> memref<10000x128xf32, #tpu.memory_space<hbm>>
      tpu.wait_indirect_dma semaphore(%arg11 : memref<!tpu.dma_semaphore, #tpu.memory_space<semaphore_mem>>) src(%dma_wait3A_69 : memref<10000x128xf32, #tpu.memory_space<hbm>>) dst(%arg9 : memref<128x128xf32, #tpu.memory_space<vmem>>)
      "tpu.region"() ({
        %run_scoped3A = tpu.sem_alloc : memref<!tpu.dma_semaphore, #tpu.memory_space<semaphore_mem>>
        %dma_start3A_71 = arith.constant 0 : i32
        %dma_start3A_72 = tpu.memref_slice %arg8[%while3A_58, %dma_start3A_71] : memref<104x128xi32, #tpu.memory_space<vmem>> -> memref<1x128xi32, #tpu.memory_space<vmem>>
        %dma_start3A_73 = tpu.memref_squeeze %dma_start3A_72 : memref<1x128xi32, #tpu.memory_space<vmem>> -> memref<128xi32, #tpu.memory_space<vmem>>
        %dma_start3A_74 = arith.constant 0 : i32
        %dma_start3A_75 = arith.constant 0 : i32
        %dma_start3A_76 = tpu.memref_slice %arg6[%dma_start3A_74, %dma_start3A_75] : memref<10016x128xf32, #tpu.memory_space<vmem_shared>> -> memref<10016x128xf32, #tpu.memory_space<vmem_shared>>
        tpu.enqueue_indirect_dma source(%arg9 : memref<128x128xf32, #tpu.memory_space<vmem>>) target(%dma_start3A_76 : memref<10016x128xf32, #tpu.memory_space<vmem_shared>>) offsets(%dma_start3A_73 : memref<128xi32, #tpu.memory_space<vmem>>) semaphore(%run_scoped3A : memref<!tpu.dma_semaphore, #tpu.memory_space<semaphore_mem>>) {add = true}
        %dma_wait3A_77 = arith.constant 0 : i32
        %dma_wait3A_78 = tpu.memref_slice %arg8[%while3A_58, %dma_wait3A_77] : memref<104x128xi32, #tpu.memory_space<vmem>> -> memref<1x128xi32, #tpu.memory_space<vmem>>
        %dma_wait3A_79 = tpu.memref_squeeze %dma_wait3A_78 : memref<1x128xi32, #tpu.memory_space<vmem>> -> memref<128xi32, #tpu.memory_space<vmem>>
        %dma_wait3A_80 = arith.constant 0 : i32
        %dma_wait3A_81 = arith.constant 0 : i32
        %dma_wait3A_82 = tpu.memref_slice %arg6[%dma_wait3A_80, %dma_wait3A_81] : memref<10016x128xf32, #tpu.memory_space<vmem_shared>> -> memref<10016x128xf32, #tpu.memory_space<vmem_shared>>
        tpu.wait_indirect_dma semaphore(%run_scoped3A : memref<!tpu.dma_semaphore, #tpu.memory_space<semaphore_mem>>) src(%arg9 : memref<128x128xf32, #tpu.memory_space<vmem>>) dst(%dma_wait3A_82 : memref<10016x128xf32, #tpu.memory_space<vmem_shared>>)
        tpu.yield
      }) : () -> ()
      %while3A_70 = arith.constant 0 : i32
      scf.yield %while3A_70 : i32
    }
    %while3A_38 = arith.constant 1 : i32
    %while3A_39 = scf.for %while3A_58 = %while3A_35 to %while3A_31 step %while3A_38 iter_args(%while3A_59 = %while3A_37) -> (i32)  : i32 {
      %dma_start3A = arith.constant 0 : i32
      %dma_start3A_60 = tpu.memref_slice %arg7[%while3A_58, %dma_start3A] : memref<104x128xi32, #tpu.memory_space<vmem>> -> memref<1x128xi32, #tpu.memory_space<vmem>>
      %dma_start3A_61 = tpu.memref_squeeze %dma_start3A_60 : memref<1x128xi32, #tpu.memory_space<vmem>> -> memref<128xi32, #tpu.memory_space<vmem>>
      %dma_start3A_62 = arith.constant 0 : i32
      %dma_start3A_63 = arith.constant 0 : i32
      %dma_start3A_64 = tpu.memref_slice %arg2[%dma_start3A_62, %dma_start3A_63] : memref<10000x128xf32, #tpu.memory_space<hbm>> -> memref<10000x128xf32, #tpu.memory_space<hbm>>
      tpu.enqueue_indirect_dma source(%dma_start3A_64 : memref<10000x128xf32, #tpu.memory_space<hbm>>) target(%arg9 : memref<128x128xf32, #tpu.memory_space<vmem>>) offsets(%dma_start3A_61 : memref<128xi32, #tpu.memory_space<vmem>>) semaphore(%arg11 : memref<!tpu.dma_semaphore, #tpu.memory_space<semaphore_mem>>)
      %dma_wait3A = arith.constant 0 : i32
      %dma_wait3A_65 = tpu.memref_slice %arg7[%while3A_58, %dma_wait3A] : memref<104x128xi32, #tpu.memory_space<vmem>> -> memref<1x128xi32, #tpu.memory_space<vmem>>
      %dma_wait3A_66 = tpu.memref_squeeze %dma_wait3A_65 : memref<1x128xi32, #tpu.memory_space<vmem>> -> memref<128xi32, #tpu.memory_space<vmem>>
      %dma_wait3A_67 = arith.constant 0 : i32
      %dma_wait3A_68 = arith.constant 0 : i32
      %dma_wait3A_69 = tpu.memref_slice %arg2[%dma_wait3A_67, %dma_wait3A_68] : memref<10000x128xf32, #tpu.memory_space<hbm>> -> memref<10000x128xf32, #tpu.memory_space<hbm>>
      tpu.wait_indirect_dma semaphore(%arg11 : memref<!tpu.dma_semaphore, #tpu.memory_space<semaphore_mem>>) src(%dma_wait3A_69 : memref<10000x128xf32, #tpu.memory_space<hbm>>) dst(%arg9 : memref<128x128xf32, #tpu.memory_space<vmem>>)
      "tpu.region"() ({
        %run_scoped3A = tpu.sem_alloc : memref<!tpu.dma_semaphore, #tpu.memory_space<semaphore_mem>>
        %dma_start3A_71 = arith.constant 0 : i32
        %dma_start3A_72 = tpu.memref_slice %arg8[%while3A_58, %dma_start3A_71] : memref<104x128xi32, #tpu.memory_space<vmem>> -> memref<1x128xi32, #tpu.memory_space<vmem>>
        %dma_start3A_73 = tpu.memref_squeeze %dma_start3A_72 : memref<1x128xi32, #tpu.memory_space<vmem>> -> memref<128xi32, #tpu.memory_space<vmem>>
        %dma_start3A_74 = arith.constant 0 : i32
        %dma_start3A_75 = arith.constant 0 : i32
        %dma_start3A_76 = tpu.memref_slice %arg6[%dma_start3A_74, %dma_start3A_75] : memref<10016x128xf32, #tpu.memory_space<vmem_shared>> -> memref<10016x128xf32, #tpu.memory_space<vmem_shared>>
        tpu.enqueue_indirect_dma source(%arg9 : memref<128x128xf32, #tpu.memory_space<vmem>>) target(%dma_start3A_76 : memref<10016x128xf32, #tpu.memory_space<vmem_shared>>) offsets(%dma_start3A_73 : memref<128xi32, #tpu.memory_space<vmem>>) semaphore(%run_scoped3A : memref<!tpu.dma_semaphore, #tpu.memory_space<semaphore_mem>>) {add = true}
        %dma_wait3A_77 = arith.constant 0 : i32
        %dma_wait3A_78 = tpu.memref_slice %arg8[%while3A_58, %dma_wait3A_77] : memref<104x128xi32, #tpu.memory_space<vmem>> -> memref<1x128xi32, #tpu.memory_space<vmem>>
        %dma_wait3A_79 = tpu.memref_squeeze %dma_wait3A_78 : memref<1x128xi32, #tpu.memory_space<vmem>> -> memref<128xi32, #tpu.memory_space<vmem>>
        %dma_wait3A_80 = arith.constant 0 : i32
        %dma_wait3A_81 = arith.constant 0 : i32
        %dma_wait3A_82 = tpu.memref_slice %arg6[%dma_wait3A_80, %dma_wait3A_81] : memref<10016x128xf32, #tpu.memory_space<vmem_shared>> -> memref<10016x128xf32, #tpu.memory_space<vmem_shared>>
        tpu.wait_indirect_dma semaphore(%run_scoped3A : memref<!tpu.dma_semaphore, #tpu.memory_space<semaphore_mem>>) src(%arg9 : memref<128x128xf32, #tpu.memory_space<vmem>>) dst(%dma_wait3A_82 : memref<10016x128xf32, #tpu.memory_space<vmem_shared>>)
        tpu.yield
      }) : () -> ()
      %while3A_70 = arith.constant 0 : i32
      scf.yield %while3A_70 : i32
    }
    %barrier3A_40 = arith.constant 0 : index
    tpu.barrier barrier_id(%barrier3A_40)
    %eq3A_41 = arith.constant 15 : i32
    %eq3A_42 = arith.cmpi eq, %arg1, %eq3A_41 : i32
    %jit3A_43 = arith.constant 40 : i32
    %jit3A_44 = arith.constant 39 : i32
    %select_n3A_45 = arith.select %eq3A_42, %jit3A_43, %jit3A_44 : i32
    %while3A_46 = arith.constant 0 : i32
    %while3A_47 = arith.constant 0 : i32
    %while3A_48 = arith.subi %select_n3A_45, %while3A_46 : i32
    %while3A_49 = arith.addi %while3A_46, %while3A_48 : i32
    %while3A_50 = arith.constant 1 : i32
    %while3A_51 = arith.divsi %while3A_48, %while3A_50 : i32
    %while3A_52 = arith.muli %while3A_51, %while3A_50 : i32
    %while3A_53 = arith.addi %while3A_46, %while3A_52 : i32
    %while3A_54 = arith.constant 1 : i32
    %while3A_55 = scf.for %while3A_58 = %while3A_46 to %while3A_53 step %while3A_54 iter_args(%while3A_59 = %while3A_47) -> (i32)  : i32 {
      %mul3A_60 = arith.constant 16 : i32
      %mul3A_61 = arith.muli %while3A_58, %mul3A_60 : i32
      %add3A_62 = arith.addi %mul3A_11, %mul3A_61 : i32
      "tpu.region"() ({
        %run_scoped3A = tpu.sem_alloc : memref<!tpu.dma_semaphore, #tpu.memory_space<semaphore_mem>>
        %dma_start3A = arith.constant 0 : i32
        %dma_start3A_64 = tpu.memref_slice %arg6[%add3A_62, %dma_start3A] : memref<10016x128xf32, #tpu.memory_space<vmem_shared>> -> memref<16x128xf32, #tpu.memory_space<vmem_shared>>
        %dma_start3A_65 = arith.constant 0 : i32
        %dma_start3A_66 = tpu.memref_slice %arg6[%add3A_62, %dma_start3A_65] : memref<10016x128xf32, #tpu.memory_space<vmem_shared>> -> memref<16x128xf32, #tpu.memory_space<vmem_shared>>
        tpu.enqueue_dma source(%dma_start3A_66 : memref<16x128xf32, #tpu.memory_space<vmem_shared>>) target(%arg10 : memref<16x128xf32, #tpu.memory_space<vmem>>) target_semaphore(%run_scoped3A : memref<!tpu.dma_semaphore, #tpu.memory_space<semaphore_mem>>)
        %dma_wait3A = arith.constant 0 : i32
        %dma_wait3A_67 = tpu.memref_slice %arg6[%add3A_62, %dma_wait3A] : memref<10016x128xf32, #tpu.memory_space<vmem_shared>> -> memref<16x128xf32, #tpu.memory_space<vmem_shared>>
        %dma_wait3A_68 = arith.constant 0 : i32
        %dma_wait3A_69 = tpu.memref_slice %arg6[%add3A_62, %dma_wait3A_68] : memref<10016x128xf32, #tpu.memory_space<vmem_shared>> -> memref<16x128xf32, #tpu.memory_space<vmem_shared>>
        tpu.wait_dma2 semaphore(%run_scoped3A : memref<!tpu.dma_semaphore, #tpu.memory_space<semaphore_mem>>) src(%dma_wait3A_69 : memref<16x128xf32, #tpu.memory_space<vmem_shared>>) dst(%arg10 : memref<16x128xf32, #tpu.memory_space<vmem>>)
        tpu.yield
      }) : () -> ()
      "tpu.region"() ({
        %run_scoped3A = tpu.sem_alloc : memref<!tpu.dma_semaphore, #tpu.memory_space<semaphore_mem>>
        %dma_start3A = arith.constant 0 : i32
        %dma_start3A_64 = tpu.memref_slice %arg5[%arg0, %add3A_62, %dma_start3A] : memref<2x10000x128xf32, #tpu.memory_space<hbm>> -> memref<1x16x128xf32, #tpu.memory_space<hbm>>
        %dma_start3A_65 = tpu.memref_squeeze %dma_start3A_64 : memref<1x16x128xf32, #tpu.memory_space<hbm>> -> memref<16x128xf32, #tpu.memory_space<hbm>>
        %dma_start3A_66 = arith.constant 0 : i32
        %dma_start3A_67 = tpu.memref_slice %arg5[%arg0, %add3A_62, %dma_start3A_66] : memref<2x10000x128xf32, #tpu.memory_space<hbm>> -> memref<1x16x128xf32, #tpu.memory_space<hbm>>
        %dma_start3A_68 = tpu.memref_squeeze %dma_start3A_67 : memref<1x16x128xf32, #tpu.memory_space<hbm>> -> memref<16x128xf32, #tpu.memory_space<hbm>>
        tpu.enqueue_dma source(%arg10 : memref<16x128xf32, #tpu.memory_space<vmem>>) target(%dma_start3A_68 : memref<16x128xf32, #tpu.memory_space<hbm>>) target_semaphore(%run_scoped3A : memref<!tpu.dma_semaphore, #tpu.memory_space<semaphore_mem>>)
        %dma_wait3A = arith.constant 0 : i32
        %dma_wait3A_69 = tpu.memref_slice %arg5[%arg0, %add3A_62, %dma_wait3A] : memref<2x10000x128xf32, #tpu.memory_space<hbm>> -> memref<1x16x128xf32, #tpu.memory_space<hbm>>
        %dma_wait3A_70 = tpu.memref_squeeze %dma_wait3A_69 : memref<1x16x128xf32, #tpu.memory_space<hbm>> -> memref<16x128xf32, #tpu.memory_space<hbm>>
        %dma_wait3A_71 = arith.constant 0 : i32
        %dma_wait3A_72 = tpu.memref_slice %arg5[%arg0, %add3A_62, %dma_wait3A_71] : memref<2x10000x128xf32, #tpu.memory_space<hbm>> -> memref<1x16x128xf32, #tpu.memory_space<hbm>>
        %dma_wait3A_73 = tpu.memref_squeeze %dma_wait3A_72 : memref<1x16x128xf32, #tpu.memory_space<hbm>> -> memref<16x128xf32, #tpu.memory_space<hbm>>
        tpu.wait_dma2 semaphore(%run_scoped3A : memref<!tpu.dma_semaphore, #tpu.memory_space<semaphore_mem>>) src(%arg10 : memref<16x128xf32, #tpu.memory_space<vmem>>) dst(%dma_wait3A_73 : memref<16x128xf32, #tpu.memory_space<hbm>>)
        tpu.yield
      }) : () -> ()
      %while3A_63 = arith.constant 0 : i32
      scf.yield %while3A_63 : i32
    }
    %while3A_56 = arith.constant 1 : i32
    %while3A_57 = scf.for %while3A_58 = %while3A_53 to %while3A_49 step %while3A_56 iter_args(%while3A_59 = %while3A_55) -> (i32)  : i32 {
      %mul3A_60 = arith.constant 16 : i32
      %mul3A_61 = arith.muli %while3A_58, %mul3A_60 : i32
      %add3A_62 = arith.addi %mul3A_11, %mul3A_61 : i32
      "tpu.region"() ({
        %run_scoped3A = tpu.sem_alloc : memref<!tpu.dma_semaphore, #tpu.memory_space<semaphore_mem>>
        %dma_start3A = arith.constant 0 : i32
        %dma_start3A_64 = tpu.memref_slice %arg6[%add3A_62, %dma_start3A] : memref<10016x128xf32, #tpu.memory_space<vmem_shared>> -> memref<16x128xf32, #tpu.memory_space<vmem_shared>>
        %dma_start3A_65 = arith.constant 0 : i32
        %dma_start3A_66 = tpu.memref_slice %arg6[%add3A_62, %dma_start3A_65] : memref<10016x128xf32, #tpu.memory_space<vmem_shared>> -> memref<16x128xf32, #tpu.memory_space<vmem_shared>>
        tpu.enqueue_dma source(%dma_start3A_66 : memref<16x128xf32, #tpu.memory_space<vmem_shared>>) target(%arg10 : memref<16x128xf32, #tpu.memory_space<vmem>>) target_semaphore(%run_scoped3A : memref<!tpu.dma_semaphore, #tpu.memory_space<semaphore_mem>>)
        %dma_wait3A = arith.constant 0 : i32
        %dma_wait3A_67 = tpu.memref_slice %arg6[%add3A_62, %dma_wait3A] : memref<10016x128xf32, #tpu.memory_space<vmem_shared>> -> memref<16x128xf32, #tpu.memory_space<vmem_shared>>
        %dma_wait3A_68 = arith.constant 0 : i32
        %dma_wait3A_69 = tpu.memref_slice %arg6[%add3A_62, %dma_wait3A_68] : memref<10016x128xf32, #tpu.memory_space<vmem_shared>> -> memref<16x128xf32, #tpu.memory_space<vmem_shared>>
        tpu.wait_dma2 semaphore(%run_scoped3A : memref<!tpu.dma_semaphore, #tpu.memory_space<semaphore_mem>>) src(%dma_wait3A_69 : memref<16x128xf32, #tpu.memory_space<vmem_shared>>) dst(%arg10 : memref<16x128xf32, #tpu.memory_space<vmem>>)
        tpu.yield
      }) : () -> ()
      "tpu.region"() ({
        %run_scoped3A = tpu.sem_alloc : memref<!tpu.dma_semaphore, #tpu.memory_space<semaphore_mem>>
        %dma_start3A = arith.constant 0 : i32
        %dma_start3A_64 = tpu.memref_slice %arg5[%arg0, %add3A_62, %dma_start3A] : memref<2x10000x128xf32, #tpu.memory_space<hbm>> -> memref<1x16x128xf32, #tpu.memory_space<hbm>>
        %dma_start3A_65 = tpu.memref_squeeze %dma_start3A_64 : memref<1x16x128xf32, #tpu.memory_space<hbm>> -> memref<16x128xf32, #tpu.memory_space<hbm>>
        %dma_start3A_66 = arith.constant 0 : i32
        %dma_start3A_67 = tpu.memref_slice %arg5[%arg0, %add3A_62, %dma_start3A_66] : memref<2x10000x128xf32, #tpu.memory_space<hbm>> -> memref<1x16x128xf32, #tpu.memory_space<hbm>>
        %dma_start3A_68 = tpu.memref_squeeze %dma_start3A_67 : memref<1x16x128xf32, #tpu.memory_space<hbm>> -> memref<16x128xf32, #tpu.memory_space<hbm>>
        tpu.enqueue_dma source(%arg10 : memref<16x128xf32, #tpu.memory_space<vmem>>) target(%dma_start3A_68 : memref<16x128xf32, #tpu.memory_space<hbm>>) target_semaphore(%run_scoped3A : memref<!tpu.dma_semaphore, #tpu.memory_space<semaphore_mem>>)
        %dma_wait3A = arith.constant 0 : i32
        %dma_wait3A_69 = tpu.memref_slice %arg5[%arg0, %add3A_62, %dma_wait3A] : memref<2x10000x128xf32, #tpu.memory_space<hbm>> -> memref<1x16x128xf32, #tpu.memory_space<hbm>>
        %dma_wait3A_70 = tpu.memref_squeeze %dma_wait3A_69 : memref<1x16x128xf32, #tpu.memory_space<hbm>> -> memref<16x128xf32, #tpu.memory_space<hbm>>
        %dma_wait3A_71 = arith.constant 0 : i32
        %dma_wait3A_72 = tpu.memref_slice %arg5[%arg0, %add3A_62, %dma_wait3A_71] : memref<2x10000x128xf32, #tpu.memory_space<hbm>> -> memref<1x16x128xf32, #tpu.memory_space<hbm>>
        %dma_wait3A_73 = tpu.memref_squeeze %dma_wait3A_72 : memref<1x16x128xf32, #tpu.memory_space<hbm>> -> memref<16x128xf32, #tpu.memory_space<hbm>>
        tpu.wait_dma2 semaphore(%run_scoped3A : memref<!tpu.dma_semaphore, #tpu.memory_space<semaphore_mem>>) src(%arg10 : memref<16x128xf32, #tpu.memory_space<vmem>>) dst(%dma_wait3A_73 : memref<16x128xf32, #tpu.memory_space<hbm>>)
        tpu.yield
      }) : () -> ()
      %while3A_63 = arith.constant 0 : i32
      scf.yield %while3A_63 : i32
    }
    return
  }
}

#map = affine_map<(d0, d1) -> (0, 0)>
#map1 = affine_map<(d0, d1) -> (0, 0, 0)>
module attributes {stable_mosaic.version = 14 : i64} {
  func.func @agg_kernel(%arg0: i32, %arg1: i32, %arg2: memref<10000x128xf32, #tpu.memory_space<hbm>>, %arg3: memref<32x104x128xi32, #tpu.memory_space<hbm>>, %arg4: memref<32x104x128xi32, #tpu.memory_space<hbm>>, %arg5: memref<2x10000x128xf32, #tpu.memory_space<hbm>>, %arg6: memref<10016x128xf32, #tpu.memory_space<vmem_shared>>, %arg7: memref<104x128xi32, #tpu.memory_space<vmem>>, %arg8: memref<104x128xi32, #tpu.memory_space<vmem>>, %arg9: memref<128x128xf32, #tpu.memory_space<vmem>>, %arg10: memref<16x128xf32, #tpu.memory_space<vmem>>, %arg11: memref<!tpu.dma_semaphore, #tpu.memory_space<semaphore_mem>>) attributes {dimension_semantics = [#tpu.dimension_semantics<core_parallel>, #tpu.dimension_semantics<subcore_parallel>], iteration_bounds = array<i64: 2, 16>, scalar_prefetch = 0 : i64, scratch_operands = 6 : i64, tpu.core_type = #tpu.core_type<sc_vector_subcore>, window_params = [{transform_indices = #map}, {transform_indices = #map1}, {transform_indices = #map1}, {transform_indices = #map1}]} {
    %mul3A = arith.constant 2 : i32
    %mul3A_0 = arith.muli %arg1, %mul3A : i32
    %add3A = arith.addi %mul3A_0, %arg0 : i32
    %eq3A = arith.constant 0 : i32
    %eq3A_1 = arith.cmpi eq, %arg0, %eq3A : i32
    %jit3A = arith.constant 104 : i32
    %jit3A_2 = arith.constant 56 : i32
    %select_n3A = arith.select %eq3A_1, %jit3A, %jit3A_2 : i32
    "tpu.region"() ({
      %run_scoped3A = tpu.sem_alloc : memref<!tpu.dma_semaphore, #tpu.memory_space<semaphore_mem>>
      %dma_start3A = arith.constant 0 : i32
      %dma_start3A_58 = arith.constant 0 : i32
      %dma_start3A_59 = tpu.memref_slice %arg3[%add3A, %dma_start3A, %dma_start3A_58] : memref<32x104x128xi32, #tpu.memory_space<hbm>> -> memref<1x104x128xi32, #tpu.memory_space<hbm>>
      %dma_start3A_60 = tpu.memref_squeeze %dma_start3A_59 : memref<1x104x128xi32, #tpu.memory_space<hbm>> -> memref<104x128xi32, #tpu.memory_space<hbm>>
      %dma_start3A_61 = arith.constant 0 : i32
      %dma_start3A_62 = arith.constant 0 : i32
      %dma_start3A_63 = tpu.memref_slice %arg3[%add3A, %dma_start3A_61, %dma_start3A_62] : memref<32x104x128xi32, #tpu.memory_space<hbm>> -> memref<1x104x128xi32, #tpu.memory_space<hbm>>
      %dma_start3A_64 = tpu.memref_squeeze %dma_start3A_63 : memref<1x104x128xi32, #tpu.memory_space<hbm>> -> memref<104x128xi32, #tpu.memory_space<hbm>>
      tpu.enqueue_dma source(%dma_start3A_64 : memref<104x128xi32, #tpu.memory_space<hbm>>) target(%arg7 : memref<104x128xi32, #tpu.memory_space<vmem>>) target_semaphore(%run_scoped3A : memref<!tpu.dma_semaphore, #tpu.memory_space<semaphore_mem>>)
      %dma_wait3A = arith.constant 0 : i32
      %dma_wait3A_65 = arith.constant 0 : i32
      %dma_wait3A_66 = tpu.memref_slice %arg3[%add3A, %dma_wait3A, %dma_wait3A_65] : memref<32x104x128xi32, #tpu.memory_space<hbm>> -> memref<1x104x128xi32, #tpu.memory_space<hbm>>
      %dma_wait3A_67 = tpu.memref_squeeze %dma_wait3A_66 : memref<1x104x128xi32, #tpu.memory_space<hbm>> -> memref<104x128xi32, #tpu.memory_space<hbm>>
      %dma_wait3A_68 = arith.constant 0 : i32
      %dma_wait3A_69 = arith.constant 0 : i32
      %dma_wait3A_70 = tpu.memref_slice %arg3[%add3A, %dma_wait3A_68, %dma_wait3A_69] : memref<32x104x128xi32, #tpu.memory_space<hbm>> -> memref<1x104x128xi32, #tpu.memory_space<hbm>>
      %dma_wait3A_71 = tpu.memref_squeeze %dma_wait3A_70 : memref<1x104x128xi32, #tpu.memory_space<hbm>> -> memref<104x128xi32, #tpu.memory_space<hbm>>
      tpu.wait_dma2 semaphore(%run_scoped3A : memref<!tpu.dma_semaphore, #tpu.memory_space<semaphore_mem>>) src(%dma_wait3A_71 : memref<104x128xi32, #tpu.memory_space<hbm>>) dst(%arg7 : memref<104x128xi32, #tpu.memory_space<vmem>>)
      tpu.yield
    }) : () -> ()
    "tpu.region"() ({
      %run_scoped3A = tpu.sem_alloc : memref<!tpu.dma_semaphore, #tpu.memory_space<semaphore_mem>>
      %dma_start3A = arith.constant 0 : i32
      %dma_start3A_58 = arith.constant 0 : i32
      %dma_start3A_59 = tpu.memref_slice %arg4[%add3A, %dma_start3A, %dma_start3A_58] : memref<32x104x128xi32, #tpu.memory_space<hbm>> -> memref<1x104x128xi32, #tpu.memory_space<hbm>>
      %dma_start3A_60 = tpu.memref_squeeze %dma_start3A_59 : memref<1x104x128xi32, #tpu.memory_space<hbm>> -> memref<104x128xi32, #tpu.memory_space<hbm>>
      %dma_start3A_61 = arith.constant 0 : i32
      %dma_start3A_62 = arith.constant 0 : i32
      %dma_start3A_63 = tpu.memref_slice %arg4[%add3A, %dma_start3A_61, %dma_start3A_62] : memref<32x104x128xi32, #tpu.memory_space<hbm>> -> memref<1x104x128xi32, #tpu.memory_space<hbm>>
      %dma_start3A_64 = tpu.memref_squeeze %dma_start3A_63 : memref<1x104x128xi32, #tpu.memory_space<hbm>> -> memref<104x128xi32, #tpu.memory_space<hbm>>
      tpu.enqueue_dma source(%dma_start3A_64 : memref<104x128xi32, #tpu.memory_space<hbm>>) target(%arg8 : memref<104x128xi32, #tpu.memory_space<vmem>>) target_semaphore(%run_scoped3A : memref<!tpu.dma_semaphore, #tpu.memory_space<semaphore_mem>>)
      %dma_wait3A = arith.constant 0 : i32
      %dma_wait3A_65 = arith.constant 0 : i32
      %dma_wait3A_66 = tpu.memref_slice %arg4[%add3A, %dma_wait3A, %dma_wait3A_65] : memref<32x104x128xi32, #tpu.memory_space<hbm>> -> memref<1x104x128xi32, #tpu.memory_space<hbm>>
      %dma_wait3A_67 = tpu.memref_squeeze %dma_wait3A_66 : memref<1x104x128xi32, #tpu.memory_space<hbm>> -> memref<104x128xi32, #tpu.memory_space<hbm>>
      %dma_wait3A_68 = arith.constant 0 : i32
      %dma_wait3A_69 = arith.constant 0 : i32
      %dma_wait3A_70 = tpu.memref_slice %arg4[%add3A, %dma_wait3A_68, %dma_wait3A_69] : memref<32x104x128xi32, #tpu.memory_space<hbm>> -> memref<1x104x128xi32, #tpu.memory_space<hbm>>
      %dma_wait3A_71 = tpu.memref_squeeze %dma_wait3A_70 : memref<1x104x128xi32, #tpu.memory_space<hbm>> -> memref<104x128xi32, #tpu.memory_space<hbm>>
      tpu.wait_dma2 semaphore(%run_scoped3A : memref<!tpu.dma_semaphore, #tpu.memory_space<semaphore_mem>>) src(%dma_wait3A_71 : memref<104x128xi32, #tpu.memory_space<hbm>>) dst(%arg8 : memref<104x128xi32, #tpu.memory_space<vmem>>)
      tpu.yield
    }) : () -> ()
    %broadcast_in_dim3A = arith.constant 0.000000e+00 : f32
    %broadcast_in_dim3A_3 = vector.broadcast %broadcast_in_dim3A : f32 to vector<16xf32>
    %scan3A = arith.constant 0 : i32
    %scan3A_4 = arith.constant 0 : i32
    %scan3A_5 = arith.constant 128 : i32
    %scan3A_6 = arith.addi %scan3A_4, %scan3A_5 : i32
    %scan3A_7 = arith.constant 1 : i32
    %scan3A_8 = scf.for %scan3A_58 = %scan3A_4 to %scan3A_6 step %scan3A_7 iter_args(%scan3A_59 = %scan3A) -> (i32)  : i32 {
      %jit3A_60 = arith.constant 8 : i32
      %div3A = arith.divsi %scan3A_58, %jit3A_60 : i32
      %sign3A = arith.constant 0 : i32
      %sign3A_61 = arith.cmpi sgt, %scan3A_58, %sign3A : i32
      %sign3A_62 = arith.extui %sign3A_61 : i1 to i32
      %sign3A_63 = arith.constant 0 : i32
      %sign3A_64 = arith.cmpi slt, %scan3A_58, %sign3A_63 : i32
      %sign3A_65 = arith.extui %sign3A_64 : i1 to i32
      %sign3A_66 = arith.subi %sign3A_62, %sign3A_65 : i32
      %sign3A_67 = arith.constant 0 : i32
      %sign3A_68 = arith.cmpi sgt, %jit3A_60, %sign3A_67 : i32
      %sign3A_69 = arith.extui %sign3A_68 : i1 to i32
      %sign3A_70 = arith.constant 0 : i32
      %sign3A_71 = arith.cmpi slt, %jit3A_60, %sign3A_70 : i32
      %sign3A_72 = arith.extui %sign3A_71 : i1 to i32
      %sign3A_73 = arith.subi %sign3A_69, %sign3A_72 : i32
      %ne3A = arith.cmpi ne, %sign3A_66, %sign3A_73 : i32
      %rem3A = arith.remsi %scan3A_58, %jit3A_60 : i32
      %ne3A_74 = arith.constant 0 : i32
      %ne3A_75 = arith.cmpi ne, %rem3A, %ne3A_74 : i32
      %and3A = arith.andi %ne3A, %ne3A_75 : i1
      %sub3A = arith.constant 1 : i32
      %sub3A_76 = arith.subi %div3A, %sub3A : i32
      %select_n3A_77 = arith.select %and3A, %sub3A_76, %div3A : i32
      %jit3A_78 = arith.constant 8 : i32
      %eq3A_79 = arith.constant 0 : i32
      %eq3A_80 = arith.cmpi eq, %jit3A_78, %eq3A_79 : i32
      %jit3A_81 = arith.constant 1 : i32
      %select_n3A_82 = arith.select %eq3A_80, %jit3A_81, %jit3A_78 : i32
      %rem3A_83 = arith.remsi %scan3A_58, %select_n3A_82 : i32
      %ne3A_84 = arith.constant 0 : i32
      %ne3A_85 = arith.cmpi ne, %rem3A_83, %ne3A_84 : i32
      %lt3A = arith.constant 0 : i32
      %lt3A_86 = arith.cmpi slt, %rem3A_83, %lt3A : i32
      %lt3A_87 = arith.constant 0 : i32
      %lt3A_88 = arith.cmpi slt, %select_n3A_82, %lt3A_87 : i32
      %ne3A_89 = arith.xori %lt3A_86, %lt3A_88 : i1
      %and3A_90 = arith.andi %ne3A_89, %ne3A_85 : i1
      %add3A_91 = arith.addi %rem3A_83, %select_n3A_82 : i32
      %select_n3A_92 = arith.select %and3A_90, %add3A_91, %rem3A_83 : i32
      %mul3A_93 = arith.constant 16 : i32
      %mul3A_94 = arith.muli %select_n3A_92, %mul3A_93 : i32
      %swap3A = arith.index_cast %select_n3A_77 : i32 to index
      %swap3A_95 = arith.index_cast %mul3A_94 : i32 to index
      %swap3A_96 = tpu.vector_load %arg10[%swap3A, %swap3A_95] {strides = array<i32>} : memref<16x128xf32, #tpu.memory_space<vmem>>, vector<1x16xf32>,
      %swap3A_97 = vector.shape_cast %swap3A_96 : vector<1x16xf32> to vector<16xf32>
      %swap3A_98 = vector.shape_cast %broadcast_in_dim3A_3 : vector<16xf32> to vector<1x16xf32>
      tpu.vector_store %arg10[%swap3A, %swap3A_95], %swap3A_98 {strides = array<i32>} : memref<16x128xf32, #tpu.memory_space<vmem>>, vector<1x16xf32>,
      %scan3A_99 = arith.constant 0 : i32
      scf.yield %scan3A_99 : i32
    }
    %scan3A_9 = arith.constant 128 : i32
    %mul3A_10 = arith.constant 624 : i32
    %mul3A_11 = arith.muli %arg1, %mul3A_10 : i32
    %eq3A_12 = arith.constant 15 : i32
    %eq3A_13 = arith.cmpi eq, %arg1, %eq3A_12 : i32
    %jit3A_14 = arith.constant 41 : i32
    %jit3A_15 = arith.constant 39 : i32
    %select_n3A_16 = arith.select %eq3A_13, %jit3A_14, %jit3A_15 : i32
    %while3A = arith.constant 0 : i32
    %while3A_17 = arith.constant 0 : i32
    %while3A_18 = arith.subi %select_n3A_16, %while3A : i32
    %while3A_19 = arith.addi %while3A, %while3A_18 : i32
    %while3A_20 = arith.constant 1 : i32
    %while3A_21 = arith.divsi %while3A_18, %while3A_20 : i32
    %while3A_22 = arith.muli %while3A_21, %while3A_20 : i32
    %while3A_23 = arith.addi %while3A, %while3A_22 : i32
    %while3A_24 = arith.constant 1 : i32
    %while3A_25 = scf.for %while3A_58 = %while3A to %while3A_23 step %while3A_24 iter_args(%while3A_59 = %while3A_17) -> (i32)  : i32 {
      %mul3A_60 = arith.constant 16 : i32
      %mul3A_61 = arith.muli %while3A_58, %mul3A_60 : i32
      %add3A_62 = arith.addi %mul3A_11, %mul3A_61 : i32
      "tpu.region"() ({
        %run_scoped3A = tpu.sem_alloc : memref<!tpu.dma_semaphore, #tpu.memory_space<semaphore_mem>>
        %dma_start3A = arith.constant 0 : i32
        %dma_start3A_64 = tpu.memref_slice %arg6[%add3A_62, %dma_start3A] : memref<10016x128xf32, #tpu.memory_space<vmem_shared>> -> memref<16x128xf32, #tpu.memory_space<vmem_shared>>
        %dma_start3A_65 = arith.constant 0 : i32
        %dma_start3A_66 = tpu.memref_slice %arg6[%add3A_62, %dma_start3A_65] : memref<10016x128xf32, #tpu.memory_space<vmem_shared>> -> memref<16x128xf32, #tpu.memory_space<vmem_shared>>
        tpu.enqueue_dma source(%arg10 : memref<16x128xf32, #tpu.memory_space<vmem>>) target(%dma_start3A_66 : memref<16x128xf32, #tpu.memory_space<vmem_shared>>) target_semaphore(%run_scoped3A : memref<!tpu.dma_semaphore, #tpu.memory_space<semaphore_mem>>)
        %dma_wait3A = arith.constant 0 : i32
        %dma_wait3A_67 = tpu.memref_slice %arg6[%add3A_62, %dma_wait3A] : memref<10016x128xf32, #tpu.memory_space<vmem_shared>> -> memref<16x128xf32, #tpu.memory_space<vmem_shared>>
        %dma_wait3A_68 = arith.constant 0 : i32
        %dma_wait3A_69 = tpu.memref_slice %arg6[%add3A_62, %dma_wait3A_68] : memref<10016x128xf32, #tpu.memory_space<vmem_shared>> -> memref<16x128xf32, #tpu.memory_space<vmem_shared>>
        tpu.wait_dma2 semaphore(%run_scoped3A : memref<!tpu.dma_semaphore, #tpu.memory_space<semaphore_mem>>) src(%arg10 : memref<16x128xf32, #tpu.memory_space<vmem>>) dst(%dma_wait3A_69 : memref<16x128xf32, #tpu.memory_space<vmem_shared>>)
        tpu.yield
      }) : () -> ()
      %while3A_63 = arith.constant 0 : i32
      scf.yield %while3A_63 : i32
    }
    %while3A_26 = arith.constant 1 : i32
    %while3A_27 = scf.for %while3A_58 = %while3A_23 to %while3A_19 step %while3A_26 iter_args(%while3A_59 = %while3A_25) -> (i32)  : i32 {
      %mul3A_60 = arith.constant 16 : i32
      %mul3A_61 = arith.muli %while3A_58, %mul3A_60 : i32
      %add3A_62 = arith.addi %mul3A_11, %mul3A_61 : i32
      "tpu.region"() ({
        %run_scoped3A = tpu.sem_alloc : memref<!tpu.dma_semaphore, #tpu.memory_space<semaphore_mem>>
        %dma_start3A = arith.constant 0 : i32
        %dma_start3A_64 = tpu.memref_slice %arg6[%add3A_62, %dma_start3A] : memref<10016x128xf32, #tpu.memory_space<vmem_shared>> -> memref<16x128xf32, #tpu.memory_space<vmem_shared>>
        %dma_start3A_65 = arith.constant 0 : i32
        %dma_start3A_66 = tpu.memref_slice %arg6[%add3A_62, %dma_start3A_65] : memref<10016x128xf32, #tpu.memory_space<vmem_shared>> -> memref<16x128xf32, #tpu.memory_space<vmem_shared>>
        tpu.enqueue_dma source(%arg10 : memref<16x128xf32, #tpu.memory_space<vmem>>) target(%dma_start3A_66 : memref<16x128xf32, #tpu.memory_space<vmem_shared>>) target_semaphore(%run_scoped3A : memref<!tpu.dma_semaphore, #tpu.memory_space<semaphore_mem>>)
        %dma_wait3A = arith.constant 0 : i32
        %dma_wait3A_67 = tpu.memref_slice %arg6[%add3A_62, %dma_wait3A] : memref<10016x128xf32, #tpu.memory_space<vmem_shared>> -> memref<16x128xf32, #tpu.memory_space<vmem_shared>>
        %dma_wait3A_68 = arith.constant 0 : i32
        %dma_wait3A_69 = tpu.memref_slice %arg6[%add3A_62, %dma_wait3A_68] : memref<10016x128xf32, #tpu.memory_space<vmem_shared>> -> memref<16x128xf32, #tpu.memory_space<vmem_shared>>
        tpu.wait_dma2 semaphore(%run_scoped3A : memref<!tpu.dma_semaphore, #tpu.memory_space<semaphore_mem>>) src(%arg10 : memref<16x128xf32, #tpu.memory_space<vmem>>) dst(%dma_wait3A_69 : memref<16x128xf32, #tpu.memory_space<vmem_shared>>)
        tpu.yield
      }) : () -> ()
      %while3A_63 = arith.constant 0 : i32
      scf.yield %while3A_63 : i32
    }
    %barrier3A = arith.constant 0 : index
    tpu.barrier barrier_id(%barrier3A)
    %while3A_28 = arith.constant 0 : i32
    %while3A_29 = arith.constant 0 : i32
    %while3A_30 = arith.subi %select_n3A, %while3A_28 : i32
    %while3A_31 = arith.addi %while3A_28, %while3A_30 : i32
    %while3A_32 = arith.constant 1 : i32
    %while3A_33 = arith.divsi %while3A_30, %while3A_32 : i32
    %while3A_34 = arith.muli %while3A_33, %while3A_32 : i32
    %while3A_35 = arith.addi %while3A_28, %while3A_34 : i32
    %while3A_36 = arith.constant 1 : i32
    %while3A_37 = scf.for %while3A_58 = %while3A_28 to %while3A_35 step %while3A_36 iter_args(%while3A_59 = %while3A_29) -> (i32)  : i32 {
      %dma_start3A = arith.constant 0 : i32
      %dma_start3A_60 = tpu.memref_slice %arg7[%while3A_58, %dma_start3A] : memref<104x128xi32, #tpu.memory_space<vmem>> -> memref<1x128xi32, #tpu.memory_space<vmem>>
      %dma_start3A_61 = tpu.memref_squeeze %dma_start3A_60 : memref<1x128xi32, #tpu.memory_space<vmem>> -> memref<128xi32, #tpu.memory_space<vmem>>
      %dma_start3A_62 = arith.constant 0 : i32
      %dma_start3A_63 = arith.constant 0 : i32
      %dma_start3A_64 = tpu.memref_slice %arg2[%dma_start3A_62, %dma_start3A_63] : memref<10000x128xf32, #tpu.memory_space<hbm>> -> memref<10000x128xf32, #tpu.memory_space<hbm>>
      tpu.enqueue_indirect_dma source(%dma_start3A_64 : memref<10000x128xf32, #tpu.memory_space<hbm>>) target(%arg9 : memref<128x128xf32, #tpu.memory_space<vmem>>) offsets(%dma_start3A_61 : memref<128xi32, #tpu.memory_space<vmem>>) semaphore(%arg11 : memref<!tpu.dma_semaphore, #tpu.memory_space<semaphore_mem>>)
      %dma_wait3A = arith.constant 0 : i32
      %dma_wait3A_65 = tpu.memref_slice %arg7[%while3A_58, %dma_wait3A] : memref<104x128xi32, #tpu.memory_space<vmem>> -> memref<1x128xi32, #tpu.memory_space<vmem>>
      %dma_wait3A_66 = tpu.memref_squeeze %dma_wait3A_65 : memref<1x128xi32, #tpu.memory_space<vmem>> -> memref<128xi32, #tpu.memory_space<vmem>>
      %dma_wait3A_67 = arith.constant 0 : i32
      %dma_wait3A_68 = arith.constant 0 : i32
      %dma_wait3A_69 = tpu.memref_slice %arg2[%dma_wait3A_67, %dma_wait3A_68] : memref<10000x128xf32, #tpu.memory_space<hbm>> -> memref<10000x128xf32, #tpu.memory_space<hbm>>
      tpu.wait_indirect_dma semaphore(%arg11 : memref<!tpu.dma_semaphore, #tpu.memory_space<semaphore_mem>>) src(%dma_wait3A_69 : memref<10000x128xf32, #tpu.memory_space<hbm>>) dst(%arg9 : memref<128x128xf32, #tpu.memory_space<vmem>>)
      "tpu.region"() ({
        %run_scoped3A = tpu.sem_alloc : memref<!tpu.dma_semaphore, #tpu.memory_space<semaphore_mem>>
        %dma_start3A_71 = arith.constant 0 : i32
        %dma_start3A_72 = tpu.memref_slice %arg8[%while3A_58, %dma_start3A_71] : memref<104x128xi32, #tpu.memory_space<vmem>> -> memref<1x128xi32, #tpu.memory_space<vmem>>
        %dma_start3A_73 = tpu.memref_squeeze %dma_start3A_72 : memref<1x128xi32, #tpu.memory_space<vmem>> -> memref<128xi32, #tpu.memory_space<vmem>>
        %dma_start3A_74 = arith.constant 0 : i32
        %dma_start3A_75 = arith.constant 0 : i32
        %dma_start3A_76 = tpu.memref_slice %arg6[%dma_start3A_74, %dma_start3A_75] : memref<10016x128xf32, #tpu.memory_space<vmem_shared>> -> memref<10016x128xf32, #tpu.memory_space<vmem_shared>>
        tpu.enqueue_indirect_dma source(%arg9 : memref<128x128xf32, #tpu.memory_space<vmem>>) target(%dma_start3A_76 : memref<10016x128xf32, #tpu.memory_space<vmem_shared>>) offsets(%dma_start3A_73 : memref<128xi32, #tpu.memory_space<vmem>>) semaphore(%run_scoped3A : memref<!tpu.dma_semaphore, #tpu.memory_space<semaphore_mem>>) {add = true}
        %dma_wait3A_77 = arith.constant 0 : i32
        %dma_wait3A_78 = tpu.memref_slice %arg8[%while3A_58, %dma_wait3A_77] : memref<104x128xi32, #tpu.memory_space<vmem>> -> memref<1x128xi32, #tpu.memory_space<vmem>>
        %dma_wait3A_79 = tpu.memref_squeeze %dma_wait3A_78 : memref<1x128xi32, #tpu.memory_space<vmem>> -> memref<128xi32, #tpu.memory_space<vmem>>
        %dma_wait3A_80 = arith.constant 0 : i32
        %dma_wait3A_81 = arith.constant 0 : i32
        %dma_wait3A_82 = tpu.memref_slice %arg6[%dma_wait3A_80, %dma_wait3A_81] : memref<10016x128xf32, #tpu.memory_space<vmem_shared>> -> memref<10016x128xf32, #tpu.memory_space<vmem_shared>>
        tpu.wait_indirect_dma semaphore(%run_scoped3A : memref<!tpu.dma_semaphore, #tpu.memory_space<semaphore_mem>>) src(%arg9 : memref<128x128xf32, #tpu.memory_space<vmem>>) dst(%dma_wait3A_82 : memref<10016x128xf32, #tpu.memory_space<vmem_shared>>)
        tpu.yield
      }) : () -> ()
      %while3A_70 = arith.constant 0 : i32
      scf.yield %while3A_70 : i32
    }
    %while3A_38 = arith.constant 1 : i32
    %while3A_39 = scf.for %while3A_58 = %while3A_35 to %while3A_31 step %while3A_38 iter_args(%while3A_59 = %while3A_37) -> (i32)  : i32 {
      %dma_start3A = arith.constant 0 : i32
      %dma_start3A_60 = tpu.memref_slice %arg7[%while3A_58, %dma_start3A] : memref<104x128xi32, #tpu.memory_space<vmem>> -> memref<1x128xi32, #tpu.memory_space<vmem>>
      %dma_start3A_61 = tpu.memref_squeeze %dma_start3A_60 : memref<1x128xi32, #tpu.memory_space<vmem>> -> memref<128xi32, #tpu.memory_space<vmem>>
      %dma_start3A_62 = arith.constant 0 : i32
      %dma_start3A_63 = arith.constant 0 : i32
      %dma_start3A_64 = tpu.memref_slice %arg2[%dma_start3A_62, %dma_start3A_63] : memref<10000x128xf32, #tpu.memory_space<hbm>> -> memref<10000x128xf32, #tpu.memory_space<hbm>>
      tpu.enqueue_indirect_dma source(%dma_start3A_64 : memref<10000x128xf32, #tpu.memory_space<hbm>>) target(%arg9 : memref<128x128xf32, #tpu.memory_space<vmem>>) offsets(%dma_start3A_61 : memref<128xi32, #tpu.memory_space<vmem>>) semaphore(%arg11 : memref<!tpu.dma_semaphore, #tpu.memory_space<semaphore_mem>>)
      %dma_wait3A = arith.constant 0 : i32
      %dma_wait3A_65 = tpu.memref_slice %arg7[%while3A_58, %dma_wait3A] : memref<104x128xi32, #tpu.memory_space<vmem>> -> memref<1x128xi32, #tpu.memory_space<vmem>>
      %dma_wait3A_66 = tpu.memref_squeeze %dma_wait3A_65 : memref<1x128xi32, #tpu.memory_space<vmem>> -> memref<128xi32, #tpu.memory_space<vmem>>
      %dma_wait3A_67 = arith.constant 0 : i32
      %dma_wait3A_68 = arith.constant 0 : i32
      %dma_wait3A_69 = tpu.memref_slice %arg2[%dma_wait3A_67, %dma_wait3A_68] : memref<10000x128xf32, #tpu.memory_space<hbm>> -> memref<10000x128xf32, #tpu.memory_space<hbm>>
      tpu.wait_indirect_dma semaphore(%arg11 : memref<!tpu.dma_semaphore, #tpu.memory_space<semaphore_mem>>) src(%dma_wait3A_69 : memref<10000x128xf32, #tpu.memory_space<hbm>>) dst(%arg9 : memref<128x128xf32, #tpu.memory_space<vmem>>)
      "tpu.region"() ({
        %run_scoped3A = tpu.sem_alloc : memref<!tpu.dma_semaphore, #tpu.memory_space<semaphore_mem>>
        %dma_start3A_71 = arith.constant 0 : i32
        %dma_start3A_72 = tpu.memref_slice %arg8[%while3A_58, %dma_start3A_71] : memref<104x128xi32, #tpu.memory_space<vmem>> -> memref<1x128xi32, #tpu.memory_space<vmem>>
        %dma_start3A_73 = tpu.memref_squeeze %dma_start3A_72 : memref<1x128xi32, #tpu.memory_space<vmem>> -> memref<128xi32, #tpu.memory_space<vmem>>
        %dma_start3A_74 = arith.constant 0 : i32
        %dma_start3A_75 = arith.constant 0 : i32
        %dma_start3A_76 = tpu.memref_slice %arg6[%dma_start3A_74, %dma_start3A_75] : memref<10016x128xf32, #tpu.memory_space<vmem_shared>> -> memref<10016x128xf32, #tpu.memory_space<vmem_shared>>
        tpu.enqueue_indirect_dma source(%arg9 : memref<128x128xf32, #tpu.memory_space<vmem>>) target(%dma_start3A_76 : memref<10016x128xf32, #tpu.memory_space<vmem_shared>>) offsets(%dma_start3A_73 : memref<128xi32, #tpu.memory_space<vmem>>) semaphore(%run_scoped3A : memref<!tpu.dma_semaphore, #tpu.memory_space<semaphore_mem>>) {add = true}
        %dma_wait3A_77 = arith.constant 0 : i32
        %dma_wait3A_78 = tpu.memref_slice %arg8[%while3A_58, %dma_wait3A_77] : memref<104x128xi32, #tpu.memory_space<vmem>> -> memref<1x128xi32, #tpu.memory_space<vmem>>
        %dma_wait3A_79 = tpu.memref_squeeze %dma_wait3A_78 : memref<1x128xi32, #tpu.memory_space<vmem>> -> memref<128xi32, #tpu.memory_space<vmem>>
        %dma_wait3A_80 = arith.constant 0 : i32
        %dma_wait3A_81 = arith.constant 0 : i32
        %dma_wait3A_82 = tpu.memref_slice %arg6[%dma_wait3A_80, %dma_wait3A_81] : memref<10016x128xf32, #tpu.memory_space<vmem_shared>> -> memref<10016x128xf32, #tpu.memory_space<vmem_shared>>
        tpu.wait_indirect_dma semaphore(%run_scoped3A : memref<!tpu.dma_semaphore, #tpu.memory_space<semaphore_mem>>) src(%arg9 : memref<128x128xf32, #tpu.memory_space<vmem>>) dst(%dma_wait3A_82 : memref<10016x128xf32, #tpu.memory_space<vmem_shared>>)
        tpu.yield
      }) : () -> ()
      %while3A_70 = arith.constant 0 : i32
      scf.yield %while3A_70 : i32
    }
    %barrier3A_40 = arith.constant 0 : index
    tpu.barrier barrier_id(%barrier3A_40)
    %eq3A_41 = arith.constant 15 : i32
    %eq3A_42 = arith.cmpi eq, %arg1, %eq3A_41 : i32
    %jit3A_43 = arith.constant 40 : i32
    %jit3A_44 = arith.constant 39 : i32
    %select_n3A_45 = arith.select %eq3A_42, %jit3A_43, %jit3A_44 : i32
    %while3A_46 = arith.constant 0 : i32
    %while3A_47 = arith.constant 0 : i32
    %while3A_48 = arith.subi %select_n3A_45, %while3A_46 : i32
    %while3A_49 = arith.addi %while3A_46, %while3A_48 : i32
    %while3A_50 = arith.constant 1 : i32
    %while3A_51 = arith.divsi %while3A_48, %while3A_50 : i32
    %while3A_52 = arith.muli %while3A_51, %while3A_50 : i32
    %while3A_53 = arith.addi %while3A_46, %while3A_52 : i32
    %while3A_54 = arith.constant 1 : i32
    %while3A_55 = scf.for %while3A_58 = %while3A_46 to %while3A_53 step %while3A_54 iter_args(%while3A_59 = %while3A_47) -> (i32)  : i32 {
      %mul3A_60 = arith.constant 16 : i32
      %mul3A_61 = arith.muli %while3A_58, %mul3A_60 : i32
      %add3A_62 = arith.addi %mul3A_11, %mul3A_61 : i32
      "tpu.region"() ({
        %run_scoped3A = tpu.sem_alloc : memref<!tpu.dma_semaphore, #tpu.memory_space<semaphore_mem>>
        %dma_start3A = arith.constant 0 : i32
        %dma_start3A_64 = tpu.memref_slice %arg6[%add3A_62, %dma_start3A] : memref<10016x128xf32, #tpu.memory_space<vmem_shared>> -> memref<16x128xf32, #tpu.memory_space<vmem_shared>>
        %dma_start3A_65 = arith.constant 0 : i32
        %dma_start3A_66 = tpu.memref_slice %arg6[%add3A_62, %dma_start3A_65] : memref<10016x128xf32, #tpu.memory_space<vmem_shared>> -> memref<16x128xf32, #tpu.memory_space<vmem_shared>>
        tpu.enqueue_dma source(%dma_start3A_66 : memref<16x128xf32, #tpu.memory_space<vmem_shared>>) target(%arg10 : memref<16x128xf32, #tpu.memory_space<vmem>>) target_semaphore(%run_scoped3A : memref<!tpu.dma_semaphore, #tpu.memory_space<semaphore_mem>>)
        %dma_wait3A = arith.constant 0 : i32
        %dma_wait3A_67 = tpu.memref_slice %arg6[%add3A_62, %dma_wait3A] : memref<10016x128xf32, #tpu.memory_space<vmem_shared>> -> memref<16x128xf32, #tpu.memory_space<vmem_shared>>
        %dma_wait3A_68 = arith.constant 0 : i32
        %dma_wait3A_69 = tpu.memref_slice %arg6[%add3A_62, %dma_wait3A_68] : memref<10016x128xf32, #tpu.memory_space<vmem_shared>> -> memref<16x128xf32, #tpu.memory_space<vmem_shared>>
        tpu.wait_dma2 semaphore(%run_scoped3A : memref<!tpu.dma_semaphore, #tpu.memory_space<semaphore_mem>>) src(%dma_wait3A_69 : memref<16x128xf32, #tpu.memory_space<vmem_shared>>) dst(%arg10 : memref<16x128xf32, #tpu.memory_space<vmem>>)
        tpu.yield
      }) : () -> ()
      "tpu.region"() ({
        %run_scoped3A = tpu.sem_alloc : memref<!tpu.dma_semaphore, #tpu.memory_space<semaphore_mem>>
        %dma_start3A = arith.constant 0 : i32
        %dma_start3A_64 = tpu.memref_slice %arg5[%arg0, %add3A_62, %dma_start3A] : memref<2x10000x128xf32, #tpu.memory_space<hbm>> -> memref<1x16x128xf32, #tpu.memory_space<hbm>>
        %dma_start3A_65 = tpu.memref_squeeze %dma_start3A_64 : memref<1x16x128xf32, #tpu.memory_space<hbm>> -> memref<16x128xf32, #tpu.memory_space<hbm>>
        %dma_start3A_66 = arith.constant 0 : i32
        %dma_start3A_67 = tpu.memref_slice %arg5[%arg0, %add3A_62, %dma_start3A_66] : memref<2x10000x128xf32, #tpu.memory_space<hbm>> -> memref<1x16x128xf32, #tpu.memory_space<hbm>>
        %dma_start3A_68 = tpu.memref_squeeze %dma_start3A_67 : memref<1x16x128xf32, #tpu.memory_space<hbm>> -> memref<16x128xf32, #tpu.memory_space<hbm>>
        tpu.enqueue_dma source(%arg10 : memref<16x128xf32, #tpu.memory_space<vmem>>) target(%dma_start3A_68 : memref<16x128xf32, #tpu.memory_space<hbm>>) target_semaphore(%run_scoped3A : memref<!tpu.dma_semaphore, #tpu.memory_space<semaphore_mem>>)
        %dma_wait3A = arith.constant 0 : i32
        %dma_wait3A_69 = tpu.memref_slice %arg5[%arg0, %add3A_62, %dma_wait3A] : memref<2x10000x128xf32, #tpu.memory_space<hbm>> -> memref<1x16x128xf32, #tpu.memory_space<hbm>>
        %dma_wait3A_70 = tpu.memref_squeeze %dma_wait3A_69 : memref<1x16x128xf32, #tpu.memory_space<hbm>> -> memref<16x128xf32, #tpu.memory_space<hbm>>
        %dma_wait3A_71 = arith.constant 0 : i32
        %dma_wait3A_72 = tpu.memref_slice %arg5[%arg0, %add3A_62, %dma_wait3A_71] : memref<2x10000x128xf32, #tpu.memory_space<hbm>> -> memref<1x16x128xf32, #tpu.memory_space<hbm>>
        %dma_wait3A_73 = tpu.memref_squeeze %dma_wait3A_72 : memref<1x16x128xf32, #tpu.memory_space<hbm>> -> memref<16x128xf32, #tpu.memory_space<hbm>>
        tpu.wait_dma2 semaphore(%run_scoped3A : memref<!tpu.dma_semaphore, #tpu.memory_space<semaphore_mem>>) src(%arg10 : memref<16x128xf32, #tpu.memory_space<vmem>>) dst(%dma_wait3A_73 : memref<16x128xf32, #tpu.memory_space<hbm>>)
        tpu.yield
      }) : () -> ()
      %while3A_63 = arith.constant 0 : i32
      scf.yield %while3A_63 : i32
    }
    %while3A_56 = arith.constant 1 : i32
    %while3A_57 = scf.for %while3A_58 = %while3A_53 to %while3A_49 step %while3A_56 iter_args(%while3A_59 = %while3A_55) -> (i32)  : i32 {
      %mul3A_60 = arith.constant 16 : i32
      %mul3A_61 = arith.muli %while3A_58, %mul3A_60 : i32
      %add3A_62 = arith.addi %mul3A_11, %mul3A_61 : i32
      "tpu.region"() ({
        %run_scoped3A = tpu.sem_alloc : memref<!tpu.dma_semaphore, #tpu.memory_space<semaphore_mem>>
        %dma_start3A = arith.constant 0 : i32
        %dma_start3A_64 = tpu.memref_slice %arg6[%add3A_62, %dma_start3A] : memref<10016x128xf32, #tpu.memory_space<vmem_shared>> -> memref<16x128xf32, #tpu.memory_space<vmem_shared>>
        %dma_start3A_65 = arith.constant 0 : i32
        %dma_start3A_66 = tpu.memref_slice %arg6[%add3A_62, %dma_start3A_65] : memref<10016x128xf32, #tpu.memory_space<vmem_shared>> -> memref<16x128xf32, #tpu.memory_space<vmem_shared>>
        tpu.enqueue_dma source(%dma_start3A_66 : memref<16x128xf32, #tpu.memory_space<vmem_shared>>) target(%arg10 : memref<16x128xf32, #tpu.memory_space<vmem>>) target_semaphore(%run_scoped3A : memref<!tpu.dma_semaphore, #tpu.memory_space<semaphore_mem>>)
        %dma_wait3A = arith.constant 0 : i32
        %dma_wait3A_67 = tpu.memref_slice %arg6[%add3A_62, %dma_wait3A] : memref<10016x128xf32, #tpu.memory_space<vmem_shared>> -> memref<16x128xf32, #tpu.memory_space<vmem_shared>>
        %dma_wait3A_68 = arith.constant 0 : i32
        %dma_wait3A_69 = tpu.memref_slice %arg6[%add3A_62, %dma_wait3A_68] : memref<10016x128xf32, #tpu.memory_space<vmem_shared>> -> memref<16x128xf32, #tpu.memory_space<vmem_shared>>
        tpu.wait_dma2 semaphore(%run_scoped3A : memref<!tpu.dma_semaphore, #tpu.memory_space<semaphore_mem>>) src(%dma_wait3A_69 : memref<16x128xf32, #tpu.memory_space<vmem_shared>>) dst(%arg10 : memref<16x128xf32, #tpu.memory_space<vmem>>)
        tpu.yield
      }) : () -> ()
      "tpu.region"() ({
        %run_scoped3A = tpu.sem_alloc : memref<!tpu.dma_semaphore, #tpu.memory_space<semaphore_mem>>
        %dma_start3A = arith.constant 0 : i32
        %dma_start3A_64 = tpu.memref_slice %arg5[%arg0, %add3A_62, %dma_start3A] : memref<2x10000x128xf32, #tpu.memory_space<hbm>> -> memref<1x16x128xf32, #tpu.memory_space<hbm>>
        %dma_start3A_65 = tpu.memref_squeeze %dma_start3A_64 : memref<1x16x128xf32, #tpu.memory_space<hbm>> -> memref<16x128xf32, #tpu.memory_space<hbm>>
        %dma_start3A_66 = arith.constant 0 : i32
        %dma_start3A_67 = tpu.memref_slice %arg5[%arg0, %add3A_62, %dma_start3A_66] : memref<2x10000x128xf32, #tpu.memory_space<hbm>> -> memref<1x16x128xf32, #tpu.memory_space<hbm>>
        %dma_start3A_68 = tpu.memref_squeeze %dma_start3A_67 : memref<1x16x128xf32, #tpu.memory_space<hbm>> -> memref<16x128xf32, #tpu.memory_space<hbm>>
        tpu.enqueue_dma source(%arg10 : memref<16x128xf32, #tpu.memory_space<vmem>>) target(%dma_start3A_68 : memref<16x128xf32, #tpu.memory_space<hbm>>) target_semaphore(%run_scoped3A : memref<!tpu.dma_semaphore, #tpu.memory_space<semaphore_mem>>)
        %dma_wait3A = arith.constant 0 : i32
        %dma_wait3A_69 = tpu.memref_slice %arg5[%arg0, %add3A_62, %dma_wait3A] : memref<2x10000x128xf32, #tpu.memory_space<hbm>> -> memref<1x16x128xf32, #tpu.memory_space<hbm>>
        %dma_wait3A_70 = tpu.memref_squeeze %dma_wait3A_69 : memref<1x16x128xf32, #tpu.memory_space<hbm>> -> memref<16x128xf32, #tpu.memory_space<hbm>>
        %dma_wait3A_71 = arith.constant 0 : i32
        %dma_wait3A_72 = tpu.memref_slice %arg5[%arg0, %add3A_62, %dma_wait3A_71] : memref<2x10000x128xf32, #tpu.memory_space<hbm>> -> memref<1x16x128xf32, #tpu.memory_space<hbm>>
        %dma_wait3A_73 = tpu.memref_squeeze %dma_wait3A_72 : memref<1x16x128xf32, #tpu.memory_space<hbm>> -> memref<16x128xf32, #tpu.memory_space<hbm>>
        tpu.wait_dma2 semaphore(%run_scoped3A : memref<!tpu.dma_semaphore, #tpu.memory_space<semaphore_mem>>) src(%arg10 : memref<16x128xf32, #tpu.memory_space<vmem>>) dst(%dma_wait3A_73 : memref<16x128xf32, #tpu.memory_space<hbm>>)
        tpu.yield
      }) : () -> ()
      %while3A_63 = arith.constant 0 : i32
      scf.yield %while3A_63 : i32
    }
    return
  }
}

#map = affine_map<(d0, d1) -> (0, 0, 0)>
#map1 = affine_map<(d0, d1) -> (0)>
module attributes {stable_mosaic.version = 14 : i64} {
  func.func @deg_kernel(%arg0: i32, %arg1: i32, %arg2: memref<32x104x128xi32, #tpu.memory_space<hbm>>, %arg3: memref<20000xf32, #tpu.memory_space<hbm>>, %arg4: memref<10016xf32, #tpu.memory_space<vmem_shared>>, %arg5: memref<104x128xi32, #tpu.memory_space<vmem>>, %arg6: memref<128xf32, #tpu.memory_space<vmem>>, %arg7: memref<640xf32, #tpu.memory_space<vmem>>) attributes {dimension_semantics = [#tpu.dimension_semantics<core_parallel>, #tpu.dimension_semantics<subcore_parallel>], iteration_bounds = array<i64: 2, 16>, scalar_prefetch = 0 : i64, scratch_operands = 4 : i64, tpu.core_type = #tpu.core_type<sc_vector_subcore>, window_params = [{transform_indices = #map}, {transform_indices = #map1}]} {
    %mul3A = arith.constant 2 : i32
    %mul3A_0 = arith.muli %arg1, %mul3A : i32
    %add3A = arith.addi %mul3A_0, %arg0 : i32
    "tpu.region"() ({
      %run_scoped3A = tpu.sem_alloc : memref<!tpu.dma_semaphore, #tpu.memory_space<semaphore_mem>>
      %dma_start3A = arith.constant 0 : i32
      %dma_start3A_37 = arith.constant 0 : i32
      %dma_start3A_38 = tpu.memref_slice %arg2[%add3A, %dma_start3A, %dma_start3A_37] : memref<32x104x128xi32, #tpu.memory_space<hbm>> -> memref<1x104x128xi32, #tpu.memory_space<hbm>>
      %dma_start3A_39 = tpu.memref_squeeze %dma_start3A_38 : memref<1x104x128xi32, #tpu.memory_space<hbm>> -> memref<104x128xi32, #tpu.memory_space<hbm>>
      %dma_start3A_40 = arith.constant 0 : i32
      %dma_start3A_41 = arith.constant 0 : i32
      %dma_start3A_42 = tpu.memref_slice %arg2[%add3A, %dma_start3A_40, %dma_start3A_41] : memref<32x104x128xi32, #tpu.memory_space<hbm>> -> memref<1x104x128xi32, #tpu.memory_space<hbm>>
      %dma_start3A_43 = tpu.memref_squeeze %dma_start3A_42 : memref<1x104x128xi32, #tpu.memory_space<hbm>> -> memref<104x128xi32, #tpu.memory_space<hbm>>
      tpu.enqueue_dma source(%dma_start3A_43 : memref<104x128xi32, #tpu.memory_space<hbm>>) target(%arg5 : memref<104x128xi32, #tpu.memory_space<vmem>>) target_semaphore(%run_scoped3A : memref<!tpu.dma_semaphore, #tpu.memory_space<semaphore_mem>>)
      %dma_wait3A = arith.constant 0 : i32
      %dma_wait3A_44 = arith.constant 0 : i32
      %dma_wait3A_45 = tpu.memref_slice %arg2[%add3A, %dma_wait3A, %dma_wait3A_44] : memref<32x104x128xi32, #tpu.memory_space<hbm>> -> memref<1x104x128xi32, #tpu.memory_space<hbm>>
      %dma_wait3A_46 = tpu.memref_squeeze %dma_wait3A_45 : memref<1x104x128xi32, #tpu.memory_space<hbm>> -> memref<104x128xi32, #tpu.memory_space<hbm>>
      %dma_wait3A_47 = arith.constant 0 : i32
      %dma_wait3A_48 = arith.constant 0 : i32
      %dma_wait3A_49 = tpu.memref_slice %arg2[%add3A, %dma_wait3A_47, %dma_wait3A_48] : memref<32x104x128xi32, #tpu.memory_space<hbm>> -> memref<1x104x128xi32, #tpu.memory_space<hbm>>
      %dma_wait3A_50 = tpu.memref_squeeze %dma_wait3A_49 : memref<1x104x128xi32, #tpu.memory_space<hbm>> -> memref<104x128xi32, #tpu.memory_space<hbm>>
      tpu.wait_dma2 semaphore(%run_scoped3A : memref<!tpu.dma_semaphore, #tpu.memory_space<semaphore_mem>>) src(%dma_wait3A_50 : memref<104x128xi32, #tpu.memory_space<hbm>>) dst(%arg5 : memref<104x128xi32, #tpu.memory_space<vmem>>)
      tpu.yield
    }) : () -> ()
    %broadcast_in_dim3A = arith.constant 1.000000e+00 : f32
    %broadcast_in_dim3A_1 = vector.broadcast %broadcast_in_dim3A : f32 to vector<16xf32>
    %broadcast_in_dim3A_2 = arith.constant 0.000000e+00 : f32
    %broadcast_in_dim3A_3 = vector.broadcast %broadcast_in_dim3A_2 : f32 to vector<16xf32>
    %scan3A = arith.constant 0 : i32
    %scan3A_4 = arith.constant 0 : i32
    %scan3A_5 = arith.constant 8 : i32
    %scan3A_6 = arith.addi %scan3A_4, %scan3A_5 : i32
    %scan3A_7 = arith.constant 1 : i32
    %scan3A_8 = scf.for %scan3A_37 = %scan3A_4 to %scan3A_6 step %scan3A_7 iter_args(%scan3A_38 = %scan3A) -> (i32)  : i32 {
      %mul3A_39 = arith.constant 16 : i32
      %mul3A_40 = arith.muli %scan3A_37, %mul3A_39 : i32
      %swap3A = arith.index_cast %mul3A_40 : i32 to index
      %swap3A_41 = tpu.vector_load %arg6[%swap3A] {strides = array<i32>} : memref<128xf32, #tpu.memory_space<vmem>>, vector<16xf32>,
      %swap3A_42 = vector.shape_cast %swap3A_41 : vector<16xf32> to vector<16xf32>
      %swap3A_43 = vector.shape_cast %broadcast_in_dim3A_1 : vector<16xf32> to vector<16xf32>
      tpu.vector_store %arg6[%swap3A], %swap3A_43 {strides = array<i32>} : memref<128xf32, #tpu.memory_space<vmem>>, vector<16xf32>,
      %scan3A_44 = arith.constant 0 : i32
      scf.yield %scan3A_44 : i32
    }
    %scan3A_9 = arith.constant 8 : i32
    %scan3A_10 = arith.constant 0 : i32
    %scan3A_11 = arith.constant 0 : i32
    %scan3A_12 = arith.constant 40 : i32
    %scan3A_13 = arith.addi %scan3A_11, %scan3A_12 : i32
    %scan3A_14 = arith.constant 1 : i32
    %scan3A_15 = scf.for %scan3A_37 = %scan3A_11 to %scan3A_13 step %scan3A_14 iter_args(%scan3A_38 = %scan3A_10) -> (i32)  : i32 {
      %mul3A_39 = arith.constant 16 : i32
      %mul3A_40 = arith.muli %scan3A_37, %mul3A_39 : i32
      %swap3A = arith.index_cast %mul3A_40 : i32 to index
      %swap3A_41 = tpu.vector_load %arg7[%swap3A] {strides = array<i32>} : memref<640xf32, #tpu.memory_space<vmem>>, vector<16xf32>,
      %swap3A_42 = vector.shape_cast %swap3A_41 : vector<16xf32> to vector<16xf32>
      %swap3A_43 = vector.shape_cast %broadcast_in_dim3A_3 : vector<16xf32> to vector<16xf32>
      tpu.vector_store %arg7[%swap3A], %swap3A_43 {strides = array<i32>} : memref<640xf32, #tpu.memory_space<vmem>>, vector<16xf32>,
      %scan3A_44 = arith.constant 0 : i32
      scf.yield %scan3A_44 : i32
    }
    %scan3A_16 = arith.constant 40 : i32
    %mul3A_17 = arith.constant 624 : i32
    %mul3A_18 = arith.muli %arg1, %mul3A_17 : i32
    "tpu.region"() ({
      %run_scoped3A = tpu.sem_alloc : memref<!tpu.dma_semaphore, #tpu.memory_space<semaphore_mem>>
      %dma_start3A = arith.constant 0 : i32
      %dma_start3A_37 = tpu.memref_slice %arg7[%dma_start3A] : memref<640xf32, #tpu.memory_space<vmem>> -> memref<624xf32, #tpu.memory_space<vmem>>
      %dma_start3A_38 = tpu.memref_slice %arg4[%mul3A_18] : memref<10016xf32, #tpu.memory_space<vmem_shared>> -> memref<624xf32, #tpu.memory_space<vmem_shared>>
      %dma_start3A_39 = tpu.memref_slice %arg4[%mul3A_18] : memref<10016xf32, #tpu.memory_space<vmem_shared>> -> memref<624xf32, #tpu.memory_space<vmem_shared>>
      %dma_start3A_40 = arith.constant 0 : i32
      %dma_start3A_41 = tpu.memref_slice %arg7[%dma_start3A_40] : memref<640xf32, #tpu.memory_space<vmem>> -> memref<624xf32, #tpu.memory_space<vmem>>
      tpu.enqueue_dma source(%dma_start3A_41 : memref<624xf32, #tpu.memory_space<vmem>>) target(%dma_start3A_39 : memref<624xf32, #tpu.memory_space<vmem_shared>>) target_semaphore(%run_scoped3A : memref<!tpu.dma_semaphore, #tpu.memory_space<semaphore_mem>>)
      %dma_wait3A = arith.constant 0 : i32
      %dma_wait3A_42 = tpu.memref_slice %arg7[%dma_wait3A] : memref<640xf32, #tpu.memory_space<vmem>> -> memref<624xf32, #tpu.memory_space<vmem>>
      %dma_wait3A_43 = tpu.memref_slice %arg4[%mul3A_18] : memref<10016xf32, #tpu.memory_space<vmem_shared>> -> memref<624xf32, #tpu.memory_space<vmem_shared>>
      %dma_wait3A_44 = tpu.memref_slice %arg4[%mul3A_18] : memref<10016xf32, #tpu.memory_space<vmem_shared>> -> memref<624xf32, #tpu.memory_space<vmem_shared>>
      %dma_wait3A_45 = arith.constant 0 : i32
      %dma_wait3A_46 = tpu.memref_slice %arg7[%dma_wait3A_45] : memref<640xf32, #tpu.memory_space<vmem>> -> memref<624xf32, #tpu.memory_space<vmem>>
      tpu.wait_dma2 semaphore(%run_scoped3A : memref<!tpu.dma_semaphore, #tpu.memory_space<semaphore_mem>>) src(%dma_wait3A_46 : memref<624xf32, #tpu.memory_space<vmem>>) dst(%dma_wait3A_44 : memref<624xf32, #tpu.memory_space<vmem_shared>>)
      tpu.yield
    }) : () -> ()
    %eq3A = arith.constant 15 : i32
    %eq3A_19 = arith.cmpi eq, %arg1, %eq3A : i32
    %convert_element_type3A = arith.extui %eq3A_19 : i1 to i32
    %cond3A = arith.constant 0 : i32
    %cond3A_20 = arith.cmpi ne, %convert_element_type3A, %cond3A : i32
    scf.if %cond3A_20 {
      "tpu.region"() ({
        %run_scoped3A = tpu.sem_alloc : memref<!tpu.dma_semaphore, #tpu.memory_space<semaphore_mem>>
        %dma_start3A = arith.constant 0 : i32
        %dma_start3A_37 = tpu.memref_slice %arg7[%dma_start3A] : memref<640xf32, #tpu.memory_space<vmem>> -> memref<32xf32, #tpu.memory_space<vmem>>
        %dma_start3A_38 = arith.constant 9984 : i32
        %dma_start3A_39 = tpu.memref_slice %arg4[%dma_start3A_38] : memref<10016xf32, #tpu.memory_space<vmem_shared>> -> memref<32xf32, #tpu.memory_space<vmem_shared>>
        %dma_start3A_40 = arith.constant 9984 : i32
        %dma_start3A_41 = tpu.memref_slice %arg4[%dma_start3A_40] : memref<10016xf32, #tpu.memory_space<vmem_shared>> -> memref<32xf32, #tpu.memory_space<vmem_shared>>
        %dma_start3A_42 = arith.constant 0 : i32
        %dma_start3A_43 = tpu.memref_slice %arg7[%dma_start3A_42] : memref<640xf32, #tpu.memory_space<vmem>> -> memref<32xf32, #tpu.memory_space<vmem>>
        tpu.enqueue_dma source(%dma_start3A_43 : memref<32xf32, #tpu.memory_space<vmem>>) target(%dma_start3A_41 : memref<32xf32, #tpu.memory_space<vmem_shared>>) target_semaphore(%run_scoped3A : memref<!tpu.dma_semaphore, #tpu.memory_space<semaphore_mem>>)
        %dma_wait3A = arith.constant 0 : i32
        %dma_wait3A_44 = tpu.memref_slice %arg7[%dma_wait3A] : memref<640xf32, #tpu.memory_space<vmem>> -> memref<32xf32, #tpu.memory_space<vmem>>
        %dma_wait3A_45 = arith.constant 9984 : i32
        %dma_wait3A_46 = tpu.memref_slice %arg4[%dma_wait3A_45] : memref<10016xf32, #tpu.memory_space<vmem_shared>> -> memref<32xf32, #tpu.memory_space<vmem_shared>>
        %dma_wait3A_47 = arith.constant 9984 : i32
        %dma_wait3A_48 = tpu.memref_slice %arg4[%dma_wait3A_47] : memref<10016xf32, #tpu.memory_space<vmem_shared>> -> memref<32xf32, #tpu.memory_space<vmem_shared>>
        %dma_wait3A_49 = arith.constant 0 : i32
        %dma_wait3A_50 = tpu.memref_slice %arg7[%dma_wait3A_49] : memref<640xf32, #tpu.memory_space<vmem>> -> memref<32xf32, #tpu.memory_space<vmem>>
        tpu.wait_dma2 semaphore(%run_scoped3A : memref<!tpu.dma_semaphore, #tpu.memory_space<semaphore_mem>>) src(%dma_wait3A_50 : memref<32xf32, #tpu.memory_space<vmem>>) dst(%dma_wait3A_48 : memref<32xf32, #tpu.memory_space<vmem_shared>>)
        tpu.yield
      }) : () -> ()
    } else {
    }
    %barrier3A = arith.constant 0 : index
    tpu.barrier barrier_id(%barrier3A)
    %scan3A_21 = arith.constant 0 : i32
    %scan3A_22 = arith.constant 0 : i32
    %scan3A_23 = arith.constant 104 : i32
    %scan3A_24 = arith.addi %scan3A_22, %scan3A_23 : i32
    %scan3A_25 = arith.constant 1 : i32
    %scan3A_26 = scf.for %scan3A_37 = %scan3A_22 to %scan3A_24 step %scan3A_25 iter_args(%scan3A_38 = %scan3A_21) -> (i32)  : i32 {
      "tpu.region"() ({
        %run_scoped3A = tpu.sem_alloc : memref<!tpu.dma_semaphore, #tpu.memory_space<semaphore_mem>>
        %dma_start3A = arith.constant 0 : i32
        %dma_start3A_40 = tpu.memref_slice %arg5[%scan3A_37, %dma_start3A] : memref<104x128xi32, #tpu.memory_space<vmem>> -> memref<1x128xi32, #tpu.memory_space<vmem>>
        %dma_start3A_41 = tpu.memref_squeeze %dma_start3A_40 : memref<1x128xi32, #tpu.memory_space<vmem>> -> memref<128xi32, #tpu.memory_space<vmem>>
        %dma_start3A_42 = arith.constant 0 : i32
        %dma_start3A_43 = tpu.memref_slice %arg4[%dma_start3A_42] : memref<10016xf32, #tpu.memory_space<vmem_shared>> -> memref<10016xf32, #tpu.memory_space<vmem_shared>>
        tpu.enqueue_indirect_dma source(%arg6 : memref<128xf32, #tpu.memory_space<vmem>>) target(%dma_start3A_43 : memref<10016xf32, #tpu.memory_space<vmem_shared>>) offsets(%dma_start3A_41 : memref<128xi32, #tpu.memory_space<vmem>>) semaphore(%run_scoped3A : memref<!tpu.dma_semaphore, #tpu.memory_space<semaphore_mem>>) {add = true}
        %dma_wait3A = arith.constant 0 : i32
        %dma_wait3A_44 = tpu.memref_slice %arg5[%scan3A_37, %dma_wait3A] : memref<104x128xi32, #tpu.memory_space<vmem>> -> memref<1x128xi32, #tpu.memory_space<vmem>>
        %dma_wait3A_45 = tpu.memref_squeeze %dma_wait3A_44 : memref<1x128xi32, #tpu.memory_space<vmem>> -> memref<128xi32, #tpu.memory_space<vmem>>
        %dma_wait3A_46 = arith.constant 0 : i32
        %dma_wait3A_47 = tpu.memref_slice %arg4[%dma_wait3A_46] : memref<10016xf32, #tpu.memory_space<vmem_shared>> -> memref<10016xf32, #tpu.memory_space<vmem_shared>>
        tpu.wait_indirect_dma semaphore(%run_scoped3A : memref<!tpu.dma_semaphore, #tpu.memory_space<semaphore_mem>>) src(%arg6 : memref<128xf32, #tpu.memory_space<vmem>>) dst(%dma_wait3A_47 : memref<10016xf32, #tpu.memory_space<vmem_shared>>)
        tpu.yield
      }) : () -> ()
      %scan3A_39 = arith.constant 0 : i32
      scf.yield %scan3A_39 : i32
    }
    %scan3A_27 = arith.constant 104 : i32
    %barrier3A_28 = arith.constant 0 : index
    tpu.barrier barrier_id(%barrier3A_28)
    "tpu.region"() ({
      %run_scoped3A = tpu.sem_alloc : memref<!tpu.dma_semaphore, #tpu.memory_space<semaphore_mem>>
      %dma_start3A = arith.constant 0 : i32
      %dma_start3A_37 = tpu.memref_slice %arg7[%dma_start3A] : memref<640xf32, #tpu.memory_space<vmem>> -> memref<624xf32, #tpu.memory_space<vmem>>
      %dma_start3A_38 = tpu.memref_slice %arg4[%mul3A_18] : memref<10016xf32, #tpu.memory_space<vmem_shared>> -> memref<624xf32, #tpu.memory_space<vmem_shared>>
      %dma_start3A_39 = arith.constant 0 : i32
      %dma_start3A_40 = tpu.memref_slice %arg7[%dma_start3A_39] : memref<640xf32, #tpu.memory_space<vmem>> -> memref<624xf32, #tpu.memory_space<vmem>>
      %dma_start3A_41 = tpu.memref_slice %arg4[%mul3A_18] : memref<10016xf32, #tpu.memory_space<vmem_shared>> -> memref<624xf32, #tpu.memory_space<vmem_shared>>
      tpu.enqueue_dma source(%dma_start3A_41 : memref<624xf32, #tpu.memory_space<vmem_shared>>) target(%dma_start3A_40 : memref<624xf32, #tpu.memory_space<vmem>>) target_semaphore(%run_scoped3A : memref<!tpu.dma_semaphore, #tpu.memory_space<semaphore_mem>>)
      %dma_wait3A = arith.constant 0 : i32
      %dma_wait3A_42 = tpu.memref_slice %arg7[%dma_wait3A] : memref<640xf32, #tpu.memory_space<vmem>> -> memref<624xf32, #tpu.memory_space<vmem>>
      %dma_wait3A_43 = tpu.memref_slice %arg4[%mul3A_18] : memref<10016xf32, #tpu.memory_space<vmem_shared>> -> memref<624xf32, #tpu.memory_space<vmem_shared>>
      %dma_wait3A_44 = arith.constant 0 : i32
      %dma_wait3A_45 = tpu.memref_slice %arg7[%dma_wait3A_44] : memref<640xf32, #tpu.memory_space<vmem>> -> memref<624xf32, #tpu.memory_space<vmem>>
      %dma_wait3A_46 = tpu.memref_slice %arg4[%mul3A_18] : memref<10016xf32, #tpu.memory_space<vmem_shared>> -> memref<624xf32, #tpu.memory_space<vmem_shared>>
      tpu.wait_dma2 semaphore(%run_scoped3A : memref<!tpu.dma_semaphore, #tpu.memory_space<semaphore_mem>>) src(%dma_wait3A_46 : memref<624xf32, #tpu.memory_space<vmem_shared>>) dst(%dma_wait3A_45 : memref<624xf32, #tpu.memory_space<vmem>>)
      tpu.yield
    }) : () -> ()
    %mul3A_29 = arith.constant 10000 : i32
    %mul3A_30 = arith.muli %arg0, %mul3A_29 : i32
    %add3A_31 = arith.addi %mul3A_30, %mul3A_18 : i32
    "tpu.region"() ({
      %run_scoped3A = tpu.sem_alloc : memref<!tpu.dma_semaphore, #tpu.memory_space<semaphore_mem>>
      %dma_start3A = arith.constant 0 : i32
      %dma_start3A_37 = tpu.memref_slice %arg7[%dma_start3A] : memref<640xf32, #tpu.memory_space<vmem>> -> memref<624xf32, #tpu.memory_space<vmem>>
      %dma_start3A_38 = tpu.memref_slice %arg3[%add3A_31] : memref<20000xf32, #tpu.memory_space<hbm>> -> memref<624xf32, #tpu.memory_space<hbm>>
      %dma_start3A_39 = tpu.memref_slice %arg3[%add3A_31] : memref<20000xf32, #tpu.memory_space<hbm>> -> memref<624xf32, #tpu.memory_space<hbm>>
      %dma_start3A_40 = arith.constant 0 : i32
      %dma_start3A_41 = tpu.memref_slice %arg7[%dma_start3A_40] : memref<640xf32, #tpu.memory_space<vmem>> -> memref<624xf32, #tpu.memory_space<vmem>>
      tpu.enqueue_dma source(%dma_start3A_41 : memref<624xf32, #tpu.memory_space<vmem>>) target(%dma_start3A_39 : memref<624xf32, #tpu.memory_space<hbm>>) target_semaphore(%run_scoped3A : memref<!tpu.dma_semaphore, #tpu.memory_space<semaphore_mem>>)
      %dma_wait3A = arith.constant 0 : i32
      %dma_wait3A_42 = tpu.memref_slice %arg7[%dma_wait3A] : memref<640xf32, #tpu.memory_space<vmem>> -> memref<624xf32, #tpu.memory_space<vmem>>
      %dma_wait3A_43 = tpu.memref_slice %arg3[%add3A_31] : memref<20000xf32, #tpu.memory_space<hbm>> -> memref<624xf32, #tpu.memory_space<hbm>>
      %dma_wait3A_44 = tpu.memref_slice %arg3[%add3A_31] : memref<20000xf32, #tpu.memory_space<hbm>> -> memref<624xf32, #tpu.memory_space<hbm>>
      %dma_wait3A_45 = arith.constant 0 : i32
      %dma_wait3A_46 = tpu.memref_slice %arg7[%dma_wait3A_45] : memref<640xf32, #tpu.memory_space<vmem>> -> memref<624xf32, #tpu.memory_space<vmem>>
      tpu.wait_dma2 semaphore(%run_scoped3A : memref<!tpu.dma_semaphore, #tpu.memory_space<semaphore_mem>>) src(%dma_wait3A_46 : memref<624xf32, #tpu.memory_space<vmem>>) dst(%dma_wait3A_44 : memref<624xf32, #tpu.memory_space<hbm>>)
      tpu.yield
    }) : () -> ()
    %eq3A_32 = arith.constant 15 : i32
    %eq3A_33 = arith.cmpi eq, %arg1, %eq3A_32 : i32
    %convert_element_type3A_34 = arith.extui %eq3A_33 : i1 to i32
    %cond3A_35 = arith.constant 0 : i32
    %cond3A_36 = arith.cmpi ne, %convert_element_type3A_34, %cond3A_35 : i32
    scf.if %cond3A_36 {
      "tpu.region"() ({
        %run_scoped3A = tpu.sem_alloc : memref<!tpu.dma_semaphore, #tpu.memory_space<semaphore_mem>>
        %dma_start3A = arith.constant 0 : i32
        %dma_start3A_41 = tpu.memref_slice %arg7[%dma_start3A] : memref<640xf32, #tpu.memory_space<vmem>> -> memref<16xf32, #tpu.memory_space<vmem>>
        %dma_start3A_42 = arith.constant 9984 : i32
        %dma_start3A_43 = tpu.memref_slice %arg4[%dma_start3A_42] : memref<10016xf32, #tpu.memory_space<vmem_shared>> -> memref<16xf32, #tpu.memory_space<vmem_shared>>
        %dma_start3A_44 = arith.constant 0 : i32
        %dma_start3A_45 = tpu.memref_slice %arg7[%dma_start3A_44] : memref<640xf32, #tpu.memory_space<vmem>> -> memref<16xf32, #tpu.memory_space<vmem>>
        %dma_start3A_46 = arith.constant 9984 : i32
        %dma_start3A_47 = tpu.memref_slice %arg4[%dma_start3A_46] : memref<10016xf32, #tpu.memory_space<vmem_shared>> -> memref<16xf32, #tpu.memory_space<vmem_shared>>
        tpu.enqueue_dma source(%dma_start3A_47 : memref<16xf32, #tpu.memory_space<vmem_shared>>) target(%dma_start3A_45 : memref<16xf32, #tpu.memory_space<vmem>>) target_semaphore(%run_scoped3A : memref<!tpu.dma_semaphore, #tpu.memory_space<semaphore_mem>>)
        %dma_wait3A = arith.constant 0 : i32
        %dma_wait3A_48 = tpu.memref_slice %arg7[%dma_wait3A] : memref<640xf32, #tpu.memory_space<vmem>> -> memref<16xf32, #tpu.memory_space<vmem>>
        %dma_wait3A_49 = arith.constant 9984 : i32
        %dma_wait3A_50 = tpu.memref_slice %arg4[%dma_wait3A_49] : memref<10016xf32, #tpu.memory_space<vmem_shared>> -> memref<16xf32, #tpu.memory_space<vmem_shared>>
        %dma_wait3A_51 = arith.constant 0 : i32
        %dma_wait3A_52 = tpu.memref_slice %arg7[%dma_wait3A_51] : memref<640xf32, #tpu.memory_space<vmem>> -> memref<16xf32, #tpu.memory_space<vmem>>
        %dma_wait3A_53 = arith.constant 9984 : i32
        %dma_wait3A_54 = tpu.memref_slice %arg4[%dma_wait3A_53] : memref<10016xf32, #tpu.memory_space<vmem_shared>> -> memref<16xf32, #tpu.memory_space<vmem_shared>>
        tpu.wait_dma2 semaphore(%run_scoped3A : memref<!tpu.dma_semaphore, #tpu.memory_space<semaphore_mem>>) src(%dma_wait3A_54 : memref<16xf32, #tpu.memory_space<vmem_shared>>) dst(%dma_wait3A_52 : memref<16xf32, #tpu.memory_space<vmem>>)
        tpu.yield
      }) : () -> ()
      %mul3A_37 = arith.constant 10000 : i32
      %mul3A_38 = arith.muli %arg0, %mul3A_37 : i32
      %add3A_39 = arith.constant 9984 : i32
      %add3A_40 = arith.addi %mul3A_38, %add3A_39 : i32
      "tpu.region"() ({
        %run_scoped3A = tpu.sem_alloc : memref<!tpu.dma_semaphore, #tpu.memory_space<semaphore_mem>>
        %dma_start3A = arith.constant 0 : i32
        %dma_start3A_41 = tpu.memref_slice %arg7[%dma_start3A] : memref<640xf32, #tpu.memory_space<vmem>> -> memref<16xf32, #tpu.memory_space<vmem>>
        %dma_start3A_42 = tpu.memref_slice %arg3[%add3A_40] : memref<20000xf32, #tpu.memory_space<hbm>> -> memref<16xf32, #tpu.memory_space<hbm>>
        %dma_start3A_43 = tpu.memref_slice %arg3[%add3A_40] : memref<20000xf32, #tpu.memory_space<hbm>> -> memref<16xf32, #tpu.memory_space<hbm>>
        %dma_start3A_44 = arith.constant 0 : i32
        %dma_start3A_45 = tpu.memref_slice %arg7[%dma_start3A_44] : memref<640xf32, #tpu.memory_space<vmem>> -> memref<16xf32, #tpu.memory_space<vmem>>
        tpu.enqueue_dma source(%dma_start3A_45 : memref<16xf32, #tpu.memory_space<vmem>>) target(%dma_start3A_43 : memref<16xf32, #tpu.memory_space<hbm>>) target_semaphore(%run_scoped3A : memref<!tpu.dma_semaphore, #tpu.memory_space<semaphore_mem>>)
        %dma_wait3A = arith.constant 0 : i32
        %dma_wait3A_46 = tpu.memref_slice %arg7[%dma_wait3A] : memref<640xf32, #tpu.memory_space<vmem>> -> memref<16xf32, #tpu.memory_space<vmem>>
        %dma_wait3A_47 = tpu.memref_slice %arg3[%add3A_40] : memref<20000xf32, #tpu.memory_space<hbm>> -> memref<16xf32, #tpu.memory_space<hbm>>
        %dma_wait3A_48 = tpu.memref_slice %arg3[%add3A_40] : memref<20000xf32, #tpu.memory_space<hbm>> -> memref<16xf32, #tpu.memory_space<hbm>>
        %dma_wait3A_49 = arith.constant 0 : i32
        %dma_wait3A_50 = tpu.memref_slice %arg7[%dma_wait3A_49] : memref<640xf32, #tpu.memory_space<vmem>> -> memref<16xf32, #tpu.memory_space<vmem>>
        tpu.wait_dma2 semaphore(%run_scoped3A : memref<!tpu.dma_semaphore, #tpu.memory_space<semaphore_mem>>) src(%dma_wait3A_50 : memref<16xf32, #tpu.memory_space<vmem>>) dst(%dma_wait3A_48 : memref<16xf32, #tpu.memory_space<hbm>>)
        tpu.yield
      }) : () -> ()
    } else {
    }
    return
  }
}

#map = affine_map<(d0, d1) -> (0, 0)>
#map1 = affine_map<(d0, d1) -> (0, 0, 0)>
module attributes {stable_mosaic.version = 14 : i64} {
  func.func @agg_kernel(%arg0: i32, %arg1: i32, %arg2: memref<10000x128xf32, #tpu.memory_space<hbm>>, %arg3: memref<32x104x128xi32, #tpu.memory_space<hbm>>, %arg4: memref<32x104x128xi32, #tpu.memory_space<hbm>>, %arg5: memref<2x10000x128xf32, #tpu.memory_space<hbm>>, %arg6: memref<10016x128xf32, #tpu.memory_space<vmem_shared>>, %arg7: memref<104x128xi32, #tpu.memory_space<vmem>>, %arg8: memref<104x128xi32, #tpu.memory_space<vmem>>, %arg9: memref<128x128xf32, #tpu.memory_space<vmem>>, %arg10: memref<16x128xf32, #tpu.memory_space<vmem>>, %arg11: memref<!tpu.dma_semaphore, #tpu.memory_space<semaphore_mem>>) attributes {dimension_semantics = [#tpu.dimension_semantics<core_parallel>, #tpu.dimension_semantics<subcore_parallel>], iteration_bounds = array<i64: 2, 16>, scalar_prefetch = 0 : i64, scratch_operands = 6 : i64, tpu.core_type = #tpu.core_type<sc_vector_subcore>, window_params = [{transform_indices = #map}, {transform_indices = #map1}, {transform_indices = #map1}, {transform_indices = #map1}]} {
    %mul3A = arith.constant 2 : i32
    %mul3A_0 = arith.muli %arg1, %mul3A : i32
    %add3A = arith.addi %mul3A_0, %arg0 : i32
    %eq3A = arith.constant 0 : i32
    %eq3A_1 = arith.cmpi eq, %arg0, %eq3A : i32
    %jit3A = arith.constant 104 : i32
    %jit3A_2 = arith.constant 56 : i32
    %select_n3A = arith.select %eq3A_1, %jit3A, %jit3A_2 : i32
    "tpu.region"() ({
      %run_scoped3A = tpu.sem_alloc : memref<!tpu.dma_semaphore, #tpu.memory_space<semaphore_mem>>
      %dma_start3A = arith.constant 0 : i32
      %dma_start3A_58 = arith.constant 0 : i32
      %dma_start3A_59 = tpu.memref_slice %arg3[%add3A, %dma_start3A, %dma_start3A_58] : memref<32x104x128xi32, #tpu.memory_space<hbm>> -> memref<1x104x128xi32, #tpu.memory_space<hbm>>
      %dma_start3A_60 = tpu.memref_squeeze %dma_start3A_59 : memref<1x104x128xi32, #tpu.memory_space<hbm>> -> memref<104x128xi32, #tpu.memory_space<hbm>>
      %dma_start3A_61 = arith.constant 0 : i32
      %dma_start3A_62 = arith.constant 0 : i32
      %dma_start3A_63 = tpu.memref_slice %arg3[%add3A, %dma_start3A_61, %dma_start3A_62] : memref<32x104x128xi32, #tpu.memory_space<hbm>> -> memref<1x104x128xi32, #tpu.memory_space<hbm>>
      %dma_start3A_64 = tpu.memref_squeeze %dma_start3A_63 : memref<1x104x128xi32, #tpu.memory_space<hbm>> -> memref<104x128xi32, #tpu.memory_space<hbm>>
      tpu.enqueue_dma source(%dma_start3A_64 : memref<104x128xi32, #tpu.memory_space<hbm>>) target(%arg7 : memref<104x128xi32, #tpu.memory_space<vmem>>) target_semaphore(%run_scoped3A : memref<!tpu.dma_semaphore, #tpu.memory_space<semaphore_mem>>)
      %dma_wait3A = arith.constant 0 : i32
      %dma_wait3A_65 = arith.constant 0 : i32
      %dma_wait3A_66 = tpu.memref_slice %arg3[%add3A, %dma_wait3A, %dma_wait3A_65] : memref<32x104x128xi32, #tpu.memory_space<hbm>> -> memref<1x104x128xi32, #tpu.memory_space<hbm>>
      %dma_wait3A_67 = tpu.memref_squeeze %dma_wait3A_66 : memref<1x104x128xi32, #tpu.memory_space<hbm>> -> memref<104x128xi32, #tpu.memory_space<hbm>>
      %dma_wait3A_68 = arith.constant 0 : i32
      %dma_wait3A_69 = arith.constant 0 : i32
      %dma_wait3A_70 = tpu.memref_slice %arg3[%add3A, %dma_wait3A_68, %dma_wait3A_69] : memref<32x104x128xi32, #tpu.memory_space<hbm>> -> memref<1x104x128xi32, #tpu.memory_space<hbm>>
      %dma_wait3A_71 = tpu.memref_squeeze %dma_wait3A_70 : memref<1x104x128xi32, #tpu.memory_space<hbm>> -> memref<104x128xi32, #tpu.memory_space<hbm>>
      tpu.wait_dma2 semaphore(%run_scoped3A : memref<!tpu.dma_semaphore, #tpu.memory_space<semaphore_mem>>) src(%dma_wait3A_71 : memref<104x128xi32, #tpu.memory_space<hbm>>) dst(%arg7 : memref<104x128xi32, #tpu.memory_space<vmem>>)
      tpu.yield
    }) : () -> ()
    "tpu.region"() ({
      %run_scoped3A = tpu.sem_alloc : memref<!tpu.dma_semaphore, #tpu.memory_space<semaphore_mem>>
      %dma_start3A = arith.constant 0 : i32
      %dma_start3A_58 = arith.constant 0 : i32
      %dma_start3A_59 = tpu.memref_slice %arg4[%add3A, %dma_start3A, %dma_start3A_58] : memref<32x104x128xi32, #tpu.memory_space<hbm>> -> memref<1x104x128xi32, #tpu.memory_space<hbm>>
      %dma_start3A_60 = tpu.memref_squeeze %dma_start3A_59 : memref<1x104x128xi32, #tpu.memory_space<hbm>> -> memref<104x128xi32, #tpu.memory_space<hbm>>
      %dma_start3A_61 = arith.constant 0 : i32
      %dma_start3A_62 = arith.constant 0 : i32
      %dma_start3A_63 = tpu.memref_slice %arg4[%add3A, %dma_start3A_61, %dma_start3A_62] : memref<32x104x128xi32, #tpu.memory_space<hbm>> -> memref<1x104x128xi32, #tpu.memory_space<hbm>>
      %dma_start3A_64 = tpu.memref_squeeze %dma_start3A_63 : memref<1x104x128xi32, #tpu.memory_space<hbm>> -> memref<104x128xi32, #tpu.memory_space<hbm>>
      tpu.enqueue_dma source(%dma_start3A_64 : memref<104x128xi32, #tpu.memory_space<hbm>>) target(%arg8 : memref<104x128xi32, #tpu.memory_space<vmem>>) target_semaphore(%run_scoped3A : memref<!tpu.dma_semaphore, #tpu.memory_space<semaphore_mem>>)
      %dma_wait3A = arith.constant 0 : i32
      %dma_wait3A_65 = arith.constant 0 : i32
      %dma_wait3A_66 = tpu.memref_slice %arg4[%add3A, %dma_wait3A, %dma_wait3A_65] : memref<32x104x128xi32, #tpu.memory_space<hbm>> -> memref<1x104x128xi32, #tpu.memory_space<hbm>>
      %dma_wait3A_67 = tpu.memref_squeeze %dma_wait3A_66 : memref<1x104x128xi32, #tpu.memory_space<hbm>> -> memref<104x128xi32, #tpu.memory_space<hbm>>
      %dma_wait3A_68 = arith.constant 0 : i32
      %dma_wait3A_69 = arith.constant 0 : i32
      %dma_wait3A_70 = tpu.memref_slice %arg4[%add3A, %dma_wait3A_68, %dma_wait3A_69] : memref<32x104x128xi32, #tpu.memory_space<hbm>> -> memref<1x104x128xi32, #tpu.memory_space<hbm>>
      %dma_wait3A_71 = tpu.memref_squeeze %dma_wait3A_70 : memref<1x104x128xi32, #tpu.memory_space<hbm>> -> memref<104x128xi32, #tpu.memory_space<hbm>>
      tpu.wait_dma2 semaphore(%run_scoped3A : memref<!tpu.dma_semaphore, #tpu.memory_space<semaphore_mem>>) src(%dma_wait3A_71 : memref<104x128xi32, #tpu.memory_space<hbm>>) dst(%arg8 : memref<104x128xi32, #tpu.memory_space<vmem>>)
      tpu.yield
    }) : () -> ()
    %broadcast_in_dim3A = arith.constant 0.000000e+00 : f32
    %broadcast_in_dim3A_3 = vector.broadcast %broadcast_in_dim3A : f32 to vector<16xf32>
    %scan3A = arith.constant 0 : i32
    %scan3A_4 = arith.constant 0 : i32
    %scan3A_5 = arith.constant 128 : i32
    %scan3A_6 = arith.addi %scan3A_4, %scan3A_5 : i32
    %scan3A_7 = arith.constant 1 : i32
    %scan3A_8 = scf.for %scan3A_58 = %scan3A_4 to %scan3A_6 step %scan3A_7 iter_args(%scan3A_59 = %scan3A) -> (i32)  : i32 {
      %jit3A_60 = arith.constant 8 : i32
      %div3A = arith.divsi %scan3A_58, %jit3A_60 : i32
      %sign3A = arith.constant 0 : i32
      %sign3A_61 = arith.cmpi sgt, %scan3A_58, %sign3A : i32
      %sign3A_62 = arith.extui %sign3A_61 : i1 to i32
      %sign3A_63 = arith.constant 0 : i32
      %sign3A_64 = arith.cmpi slt, %scan3A_58, %sign3A_63 : i32
      %sign3A_65 = arith.extui %sign3A_64 : i1 to i32
      %sign3A_66 = arith.subi %sign3A_62, %sign3A_65 : i32
      %sign3A_67 = arith.constant 0 : i32
      %sign3A_68 = arith.cmpi sgt, %jit3A_60, %sign3A_67 : i32
      %sign3A_69 = arith.extui %sign3A_68 : i1 to i32
      %sign3A_70 = arith.constant 0 : i32
      %sign3A_71 = arith.cmpi slt, %jit3A_60, %sign3A_70 : i32
      %sign3A_72 = arith.extui %sign3A_71 : i1 to i32
      %sign3A_73 = arith.subi %sign3A_69, %sign3A_72 : i32
      %ne3A = arith.cmpi ne, %sign3A_66, %sign3A_73 : i32
      %rem3A = arith.remsi %scan3A_58, %jit3A_60 : i32
      %ne3A_74 = arith.constant 0 : i32
      %ne3A_75 = arith.cmpi ne, %rem3A, %ne3A_74 : i32
      %and3A = arith.andi %ne3A, %ne3A_75 : i1
      %sub3A = arith.constant 1 : i32
      %sub3A_76 = arith.subi %div3A, %sub3A : i32
      %select_n3A_77 = arith.select %and3A, %sub3A_76, %div3A : i32
      %jit3A_78 = arith.constant 8 : i32
      %eq3A_79 = arith.constant 0 : i32
      %eq3A_80 = arith.cmpi eq, %jit3A_78, %eq3A_79 : i32
      %jit3A_81 = arith.constant 1 : i32
      %select_n3A_82 = arith.select %eq3A_80, %jit3A_81, %jit3A_78 : i32
      %rem3A_83 = arith.remsi %scan3A_58, %select_n3A_82 : i32
      %ne3A_84 = arith.constant 0 : i32
      %ne3A_85 = arith.cmpi ne, %rem3A_83, %ne3A_84 : i32
      %lt3A = arith.constant 0 : i32
      %lt3A_86 = arith.cmpi slt, %rem3A_83, %lt3A : i32
      %lt3A_87 = arith.constant 0 : i32
      %lt3A_88 = arith.cmpi slt, %select_n3A_82, %lt3A_87 : i32
      %ne3A_89 = arith.xori %lt3A_86, %lt3A_88 : i1
      %and3A_90 = arith.andi %ne3A_89, %ne3A_85 : i1
      %add3A_91 = arith.addi %rem3A_83, %select_n3A_82 : i32
      %select_n3A_92 = arith.select %and3A_90, %add3A_91, %rem3A_83 : i32
      %mul3A_93 = arith.constant 16 : i32
      %mul3A_94 = arith.muli %select_n3A_92, %mul3A_93 : i32
      %swap3A = arith.index_cast %select_n3A_77 : i32 to index
      %swap3A_95 = arith.index_cast %mul3A_94 : i32 to index
      %swap3A_96 = tpu.vector_load %arg10[%swap3A, %swap3A_95] {strides = array<i32>} : memref<16x128xf32, #tpu.memory_space<vmem>>, vector<1x16xf32>,
      %swap3A_97 = vector.shape_cast %swap3A_96 : vector<1x16xf32> to vector<16xf32>
      %swap3A_98 = vector.shape_cast %broadcast_in_dim3A_3 : vector<16xf32> to vector<1x16xf32>
      tpu.vector_store %arg10[%swap3A, %swap3A_95], %swap3A_98 {strides = array<i32>} : memref<16x128xf32, #tpu.memory_space<vmem>>, vector<1x16xf32>,
      %scan3A_99 = arith.constant 0 : i32
      scf.yield %scan3A_99 : i32
    }
    %scan3A_9 = arith.constant 128 : i32
    %mul3A_10 = arith.constant 624 : i32
    %mul3A_11 = arith.muli %arg1, %mul3A_10 : i32
    %eq3A_12 = arith.constant 15 : i32
    %eq3A_13 = arith.cmpi eq, %arg1, %eq3A_12 : i32
    %jit3A_14 = arith.constant 41 : i32
    %jit3A_15 = arith.constant 39 : i32
    %select_n3A_16 = arith.select %eq3A_13, %jit3A_14, %jit3A_15 : i32
    %while3A = arith.constant 0 : i32
    %while3A_17 = arith.constant 0 : i32
    %while3A_18 = arith.subi %select_n3A_16, %while3A : i32
    %while3A_19 = arith.addi %while3A, %while3A_18 : i32
    %while3A_20 = arith.constant 1 : i32
    %while3A_21 = arith.divsi %while3A_18, %while3A_20 : i32
    %while3A_22 = arith.muli %while3A_21, %while3A_20 : i32
    %while3A_23 = arith.addi %while3A, %while3A_22 : i32
    %while3A_24 = arith.constant 1 : i32
    %while3A_25 = scf.for %while3A_58 = %while3A to %while3A_23 step %while3A_24 iter_args(%while3A_59 = %while3A_17) -> (i32)  : i32 {
      %mul3A_60 = arith.constant 16 : i32
      %mul3A_61 = arith.muli %while3A_58, %mul3A_60 : i32
      %add3A_62 = arith.addi %mul3A_11, %mul3A_61 : i32
      "tpu.region"() ({
        %run_scoped3A = tpu.sem_alloc : memref<!tpu.dma_semaphore, #tpu.memory_space<semaphore_mem>>
        %dma_start3A = arith.constant 0 : i32
        %dma_start3A_64 = tpu.memref_slice %arg6[%add3A_62, %dma_start3A] : memref<10016x128xf32, #tpu.memory_space<vmem_shared>> -> memref<16x128xf32, #tpu.memory_space<vmem_shared>>
        %dma_start3A_65 = arith.constant 0 : i32
        %dma_start3A_66 = tpu.memref_slice %arg6[%add3A_62, %dma_start3A_65] : memref<10016x128xf32, #tpu.memory_space<vmem_shared>> -> memref<16x128xf32, #tpu.memory_space<vmem_shared>>
        tpu.enqueue_dma source(%arg10 : memref<16x128xf32, #tpu.memory_space<vmem>>) target(%dma_start3A_66 : memref<16x128xf32, #tpu.memory_space<vmem_shared>>) target_semaphore(%run_scoped3A : memref<!tpu.dma_semaphore, #tpu.memory_space<semaphore_mem>>)
        %dma_wait3A = arith.constant 0 : i32
        %dma_wait3A_67 = tpu.memref_slice %arg6[%add3A_62, %dma_wait3A] : memref<10016x128xf32, #tpu.memory_space<vmem_shared>> -> memref<16x128xf32, #tpu.memory_space<vmem_shared>>
        %dma_wait3A_68 = arith.constant 0 : i32
        %dma_wait3A_69 = tpu.memref_slice %arg6[%add3A_62, %dma_wait3A_68] : memref<10016x128xf32, #tpu.memory_space<vmem_shared>> -> memref<16x128xf32, #tpu.memory_space<vmem_shared>>
        tpu.wait_dma2 semaphore(%run_scoped3A : memref<!tpu.dma_semaphore, #tpu.memory_space<semaphore_mem>>) src(%arg10 : memref<16x128xf32, #tpu.memory_space<vmem>>) dst(%dma_wait3A_69 : memref<16x128xf32, #tpu.memory_space<vmem_shared>>)
        tpu.yield
      }) : () -> ()
      %while3A_63 = arith.constant 0 : i32
      scf.yield %while3A_63 : i32
    }
    %while3A_26 = arith.constant 1 : i32
    %while3A_27 = scf.for %while3A_58 = %while3A_23 to %while3A_19 step %while3A_26 iter_args(%while3A_59 = %while3A_25) -> (i32)  : i32 {
      %mul3A_60 = arith.constant 16 : i32
      %mul3A_61 = arith.muli %while3A_58, %mul3A_60 : i32
      %add3A_62 = arith.addi %mul3A_11, %mul3A_61 : i32
      "tpu.region"() ({
        %run_scoped3A = tpu.sem_alloc : memref<!tpu.dma_semaphore, #tpu.memory_space<semaphore_mem>>
        %dma_start3A = arith.constant 0 : i32
        %dma_start3A_64 = tpu.memref_slice %arg6[%add3A_62, %dma_start3A] : memref<10016x128xf32, #tpu.memory_space<vmem_shared>> -> memref<16x128xf32, #tpu.memory_space<vmem_shared>>
        %dma_start3A_65 = arith.constant 0 : i32
        %dma_start3A_66 = tpu.memref_slice %arg6[%add3A_62, %dma_start3A_65] : memref<10016x128xf32, #tpu.memory_space<vmem_shared>> -> memref<16x128xf32, #tpu.memory_space<vmem_shared>>
        tpu.enqueue_dma source(%arg10 : memref<16x128xf32, #tpu.memory_space<vmem>>) target(%dma_start3A_66 : memref<16x128xf32, #tpu.memory_space<vmem_shared>>) target_semaphore(%run_scoped3A : memref<!tpu.dma_semaphore, #tpu.memory_space<semaphore_mem>>)
        %dma_wait3A = arith.constant 0 : i32
        %dma_wait3A_67 = tpu.memref_slice %arg6[%add3A_62, %dma_wait3A] : memref<10016x128xf32, #tpu.memory_space<vmem_shared>> -> memref<16x128xf32, #tpu.memory_space<vmem_shared>>
        %dma_wait3A_68 = arith.constant 0 : i32
        %dma_wait3A_69 = tpu.memref_slice %arg6[%add3A_62, %dma_wait3A_68] : memref<10016x128xf32, #tpu.memory_space<vmem_shared>> -> memref<16x128xf32, #tpu.memory_space<vmem_shared>>
        tpu.wait_dma2 semaphore(%run_scoped3A : memref<!tpu.dma_semaphore, #tpu.memory_space<semaphore_mem>>) src(%arg10 : memref<16x128xf32, #tpu.memory_space<vmem>>) dst(%dma_wait3A_69 : memref<16x128xf32, #tpu.memory_space<vmem_shared>>)
        tpu.yield
      }) : () -> ()
      %while3A_63 = arith.constant 0 : i32
      scf.yield %while3A_63 : i32
    }
    %barrier3A = arith.constant 0 : index
    tpu.barrier barrier_id(%barrier3A)
    %while3A_28 = arith.constant 0 : i32
    %while3A_29 = arith.constant 0 : i32
    %while3A_30 = arith.subi %select_n3A, %while3A_28 : i32
    %while3A_31 = arith.addi %while3A_28, %while3A_30 : i32
    %while3A_32 = arith.constant 1 : i32
    %while3A_33 = arith.divsi %while3A_30, %while3A_32 : i32
    %while3A_34 = arith.muli %while3A_33, %while3A_32 : i32
    %while3A_35 = arith.addi %while3A_28, %while3A_34 : i32
    %while3A_36 = arith.constant 1 : i32
    %while3A_37 = scf.for %while3A_58 = %while3A_28 to %while3A_35 step %while3A_36 iter_args(%while3A_59 = %while3A_29) -> (i32)  : i32 {
      %dma_start3A = arith.constant 0 : i32
      %dma_start3A_60 = tpu.memref_slice %arg7[%while3A_58, %dma_start3A] : memref<104x128xi32, #tpu.memory_space<vmem>> -> memref<1x128xi32, #tpu.memory_space<vmem>>
      %dma_start3A_61 = tpu.memref_squeeze %dma_start3A_60 : memref<1x128xi32, #tpu.memory_space<vmem>> -> memref<128xi32, #tpu.memory_space<vmem>>
      %dma_start3A_62 = arith.constant 0 : i32
      %dma_start3A_63 = arith.constant 0 : i32
      %dma_start3A_64 = tpu.memref_slice %arg2[%dma_start3A_62, %dma_start3A_63] : memref<10000x128xf32, #tpu.memory_space<hbm>> -> memref<10000x128xf32, #tpu.memory_space<hbm>>
      tpu.enqueue_indirect_dma source(%dma_start3A_64 : memref<10000x128xf32, #tpu.memory_space<hbm>>) target(%arg9 : memref<128x128xf32, #tpu.memory_space<vmem>>) offsets(%dma_start3A_61 : memref<128xi32, #tpu.memory_space<vmem>>) semaphore(%arg11 : memref<!tpu.dma_semaphore, #tpu.memory_space<semaphore_mem>>)
      %dma_wait3A = arith.constant 0 : i32
      %dma_wait3A_65 = tpu.memref_slice %arg7[%while3A_58, %dma_wait3A] : memref<104x128xi32, #tpu.memory_space<vmem>> -> memref<1x128xi32, #tpu.memory_space<vmem>>
      %dma_wait3A_66 = tpu.memref_squeeze %dma_wait3A_65 : memref<1x128xi32, #tpu.memory_space<vmem>> -> memref<128xi32, #tpu.memory_space<vmem>>
      %dma_wait3A_67 = arith.constant 0 : i32
      %dma_wait3A_68 = arith.constant 0 : i32
      %dma_wait3A_69 = tpu.memref_slice %arg2[%dma_wait3A_67, %dma_wait3A_68] : memref<10000x128xf32, #tpu.memory_space<hbm>> -> memref<10000x128xf32, #tpu.memory_space<hbm>>
      tpu.wait_indirect_dma semaphore(%arg11 : memref<!tpu.dma_semaphore, #tpu.memory_space<semaphore_mem>>) src(%dma_wait3A_69 : memref<10000x128xf32, #tpu.memory_space<hbm>>) dst(%arg9 : memref<128x128xf32, #tpu.memory_space<vmem>>)
      "tpu.region"() ({
        %run_scoped3A = tpu.sem_alloc : memref<!tpu.dma_semaphore, #tpu.memory_space<semaphore_mem>>
        %dma_start3A_71 = arith.constant 0 : i32
        %dma_start3A_72 = tpu.memref_slice %arg8[%while3A_58, %dma_start3A_71] : memref<104x128xi32, #tpu.memory_space<vmem>> -> memref<1x128xi32, #tpu.memory_space<vmem>>
        %dma_start3A_73 = tpu.memref_squeeze %dma_start3A_72 : memref<1x128xi32, #tpu.memory_space<vmem>> -> memref<128xi32, #tpu.memory_space<vmem>>
        %dma_start3A_74 = arith.constant 0 : i32
        %dma_start3A_75 = arith.constant 0 : i32
        %dma_start3A_76 = tpu.memref_slice %arg6[%dma_start3A_74, %dma_start3A_75] : memref<10016x128xf32, #tpu.memory_space<vmem_shared>> -> memref<10016x128xf32, #tpu.memory_space<vmem_shared>>
        tpu.enqueue_indirect_dma source(%arg9 : memref<128x128xf32, #tpu.memory_space<vmem>>) target(%dma_start3A_76 : memref<10016x128xf32, #tpu.memory_space<vmem_shared>>) offsets(%dma_start3A_73 : memref<128xi32, #tpu.memory_space<vmem>>) semaphore(%run_scoped3A : memref<!tpu.dma_semaphore, #tpu.memory_space<semaphore_mem>>) {add = true}
        %dma_wait3A_77 = arith.constant 0 : i32
        %dma_wait3A_78 = tpu.memref_slice %arg8[%while3A_58, %dma_wait3A_77] : memref<104x128xi32, #tpu.memory_space<vmem>> -> memref<1x128xi32, #tpu.memory_space<vmem>>
        %dma_wait3A_79 = tpu.memref_squeeze %dma_wait3A_78 : memref<1x128xi32, #tpu.memory_space<vmem>> -> memref<128xi32, #tpu.memory_space<vmem>>
        %dma_wait3A_80 = arith.constant 0 : i32
        %dma_wait3A_81 = arith.constant 0 : i32
        %dma_wait3A_82 = tpu.memref_slice %arg6[%dma_wait3A_80, %dma_wait3A_81] : memref<10016x128xf32, #tpu.memory_space<vmem_shared>> -> memref<10016x128xf32, #tpu.memory_space<vmem_shared>>
        tpu.wait_indirect_dma semaphore(%run_scoped3A : memref<!tpu.dma_semaphore, #tpu.memory_space<semaphore_mem>>) src(%arg9 : memref<128x128xf32, #tpu.memory_space<vmem>>) dst(%dma_wait3A_82 : memref<10016x128xf32, #tpu.memory_space<vmem_shared>>)
        tpu.yield
      }) : () -> ()
      %while3A_70 = arith.constant 0 : i32
      scf.yield %while3A_70 : i32
    }
    %while3A_38 = arith.constant 1 : i32
    %while3A_39 = scf.for %while3A_58 = %while3A_35 to %while3A_31 step %while3A_38 iter_args(%while3A_59 = %while3A_37) -> (i32)  : i32 {
      %dma_start3A = arith.constant 0 : i32
      %dma_start3A_60 = tpu.memref_slice %arg7[%while3A_58, %dma_start3A] : memref<104x128xi32, #tpu.memory_space<vmem>> -> memref<1x128xi32, #tpu.memory_space<vmem>>
      %dma_start3A_61 = tpu.memref_squeeze %dma_start3A_60 : memref<1x128xi32, #tpu.memory_space<vmem>> -> memref<128xi32, #tpu.memory_space<vmem>>
      %dma_start3A_62 = arith.constant 0 : i32
      %dma_start3A_63 = arith.constant 0 : i32
      %dma_start3A_64 = tpu.memref_slice %arg2[%dma_start3A_62, %dma_start3A_63] : memref<10000x128xf32, #tpu.memory_space<hbm>> -> memref<10000x128xf32, #tpu.memory_space<hbm>>
      tpu.enqueue_indirect_dma source(%dma_start3A_64 : memref<10000x128xf32, #tpu.memory_space<hbm>>) target(%arg9 : memref<128x128xf32, #tpu.memory_space<vmem>>) offsets(%dma_start3A_61 : memref<128xi32, #tpu.memory_space<vmem>>) semaphore(%arg11 : memref<!tpu.dma_semaphore, #tpu.memory_space<semaphore_mem>>)
      %dma_wait3A = arith.constant 0 : i32
      %dma_wait3A_65 = tpu.memref_slice %arg7[%while3A_58, %dma_wait3A] : memref<104x128xi32, #tpu.memory_space<vmem>> -> memref<1x128xi32, #tpu.memory_space<vmem>>
      %dma_wait3A_66 = tpu.memref_squeeze %dma_wait3A_65 : memref<1x128xi32, #tpu.memory_space<vmem>> -> memref<128xi32, #tpu.memory_space<vmem>>
      %dma_wait3A_67 = arith.constant 0 : i32
      %dma_wait3A_68 = arith.constant 0 : i32
      %dma_wait3A_69 = tpu.memref_slice %arg2[%dma_wait3A_67, %dma_wait3A_68] : memref<10000x128xf32, #tpu.memory_space<hbm>> -> memref<10000x128xf32, #tpu.memory_space<hbm>>
      tpu.wait_indirect_dma semaphore(%arg11 : memref<!tpu.dma_semaphore, #tpu.memory_space<semaphore_mem>>) src(%dma_wait3A_69 : memref<10000x128xf32, #tpu.memory_space<hbm>>) dst(%arg9 : memref<128x128xf32, #tpu.memory_space<vmem>>)
      "tpu.region"() ({
        %run_scoped3A = tpu.sem_alloc : memref<!tpu.dma_semaphore, #tpu.memory_space<semaphore_mem>>
        %dma_start3A_71 = arith.constant 0 : i32
        %dma_start3A_72 = tpu.memref_slice %arg8[%while3A_58, %dma_start3A_71] : memref<104x128xi32, #tpu.memory_space<vmem>> -> memref<1x128xi32, #tpu.memory_space<vmem>>
        %dma_start3A_73 = tpu.memref_squeeze %dma_start3A_72 : memref<1x128xi32, #tpu.memory_space<vmem>> -> memref<128xi32, #tpu.memory_space<vmem>>
        %dma_start3A_74 = arith.constant 0 : i32
        %dma_start3A_75 = arith.constant 0 : i32
        %dma_start3A_76 = tpu.memref_slice %arg6[%dma_start3A_74, %dma_start3A_75] : memref<10016x128xf32, #tpu.memory_space<vmem_shared>> -> memref<10016x128xf32, #tpu.memory_space<vmem_shared>>
        tpu.enqueue_indirect_dma source(%arg9 : memref<128x128xf32, #tpu.memory_space<vmem>>) target(%dma_start3A_76 : memref<10016x128xf32, #tpu.memory_space<vmem_shared>>) offsets(%dma_start3A_73 : memref<128xi32, #tpu.memory_space<vmem>>) semaphore(%run_scoped3A : memref<!tpu.dma_semaphore, #tpu.memory_space<semaphore_mem>>) {add = true}
        %dma_wait3A_77 = arith.constant 0 : i32
        %dma_wait3A_78 = tpu.memref_slice %arg8[%while3A_58, %dma_wait3A_77] : memref<104x128xi32, #tpu.memory_space<vmem>> -> memref<1x128xi32, #tpu.memory_space<vmem>>
        %dma_wait3A_79 = tpu.memref_squeeze %dma_wait3A_78 : memref<1x128xi32, #tpu.memory_space<vmem>> -> memref<128xi32, #tpu.memory_space<vmem>>
        %dma_wait3A_80 = arith.constant 0 : i32
        %dma_wait3A_81 = arith.constant 0 : i32
        %dma_wait3A_82 = tpu.memref_slice %arg6[%dma_wait3A_80, %dma_wait3A_81] : memref<10016x128xf32, #tpu.memory_space<vmem_shared>> -> memref<10016x128xf32, #tpu.memory_space<vmem_shared>>
        tpu.wait_indirect_dma semaphore(%run_scoped3A : memref<!tpu.dma_semaphore, #tpu.memory_space<semaphore_mem>>) src(%arg9 : memref<128x128xf32, #tpu.memory_space<vmem>>) dst(%dma_wait3A_82 : memref<10016x128xf32, #tpu.memory_space<vmem_shared>>)
        tpu.yield
      }) : () -> ()
      %while3A_70 = arith.constant 0 : i32
      scf.yield %while3A_70 : i32
    }
    %barrier3A_40 = arith.constant 0 : index
    tpu.barrier barrier_id(%barrier3A_40)
    %eq3A_41 = arith.constant 15 : i32
    %eq3A_42 = arith.cmpi eq, %arg1, %eq3A_41 : i32
    %jit3A_43 = arith.constant 40 : i32
    %jit3A_44 = arith.constant 39 : i32
    %select_n3A_45 = arith.select %eq3A_42, %jit3A_43, %jit3A_44 : i32
    %while3A_46 = arith.constant 0 : i32
    %while3A_47 = arith.constant 0 : i32
    %while3A_48 = arith.subi %select_n3A_45, %while3A_46 : i32
    %while3A_49 = arith.addi %while3A_46, %while3A_48 : i32
    %while3A_50 = arith.constant 1 : i32
    %while3A_51 = arith.divsi %while3A_48, %while3A_50 : i32
    %while3A_52 = arith.muli %while3A_51, %while3A_50 : i32
    %while3A_53 = arith.addi %while3A_46, %while3A_52 : i32
    %while3A_54 = arith.constant 1 : i32
    %while3A_55 = scf.for %while3A_58 = %while3A_46 to %while3A_53 step %while3A_54 iter_args(%while3A_59 = %while3A_47) -> (i32)  : i32 {
      %mul3A_60 = arith.constant 16 : i32
      %mul3A_61 = arith.muli %while3A_58, %mul3A_60 : i32
      %add3A_62 = arith.addi %mul3A_11, %mul3A_61 : i32
      "tpu.region"() ({
        %run_scoped3A = tpu.sem_alloc : memref<!tpu.dma_semaphore, #tpu.memory_space<semaphore_mem>>
        %dma_start3A = arith.constant 0 : i32
        %dma_start3A_64 = tpu.memref_slice %arg6[%add3A_62, %dma_start3A] : memref<10016x128xf32, #tpu.memory_space<vmem_shared>> -> memref<16x128xf32, #tpu.memory_space<vmem_shared>>
        %dma_start3A_65 = arith.constant 0 : i32
        %dma_start3A_66 = tpu.memref_slice %arg6[%add3A_62, %dma_start3A_65] : memref<10016x128xf32, #tpu.memory_space<vmem_shared>> -> memref<16x128xf32, #tpu.memory_space<vmem_shared>>
        tpu.enqueue_dma source(%dma_start3A_66 : memref<16x128xf32, #tpu.memory_space<vmem_shared>>) target(%arg10 : memref<16x128xf32, #tpu.memory_space<vmem>>) target_semaphore(%run_scoped3A : memref<!tpu.dma_semaphore, #tpu.memory_space<semaphore_mem>>)
        %dma_wait3A = arith.constant 0 : i32
        %dma_wait3A_67 = tpu.memref_slice %arg6[%add3A_62, %dma_wait3A] : memref<10016x128xf32, #tpu.memory_space<vmem_shared>> -> memref<16x128xf32, #tpu.memory_space<vmem_shared>>
        %dma_wait3A_68 = arith.constant 0 : i32
        %dma_wait3A_69 = tpu.memref_slice %arg6[%add3A_62, %dma_wait3A_68] : memref<10016x128xf32, #tpu.memory_space<vmem_shared>> -> memref<16x128xf32, #tpu.memory_space<vmem_shared>>
        tpu.wait_dma2 semaphore(%run_scoped3A : memref<!tpu.dma_semaphore, #tpu.memory_space<semaphore_mem>>) src(%dma_wait3A_69 : memref<16x128xf32, #tpu.memory_space<vmem_shared>>) dst(%arg10 : memref<16x128xf32, #tpu.memory_space<vmem>>)
        tpu.yield
      }) : () -> ()
      "tpu.region"() ({
        %run_scoped3A = tpu.sem_alloc : memref<!tpu.dma_semaphore, #tpu.memory_space<semaphore_mem>>
        %dma_start3A = arith.constant 0 : i32
        %dma_start3A_64 = tpu.memref_slice %arg5[%arg0, %add3A_62, %dma_start3A] : memref<2x10000x128xf32, #tpu.memory_space<hbm>> -> memref<1x16x128xf32, #tpu.memory_space<hbm>>
        %dma_start3A_65 = tpu.memref_squeeze %dma_start3A_64 : memref<1x16x128xf32, #tpu.memory_space<hbm>> -> memref<16x128xf32, #tpu.memory_space<hbm>>
        %dma_start3A_66 = arith.constant 0 : i32
        %dma_start3A_67 = tpu.memref_slice %arg5[%arg0, %add3A_62, %dma_start3A_66] : memref<2x10000x128xf32, #tpu.memory_space<hbm>> -> memref<1x16x128xf32, #tpu.memory_space<hbm>>
        %dma_start3A_68 = tpu.memref_squeeze %dma_start3A_67 : memref<1x16x128xf32, #tpu.memory_space<hbm>> -> memref<16x128xf32, #tpu.memory_space<hbm>>
        tpu.enqueue_dma source(%arg10 : memref<16x128xf32, #tpu.memory_space<vmem>>) target(%dma_start3A_68 : memref<16x128xf32, #tpu.memory_space<hbm>>) target_semaphore(%run_scoped3A : memref<!tpu.dma_semaphore, #tpu.memory_space<semaphore_mem>>)
        %dma_wait3A = arith.constant 0 : i32
        %dma_wait3A_69 = tpu.memref_slice %arg5[%arg0, %add3A_62, %dma_wait3A] : memref<2x10000x128xf32, #tpu.memory_space<hbm>> -> memref<1x16x128xf32, #tpu.memory_space<hbm>>
        %dma_wait3A_70 = tpu.memref_squeeze %dma_wait3A_69 : memref<1x16x128xf32, #tpu.memory_space<hbm>> -> memref<16x128xf32, #tpu.memory_space<hbm>>
        %dma_wait3A_71 = arith.constant 0 : i32
        %dma_wait3A_72 = tpu.memref_slice %arg5[%arg0, %add3A_62, %dma_wait3A_71] : memref<2x10000x128xf32, #tpu.memory_space<hbm>> -> memref<1x16x128xf32, #tpu.memory_space<hbm>>
        %dma_wait3A_73 = tpu.memref_squeeze %dma_wait3A_72 : memref<1x16x128xf32, #tpu.memory_space<hbm>> -> memref<16x128xf32, #tpu.memory_space<hbm>>
        tpu.wait_dma2 semaphore(%run_scoped3A : memref<!tpu.dma_semaphore, #tpu.memory_space<semaphore_mem>>) src(%arg10 : memref<16x128xf32, #tpu.memory_space<vmem>>) dst(%dma_wait3A_73 : memref<16x128xf32, #tpu.memory_space<hbm>>)
        tpu.yield
      }) : () -> ()
      %while3A_63 = arith.constant 0 : i32
      scf.yield %while3A_63 : i32
    }
    %while3A_56 = arith.constant 1 : i32
    %while3A_57 = scf.for %while3A_58 = %while3A_53 to %while3A_49 step %while3A_56 iter_args(%while3A_59 = %while3A_55) -> (i32)  : i32 {
      %mul3A_60 = arith.constant 16 : i32
      %mul3A_61 = arith.muli %while3A_58, %mul3A_60 : i32
      %add3A_62 = arith.addi %mul3A_11, %mul3A_61 : i32
      "tpu.region"() ({
        %run_scoped3A = tpu.sem_alloc : memref<!tpu.dma_semaphore, #tpu.memory_space<semaphore_mem>>
        %dma_start3A = arith.constant 0 : i32
        %dma_start3A_64 = tpu.memref_slice %arg6[%add3A_62, %dma_start3A] : memref<10016x128xf32, #tpu.memory_space<vmem_shared>> -> memref<16x128xf32, #tpu.memory_space<vmem_shared>>
        %dma_start3A_65 = arith.constant 0 : i32
        %dma_start3A_66 = tpu.memref_slice %arg6[%add3A_62, %dma_start3A_65] : memref<10016x128xf32, #tpu.memory_space<vmem_shared>> -> memref<16x128xf32, #tpu.memory_space<vmem_shared>>
        tpu.enqueue_dma source(%dma_start3A_66 : memref<16x128xf32, #tpu.memory_space<vmem_shared>>) target(%arg10 : memref<16x128xf32, #tpu.memory_space<vmem>>) target_semaphore(%run_scoped3A : memref<!tpu.dma_semaphore, #tpu.memory_space<semaphore_mem>>)
        %dma_wait3A = arith.constant 0 : i32
        %dma_wait3A_67 = tpu.memref_slice %arg6[%add3A_62, %dma_wait3A] : memref<10016x128xf32, #tpu.memory_space<vmem_shared>> -> memref<16x128xf32, #tpu.memory_space<vmem_shared>>
        %dma_wait3A_68 = arith.constant 0 : i32
        %dma_wait3A_69 = tpu.memref_slice %arg6[%add3A_62, %dma_wait3A_68] : memref<10016x128xf32, #tpu.memory_space<vmem_shared>> -> memref<16x128xf32, #tpu.memory_space<vmem_shared>>
        tpu.wait_dma2 semaphore(%run_scoped3A : memref<!tpu.dma_semaphore, #tpu.memory_space<semaphore_mem>>) src(%dma_wait3A_69 : memref<16x128xf32, #tpu.memory_space<vmem_shared>>) dst(%arg10 : memref<16x128xf32, #tpu.memory_space<vmem>>)
        tpu.yield
      }) : () -> ()
      "tpu.region"() ({
        %run_scoped3A = tpu.sem_alloc : memref<!tpu.dma_semaphore, #tpu.memory_space<semaphore_mem>>
        %dma_start3A = arith.constant 0 : i32
        %dma_start3A_64 = tpu.memref_slice %arg5[%arg0, %add3A_62, %dma_start3A] : memref<2x10000x128xf32, #tpu.memory_space<hbm>> -> memref<1x16x128xf32, #tpu.memory_space<hbm>>
        %dma_start3A_65 = tpu.memref_squeeze %dma_start3A_64 : memref<1x16x128xf32, #tpu.memory_space<hbm>> -> memref<16x128xf32, #tpu.memory_space<hbm>>
        %dma_start3A_66 = arith.constant 0 : i32
        %dma_start3A_67 = tpu.memref_slice %arg5[%arg0, %add3A_62, %dma_start3A_66] : memref<2x10000x128xf32, #tpu.memory_space<hbm>> -> memref<1x16x128xf32, #tpu.memory_space<hbm>>
        %dma_start3A_68 = tpu.memref_squeeze %dma_start3A_67 : memref<1x16x128xf32, #tpu.memory_space<hbm>> -> memref<16x128xf32, #tpu.memory_space<hbm>>
        tpu.enqueue_dma source(%arg10 : memref<16x128xf32, #tpu.memory_space<vmem>>) target(%dma_start3A_68 : memref<16x128xf32, #tpu.memory_space<hbm>>) target_semaphore(%run_scoped3A : memref<!tpu.dma_semaphore, #tpu.memory_space<semaphore_mem>>)
        %dma_wait3A = arith.constant 0 : i32
        %dma_wait3A_69 = tpu.memref_slice %arg5[%arg0, %add3A_62, %dma_wait3A] : memref<2x10000x128xf32, #tpu.memory_space<hbm>> -> memref<1x16x128xf32, #tpu.memory_space<hbm>>
        %dma_wait3A_70 = tpu.memref_squeeze %dma_wait3A_69 : memref<1x16x128xf32, #tpu.memory_space<hbm>> -> memref<16x128xf32, #tpu.memory_space<hbm>>
        %dma_wait3A_71 = arith.constant 0 : i32
        %dma_wait3A_72 = tpu.memref_slice %arg5[%arg0, %add3A_62, %dma_wait3A_71] : memref<2x10000x128xf32, #tpu.memory_space<hbm>> -> memref<1x16x128xf32, #tpu.memory_space<hbm>>
        %dma_wait3A_73 = tpu.memref_squeeze %dma_wait3A_72 : memref<1x16x128xf32, #tpu.memory_space<hbm>> -> memref<16x128xf32, #tpu.memory_space<hbm>>
        tpu.wait_dma2 semaphore(%run_scoped3A : memref<!tpu.dma_semaphore, #tpu.memory_space<semaphore_mem>>) src(%arg10 : memref<16x128xf32, #tpu.memory_space<vmem>>) dst(%dma_wait3A_73 : memref<16x128xf32, #tpu.memory_space<hbm>>)
        tpu.yield
      }) : () -> ()
      %while3A_63 = arith.constant 0 : i32
      scf.yield %while3A_63 : i32
    }
    return
  }
}

#map = affine_map<(d0, d1) -> (0, 0)>
#map1 = affine_map<(d0, d1) -> (0, 0, 0)>
module attributes {stable_mosaic.version = 14 : i64} {
  func.func @agg_kernel(%arg0: i32, %arg1: i32, %arg2: memref<10000x128xf32, #tpu.memory_space<hbm>>, %arg3: memref<32x104x128xi32, #tpu.memory_space<hbm>>, %arg4: memref<32x104x128xi32, #tpu.memory_space<hbm>>, %arg5: memref<2x10000x128xf32, #tpu.memory_space<hbm>>, %arg6: memref<10016x128xf32, #tpu.memory_space<vmem_shared>>, %arg7: memref<104x128xi32, #tpu.memory_space<vmem>>, %arg8: memref<104x128xi32, #tpu.memory_space<vmem>>, %arg9: memref<128x128xf32, #tpu.memory_space<vmem>>, %arg10: memref<16x128xf32, #tpu.memory_space<vmem>>, %arg11: memref<!tpu.dma_semaphore, #tpu.memory_space<semaphore_mem>>) attributes {dimension_semantics = [#tpu.dimension_semantics<core_parallel>, #tpu.dimension_semantics<subcore_parallel>], iteration_bounds = array<i64: 2, 16>, scalar_prefetch = 0 : i64, scratch_operands = 6 : i64, tpu.core_type = #tpu.core_type<sc_vector_subcore>, window_params = [{transform_indices = #map}, {transform_indices = #map1}, {transform_indices = #map1}, {transform_indices = #map1}]} {
    %mul3A = arith.constant 2 : i32
    %mul3A_0 = arith.muli %arg1, %mul3A : i32
    %add3A = arith.addi %mul3A_0, %arg0 : i32
    %eq3A = arith.constant 0 : i32
    %eq3A_1 = arith.cmpi eq, %arg0, %eq3A : i32
    %jit3A = arith.constant 104 : i32
    %jit3A_2 = arith.constant 56 : i32
    %select_n3A = arith.select %eq3A_1, %jit3A, %jit3A_2 : i32
    "tpu.region"() ({
      %run_scoped3A = tpu.sem_alloc : memref<!tpu.dma_semaphore, #tpu.memory_space<semaphore_mem>>
      %dma_start3A = arith.constant 0 : i32
      %dma_start3A_58 = arith.constant 0 : i32
      %dma_start3A_59 = tpu.memref_slice %arg3[%add3A, %dma_start3A, %dma_start3A_58] : memref<32x104x128xi32, #tpu.memory_space<hbm>> -> memref<1x104x128xi32, #tpu.memory_space<hbm>>
      %dma_start3A_60 = tpu.memref_squeeze %dma_start3A_59 : memref<1x104x128xi32, #tpu.memory_space<hbm>> -> memref<104x128xi32, #tpu.memory_space<hbm>>
      %dma_start3A_61 = arith.constant 0 : i32
      %dma_start3A_62 = arith.constant 0 : i32
      %dma_start3A_63 = tpu.memref_slice %arg3[%add3A, %dma_start3A_61, %dma_start3A_62] : memref<32x104x128xi32, #tpu.memory_space<hbm>> -> memref<1x104x128xi32, #tpu.memory_space<hbm>>
      %dma_start3A_64 = tpu.memref_squeeze %dma_start3A_63 : memref<1x104x128xi32, #tpu.memory_space<hbm>> -> memref<104x128xi32, #tpu.memory_space<hbm>>
      tpu.enqueue_dma source(%dma_start3A_64 : memref<104x128xi32, #tpu.memory_space<hbm>>) target(%arg7 : memref<104x128xi32, #tpu.memory_space<vmem>>) target_semaphore(%run_scoped3A : memref<!tpu.dma_semaphore, #tpu.memory_space<semaphore_mem>>)
      %dma_wait3A = arith.constant 0 : i32
      %dma_wait3A_65 = arith.constant 0 : i32
      %dma_wait3A_66 = tpu.memref_slice %arg3[%add3A, %dma_wait3A, %dma_wait3A_65] : memref<32x104x128xi32, #tpu.memory_space<hbm>> -> memref<1x104x128xi32, #tpu.memory_space<hbm>>
      %dma_wait3A_67 = tpu.memref_squeeze %dma_wait3A_66 : memref<1x104x128xi32, #tpu.memory_space<hbm>> -> memref<104x128xi32, #tpu.memory_space<hbm>>
      %dma_wait3A_68 = arith.constant 0 : i32
      %dma_wait3A_69 = arith.constant 0 : i32
      %dma_wait3A_70 = tpu.memref_slice %arg3[%add3A, %dma_wait3A_68, %dma_wait3A_69] : memref<32x104x128xi32, #tpu.memory_space<hbm>> -> memref<1x104x128xi32, #tpu.memory_space<hbm>>
      %dma_wait3A_71 = tpu.memref_squeeze %dma_wait3A_70 : memref<1x104x128xi32, #tpu.memory_space<hbm>> -> memref<104x128xi32, #tpu.memory_space<hbm>>
      tpu.wait_dma2 semaphore(%run_scoped3A : memref<!tpu.dma_semaphore, #tpu.memory_space<semaphore_mem>>) src(%dma_wait3A_71 : memref<104x128xi32, #tpu.memory_space<hbm>>) dst(%arg7 : memref<104x128xi32, #tpu.memory_space<vmem>>)
      tpu.yield
    }) : () -> ()
    "tpu.region"() ({
      %run_scoped3A = tpu.sem_alloc : memref<!tpu.dma_semaphore, #tpu.memory_space<semaphore_mem>>
      %dma_start3A = arith.constant 0 : i32
      %dma_start3A_58 = arith.constant 0 : i32
      %dma_start3A_59 = tpu.memref_slice %arg4[%add3A, %dma_start3A, %dma_start3A_58] : memref<32x104x128xi32, #tpu.memory_space<hbm>> -> memref<1x104x128xi32, #tpu.memory_space<hbm>>
      %dma_start3A_60 = tpu.memref_squeeze %dma_start3A_59 : memref<1x104x128xi32, #tpu.memory_space<hbm>> -> memref<104x128xi32, #tpu.memory_space<hbm>>
      %dma_start3A_61 = arith.constant 0 : i32
      %dma_start3A_62 = arith.constant 0 : i32
      %dma_start3A_63 = tpu.memref_slice %arg4[%add3A, %dma_start3A_61, %dma_start3A_62] : memref<32x104x128xi32, #tpu.memory_space<hbm>> -> memref<1x104x128xi32, #tpu.memory_space<hbm>>
      %dma_start3A_64 = tpu.memref_squeeze %dma_start3A_63 : memref<1x104x128xi32, #tpu.memory_space<hbm>> -> memref<104x128xi32, #tpu.memory_space<hbm>>
      tpu.enqueue_dma source(%dma_start3A_64 : memref<104x128xi32, #tpu.memory_space<hbm>>) target(%arg8 : memref<104x128xi32, #tpu.memory_space<vmem>>) target_semaphore(%run_scoped3A : memref<!tpu.dma_semaphore, #tpu.memory_space<semaphore_mem>>)
      %dma_wait3A = arith.constant 0 : i32
      %dma_wait3A_65 = arith.constant 0 : i32
      %dma_wait3A_66 = tpu.memref_slice %arg4[%add3A, %dma_wait3A, %dma_wait3A_65] : memref<32x104x128xi32, #tpu.memory_space<hbm>> -> memref<1x104x128xi32, #tpu.memory_space<hbm>>
      %dma_wait3A_67 = tpu.memref_squeeze %dma_wait3A_66 : memref<1x104x128xi32, #tpu.memory_space<hbm>> -> memref<104x128xi32, #tpu.memory_space<hbm>>
      %dma_wait3A_68 = arith.constant 0 : i32
      %dma_wait3A_69 = arith.constant 0 : i32
      %dma_wait3A_70 = tpu.memref_slice %arg4[%add3A, %dma_wait3A_68, %dma_wait3A_69] : memref<32x104x128xi32, #tpu.memory_space<hbm>> -> memref<1x104x128xi32, #tpu.memory_space<hbm>>
      %dma_wait3A_71 = tpu.memref_squeeze %dma_wait3A_70 : memref<1x104x128xi32, #tpu.memory_space<hbm>> -> memref<104x128xi32, #tpu.memory_space<hbm>>
      tpu.wait_dma2 semaphore(%run_scoped3A : memref<!tpu.dma_semaphore, #tpu.memory_space<semaphore_mem>>) src(%dma_wait3A_71 : memref<104x128xi32, #tpu.memory_space<hbm>>) dst(%arg8 : memref<104x128xi32, #tpu.memory_space<vmem>>)
      tpu.yield
    }) : () -> ()
    %broadcast_in_dim3A = arith.constant 0.000000e+00 : f32
    %broadcast_in_dim3A_3 = vector.broadcast %broadcast_in_dim3A : f32 to vector<16xf32>
    %scan3A = arith.constant 0 : i32
    %scan3A_4 = arith.constant 0 : i32
    %scan3A_5 = arith.constant 128 : i32
    %scan3A_6 = arith.addi %scan3A_4, %scan3A_5 : i32
    %scan3A_7 = arith.constant 1 : i32
    %scan3A_8 = scf.for %scan3A_58 = %scan3A_4 to %scan3A_6 step %scan3A_7 iter_args(%scan3A_59 = %scan3A) -> (i32)  : i32 {
      %jit3A_60 = arith.constant 8 : i32
      %div3A = arith.divsi %scan3A_58, %jit3A_60 : i32
      %sign3A = arith.constant 0 : i32
      %sign3A_61 = arith.cmpi sgt, %scan3A_58, %sign3A : i32
      %sign3A_62 = arith.extui %sign3A_61 : i1 to i32
      %sign3A_63 = arith.constant 0 : i32
      %sign3A_64 = arith.cmpi slt, %scan3A_58, %sign3A_63 : i32
      %sign3A_65 = arith.extui %sign3A_64 : i1 to i32
      %sign3A_66 = arith.subi %sign3A_62, %sign3A_65 : i32
      %sign3A_67 = arith.constant 0 : i32
      %sign3A_68 = arith.cmpi sgt, %jit3A_60, %sign3A_67 : i32
      %sign3A_69 = arith.extui %sign3A_68 : i1 to i32
      %sign3A_70 = arith.constant 0 : i32
      %sign3A_71 = arith.cmpi slt, %jit3A_60, %sign3A_70 : i32
      %sign3A_72 = arith.extui %sign3A_71 : i1 to i32
      %sign3A_73 = arith.subi %sign3A_69, %sign3A_72 : i32
      %ne3A = arith.cmpi ne, %sign3A_66, %sign3A_73 : i32
      %rem3A = arith.remsi %scan3A_58, %jit3A_60 : i32
      %ne3A_74 = arith.constant 0 : i32
      %ne3A_75 = arith.cmpi ne, %rem3A, %ne3A_74 : i32
      %and3A = arith.andi %ne3A, %ne3A_75 : i1
      %sub3A = arith.constant 1 : i32
      %sub3A_76 = arith.subi %div3A, %sub3A : i32
      %select_n3A_77 = arith.select %and3A, %sub3A_76, %div3A : i32
      %jit3A_78 = arith.constant 8 : i32
      %eq3A_79 = arith.constant 0 : i32
      %eq3A_80 = arith.cmpi eq, %jit3A_78, %eq3A_79 : i32
      %jit3A_81 = arith.constant 1 : i32
      %select_n3A_82 = arith.select %eq3A_80, %jit3A_81, %jit3A_78 : i32
      %rem3A_83 = arith.remsi %scan3A_58, %select_n3A_82 : i32
      %ne3A_84 = arith.constant 0 : i32
      %ne3A_85 = arith.cmpi ne, %rem3A_83, %ne3A_84 : i32
      %lt3A = arith.constant 0 : i32
      %lt3A_86 = arith.cmpi slt, %rem3A_83, %lt3A : i32
      %lt3A_87 = arith.constant 0 : i32
      %lt3A_88 = arith.cmpi slt, %select_n3A_82, %lt3A_87 : i32
      %ne3A_89 = arith.xori %lt3A_86, %lt3A_88 : i1
      %and3A_90 = arith.andi %ne3A_89, %ne3A_85 : i1
      %add3A_91 = arith.addi %rem3A_83, %select_n3A_82 : i32
      %select_n3A_92 = arith.select %and3A_90, %add3A_91, %rem3A_83 : i32
      %mul3A_93 = arith.constant 16 : i32
      %mul3A_94 = arith.muli %select_n3A_92, %mul3A_93 : i32
      %swap3A = arith.index_cast %select_n3A_77 : i32 to index
      %swap3A_95 = arith.index_cast %mul3A_94 : i32 to index
      %swap3A_96 = tpu.vector_load %arg10[%swap3A, %swap3A_95] {strides = array<i32>} : memref<16x128xf32, #tpu.memory_space<vmem>>, vector<1x16xf32>,
      %swap3A_97 = vector.shape_cast %swap3A_96 : vector<1x16xf32> to vector<16xf32>
      %swap3A_98 = vector.shape_cast %broadcast_in_dim3A_3 : vector<16xf32> to vector<1x16xf32>
      tpu.vector_store %arg10[%swap3A, %swap3A_95], %swap3A_98 {strides = array<i32>} : memref<16x128xf32, #tpu.memory_space<vmem>>, vector<1x16xf32>,
      %scan3A_99 = arith.constant 0 : i32
      scf.yield %scan3A_99 : i32
    }
    %scan3A_9 = arith.constant 128 : i32
    %mul3A_10 = arith.constant 624 : i32
    %mul3A_11 = arith.muli %arg1, %mul3A_10 : i32
    %eq3A_12 = arith.constant 15 : i32
    %eq3A_13 = arith.cmpi eq, %arg1, %eq3A_12 : i32
    %jit3A_14 = arith.constant 41 : i32
    %jit3A_15 = arith.constant 39 : i32
    %select_n3A_16 = arith.select %eq3A_13, %jit3A_14, %jit3A_15 : i32
    %while3A = arith.constant 0 : i32
    %while3A_17 = arith.constant 0 : i32
    %while3A_18 = arith.subi %select_n3A_16, %while3A : i32
    %while3A_19 = arith.addi %while3A, %while3A_18 : i32
    %while3A_20 = arith.constant 1 : i32
    %while3A_21 = arith.divsi %while3A_18, %while3A_20 : i32
    %while3A_22 = arith.muli %while3A_21, %while3A_20 : i32
    %while3A_23 = arith.addi %while3A, %while3A_22 : i32
    %while3A_24 = arith.constant 1 : i32
    %while3A_25 = scf.for %while3A_58 = %while3A to %while3A_23 step %while3A_24 iter_args(%while3A_59 = %while3A_17) -> (i32)  : i32 {
      %mul3A_60 = arith.constant 16 : i32
      %mul3A_61 = arith.muli %while3A_58, %mul3A_60 : i32
      %add3A_62 = arith.addi %mul3A_11, %mul3A_61 : i32
      "tpu.region"() ({
        %run_scoped3A = tpu.sem_alloc : memref<!tpu.dma_semaphore, #tpu.memory_space<semaphore_mem>>
        %dma_start3A = arith.constant 0 : i32
        %dma_start3A_64 = tpu.memref_slice %arg6[%add3A_62, %dma_start3A] : memref<10016x128xf32, #tpu.memory_space<vmem_shared>> -> memref<16x128xf32, #tpu.memory_space<vmem_shared>>
        %dma_start3A_65 = arith.constant 0 : i32
        %dma_start3A_66 = tpu.memref_slice %arg6[%add3A_62, %dma_start3A_65] : memref<10016x128xf32, #tpu.memory_space<vmem_shared>> -> memref<16x128xf32, #tpu.memory_space<vmem_shared>>
        tpu.enqueue_dma source(%arg10 : memref<16x128xf32, #tpu.memory_space<vmem>>) target(%dma_start3A_66 : memref<16x128xf32, #tpu.memory_space<vmem_shared>>) target_semaphore(%run_scoped3A : memref<!tpu.dma_semaphore, #tpu.memory_space<semaphore_mem>>)
        %dma_wait3A = arith.constant 0 : i32
        %dma_wait3A_67 = tpu.memref_slice %arg6[%add3A_62, %dma_wait3A] : memref<10016x128xf32, #tpu.memory_space<vmem_shared>> -> memref<16x128xf32, #tpu.memory_space<vmem_shared>>
        %dma_wait3A_68 = arith.constant 0 : i32
        %dma_wait3A_69 = tpu.memref_slice %arg6[%add3A_62, %dma_wait3A_68] : memref<10016x128xf32, #tpu.memory_space<vmem_shared>> -> memref<16x128xf32, #tpu.memory_space<vmem_shared>>
        tpu.wait_dma2 semaphore(%run_scoped3A : memref<!tpu.dma_semaphore, #tpu.memory_space<semaphore_mem>>) src(%arg10 : memref<16x128xf32, #tpu.memory_space<vmem>>) dst(%dma_wait3A_69 : memref<16x128xf32, #tpu.memory_space<vmem_shared>>)
        tpu.yield
      }) : () -> ()
      %while3A_63 = arith.constant 0 : i32
      scf.yield %while3A_63 : i32
    }
    %while3A_26 = arith.constant 1 : i32
    %while3A_27 = scf.for %while3A_58 = %while3A_23 to %while3A_19 step %while3A_26 iter_args(%while3A_59 = %while3A_25) -> (i32)  : i32 {
      %mul3A_60 = arith.constant 16 : i32
      %mul3A_61 = arith.muli %while3A_58, %mul3A_60 : i32
      %add3A_62 = arith.addi %mul3A_11, %mul3A_61 : i32
      "tpu.region"() ({
        %run_scoped3A = tpu.sem_alloc : memref<!tpu.dma_semaphore, #tpu.memory_space<semaphore_mem>>
        %dma_start3A = arith.constant 0 : i32
        %dma_start3A_64 = tpu.memref_slice %arg6[%add3A_62, %dma_start3A] : memref<10016x128xf32, #tpu.memory_space<vmem_shared>> -> memref<16x128xf32, #tpu.memory_space<vmem_shared>>
        %dma_start3A_65 = arith.constant 0 : i32
        %dma_start3A_66 = tpu.memref_slice %arg6[%add3A_62, %dma_start3A_65] : memref<10016x128xf32, #tpu.memory_space<vmem_shared>> -> memref<16x128xf32, #tpu.memory_space<vmem_shared>>
        tpu.enqueue_dma source(%arg10 : memref<16x128xf32, #tpu.memory_space<vmem>>) target(%dma_start3A_66 : memref<16x128xf32, #tpu.memory_space<vmem_shared>>) target_semaphore(%run_scoped3A : memref<!tpu.dma_semaphore, #tpu.memory_space<semaphore_mem>>)
        %dma_wait3A = arith.constant 0 : i32
        %dma_wait3A_67 = tpu.memref_slice %arg6[%add3A_62, %dma_wait3A] : memref<10016x128xf32, #tpu.memory_space<vmem_shared>> -> memref<16x128xf32, #tpu.memory_space<vmem_shared>>
        %dma_wait3A_68 = arith.constant 0 : i32
        %dma_wait3A_69 = tpu.memref_slice %arg6[%add3A_62, %dma_wait3A_68] : memref<10016x128xf32, #tpu.memory_space<vmem_shared>> -> memref<16x128xf32, #tpu.memory_space<vmem_shared>>
        tpu.wait_dma2 semaphore(%run_scoped3A : memref<!tpu.dma_semaphore, #tpu.memory_space<semaphore_mem>>) src(%arg10 : memref<16x128xf32, #tpu.memory_space<vmem>>) dst(%dma_wait3A_69 : memref<16x128xf32, #tpu.memory_space<vmem_shared>>)
        tpu.yield
      }) : () -> ()
      %while3A_63 = arith.constant 0 : i32
      scf.yield %while3A_63 : i32
    }
    %barrier3A = arith.constant 0 : index
    tpu.barrier barrier_id(%barrier3A)
    %while3A_28 = arith.constant 0 : i32
    %while3A_29 = arith.constant 0 : i32
    %while3A_30 = arith.subi %select_n3A, %while3A_28 : i32
    %while3A_31 = arith.addi %while3A_28, %while3A_30 : i32
    %while3A_32 = arith.constant 1 : i32
    %while3A_33 = arith.divsi %while3A_30, %while3A_32 : i32
    %while3A_34 = arith.muli %while3A_33, %while3A_32 : i32
    %while3A_35 = arith.addi %while3A_28, %while3A_34 : i32
    %while3A_36 = arith.constant 1 : i32
    %while3A_37 = scf.for %while3A_58 = %while3A_28 to %while3A_35 step %while3A_36 iter_args(%while3A_59 = %while3A_29) -> (i32)  : i32 {
      %dma_start3A = arith.constant 0 : i32
      %dma_start3A_60 = tpu.memref_slice %arg7[%while3A_58, %dma_start3A] : memref<104x128xi32, #tpu.memory_space<vmem>> -> memref<1x128xi32, #tpu.memory_space<vmem>>
      %dma_start3A_61 = tpu.memref_squeeze %dma_start3A_60 : memref<1x128xi32, #tpu.memory_space<vmem>> -> memref<128xi32, #tpu.memory_space<vmem>>
      %dma_start3A_62 = arith.constant 0 : i32
      %dma_start3A_63 = arith.constant 0 : i32
      %dma_start3A_64 = tpu.memref_slice %arg2[%dma_start3A_62, %dma_start3A_63] : memref<10000x128xf32, #tpu.memory_space<hbm>> -> memref<10000x128xf32, #tpu.memory_space<hbm>>
      tpu.enqueue_indirect_dma source(%dma_start3A_64 : memref<10000x128xf32, #tpu.memory_space<hbm>>) target(%arg9 : memref<128x128xf32, #tpu.memory_space<vmem>>) offsets(%dma_start3A_61 : memref<128xi32, #tpu.memory_space<vmem>>) semaphore(%arg11 : memref<!tpu.dma_semaphore, #tpu.memory_space<semaphore_mem>>)
      %dma_wait3A = arith.constant 0 : i32
      %dma_wait3A_65 = tpu.memref_slice %arg7[%while3A_58, %dma_wait3A] : memref<104x128xi32, #tpu.memory_space<vmem>> -> memref<1x128xi32, #tpu.memory_space<vmem>>
      %dma_wait3A_66 = tpu.memref_squeeze %dma_wait3A_65 : memref<1x128xi32, #tpu.memory_space<vmem>> -> memref<128xi32, #tpu.memory_space<vmem>>
      %dma_wait3A_67 = arith.constant 0 : i32
      %dma_wait3A_68 = arith.constant 0 : i32
      %dma_wait3A_69 = tpu.memref_slice %arg2[%dma_wait3A_67, %dma_wait3A_68] : memref<10000x128xf32, #tpu.memory_space<hbm>> -> memref<10000x128xf32, #tpu.memory_space<hbm>>
      tpu.wait_indirect_dma semaphore(%arg11 : memref<!tpu.dma_semaphore, #tpu.memory_space<semaphore_mem>>) src(%dma_wait3A_69 : memref<10000x128xf32, #tpu.memory_space<hbm>>) dst(%arg9 : memref<128x128xf32, #tpu.memory_space<vmem>>)
      "tpu.region"() ({
        %run_scoped3A = tpu.sem_alloc : memref<!tpu.dma_semaphore, #tpu.memory_space<semaphore_mem>>
        %dma_start3A_71 = arith.constant 0 : i32
        %dma_start3A_72 = tpu.memref_slice %arg8[%while3A_58, %dma_start3A_71] : memref<104x128xi32, #tpu.memory_space<vmem>> -> memref<1x128xi32, #tpu.memory_space<vmem>>
        %dma_start3A_73 = tpu.memref_squeeze %dma_start3A_72 : memref<1x128xi32, #tpu.memory_space<vmem>> -> memref<128xi32, #tpu.memory_space<vmem>>
        %dma_start3A_74 = arith.constant 0 : i32
        %dma_start3A_75 = arith.constant 0 : i32
        %dma_start3A_76 = tpu.memref_slice %arg6[%dma_start3A_74, %dma_start3A_75] : memref<10016x128xf32, #tpu.memory_space<vmem_shared>> -> memref<10016x128xf32, #tpu.memory_space<vmem_shared>>
        tpu.enqueue_indirect_dma source(%arg9 : memref<128x128xf32, #tpu.memory_space<vmem>>) target(%dma_start3A_76 : memref<10016x128xf32, #tpu.memory_space<vmem_shared>>) offsets(%dma_start3A_73 : memref<128xi32, #tpu.memory_space<vmem>>) semaphore(%run_scoped3A : memref<!tpu.dma_semaphore, #tpu.memory_space<semaphore_mem>>) {add = true}
        %dma_wait3A_77 = arith.constant 0 : i32
        %dma_wait3A_78 = tpu.memref_slice %arg8[%while3A_58, %dma_wait3A_77] : memref<104x128xi32, #tpu.memory_space<vmem>> -> memref<1x128xi32, #tpu.memory_space<vmem>>
        %dma_wait3A_79 = tpu.memref_squeeze %dma_wait3A_78 : memref<1x128xi32, #tpu.memory_space<vmem>> -> memref<128xi32, #tpu.memory_space<vmem>>
        %dma_wait3A_80 = arith.constant 0 : i32
        %dma_wait3A_81 = arith.constant 0 : i32
        %dma_wait3A_82 = tpu.memref_slice %arg6[%dma_wait3A_80, %dma_wait3A_81] : memref<10016x128xf32, #tpu.memory_space<vmem_shared>> -> memref<10016x128xf32, #tpu.memory_space<vmem_shared>>
        tpu.wait_indirect_dma semaphore(%run_scoped3A : memref<!tpu.dma_semaphore, #tpu.memory_space<semaphore_mem>>) src(%arg9 : memref<128x128xf32, #tpu.memory_space<vmem>>) dst(%dma_wait3A_82 : memref<10016x128xf32, #tpu.memory_space<vmem_shared>>)
        tpu.yield
      }) : () -> ()
      %while3A_70 = arith.constant 0 : i32
      scf.yield %while3A_70 : i32
    }
    %while3A_38 = arith.constant 1 : i32
    %while3A_39 = scf.for %while3A_58 = %while3A_35 to %while3A_31 step %while3A_38 iter_args(%while3A_59 = %while3A_37) -> (i32)  : i32 {
      %dma_start3A = arith.constant 0 : i32
      %dma_start3A_60 = tpu.memref_slice %arg7[%while3A_58, %dma_start3A] : memref<104x128xi32, #tpu.memory_space<vmem>> -> memref<1x128xi32, #tpu.memory_space<vmem>>
      %dma_start3A_61 = tpu.memref_squeeze %dma_start3A_60 : memref<1x128xi32, #tpu.memory_space<vmem>> -> memref<128xi32, #tpu.memory_space<vmem>>
      %dma_start3A_62 = arith.constant 0 : i32
      %dma_start3A_63 = arith.constant 0 : i32
      %dma_start3A_64 = tpu.memref_slice %arg2[%dma_start3A_62, %dma_start3A_63] : memref<10000x128xf32, #tpu.memory_space<hbm>> -> memref<10000x128xf32, #tpu.memory_space<hbm>>
      tpu.enqueue_indirect_dma source(%dma_start3A_64 : memref<10000x128xf32, #tpu.memory_space<hbm>>) target(%arg9 : memref<128x128xf32, #tpu.memory_space<vmem>>) offsets(%dma_start3A_61 : memref<128xi32, #tpu.memory_space<vmem>>) semaphore(%arg11 : memref<!tpu.dma_semaphore, #tpu.memory_space<semaphore_mem>>)
      %dma_wait3A = arith.constant 0 : i32
      %dma_wait3A_65 = tpu.memref_slice %arg7[%while3A_58, %dma_wait3A] : memref<104x128xi32, #tpu.memory_space<vmem>> -> memref<1x128xi32, #tpu.memory_space<vmem>>
      %dma_wait3A_66 = tpu.memref_squeeze %dma_wait3A_65 : memref<1x128xi32, #tpu.memory_space<vmem>> -> memref<128xi32, #tpu.memory_space<vmem>>
      %dma_wait3A_67 = arith.constant 0 : i32
      %dma_wait3A_68 = arith.constant 0 : i32
      %dma_wait3A_69 = tpu.memref_slice %arg2[%dma_wait3A_67, %dma_wait3A_68] : memref<10000x128xf32, #tpu.memory_space<hbm>> -> memref<10000x128xf32, #tpu.memory_space<hbm>>
      tpu.wait_indirect_dma semaphore(%arg11 : memref<!tpu.dma_semaphore, #tpu.memory_space<semaphore_mem>>) src(%dma_wait3A_69 : memref<10000x128xf32, #tpu.memory_space<hbm>>) dst(%arg9 : memref<128x128xf32, #tpu.memory_space<vmem>>)
      "tpu.region"() ({
        %run_scoped3A = tpu.sem_alloc : memref<!tpu.dma_semaphore, #tpu.memory_space<semaphore_mem>>
        %dma_start3A_71 = arith.constant 0 : i32
        %dma_start3A_72 = tpu.memref_slice %arg8[%while3A_58, %dma_start3A_71] : memref<104x128xi32, #tpu.memory_space<vmem>> -> memref<1x128xi32, #tpu.memory_space<vmem>>
        %dma_start3A_73 = tpu.memref_squeeze %dma_start3A_72 : memref<1x128xi32, #tpu.memory_space<vmem>> -> memref<128xi32, #tpu.memory_space<vmem>>
        %dma_start3A_74 = arith.constant 0 : i32
        %dma_start3A_75 = arith.constant 0 : i32
        %dma_start3A_76 = tpu.memref_slice %arg6[%dma_start3A_74, %dma_start3A_75] : memref<10016x128xf32, #tpu.memory_space<vmem_shared>> -> memref<10016x128xf32, #tpu.memory_space<vmem_shared>>
        tpu.enqueue_indirect_dma source(%arg9 : memref<128x128xf32, #tpu.memory_space<vmem>>) target(%dma_start3A_76 : memref<10016x128xf32, #tpu.memory_space<vmem_shared>>) offsets(%dma_start3A_73 : memref<128xi32, #tpu.memory_space<vmem>>) semaphore(%run_scoped3A : memref<!tpu.dma_semaphore, #tpu.memory_space<semaphore_mem>>) {add = true}
        %dma_wait3A_77 = arith.constant 0 : i32
        %dma_wait3A_78 = tpu.memref_slice %arg8[%while3A_58, %dma_wait3A_77] : memref<104x128xi32, #tpu.memory_space<vmem>> -> memref<1x128xi32, #tpu.memory_space<vmem>>
        %dma_wait3A_79 = tpu.memref_squeeze %dma_wait3A_78 : memref<1x128xi32, #tpu.memory_space<vmem>> -> memref<128xi32, #tpu.memory_space<vmem>>
        %dma_wait3A_80 = arith.constant 0 : i32
        %dma_wait3A_81 = arith.constant 0 : i32
        %dma_wait3A_82 = tpu.memref_slice %arg6[%dma_wait3A_80, %dma_wait3A_81] : memref<10016x128xf32, #tpu.memory_space<vmem_shared>> -> memref<10016x128xf32, #tpu.memory_space<vmem_shared>>
        tpu.wait_indirect_dma semaphore(%run_scoped3A : memref<!tpu.dma_semaphore, #tpu.memory_space<semaphore_mem>>) src(%arg9 : memref<128x128xf32, #tpu.memory_space<vmem>>) dst(%dma_wait3A_82 : memref<10016x128xf32, #tpu.memory_space<vmem_shared>>)
        tpu.yield
      }) : () -> ()
      %while3A_70 = arith.constant 0 : i32
      scf.yield %while3A_70 : i32
    }
    %barrier3A_40 = arith.constant 0 : index
    tpu.barrier barrier_id(%barrier3A_40)
    %eq3A_41 = arith.constant 15 : i32
    %eq3A_42 = arith.cmpi eq, %arg1, %eq3A_41 : i32
    %jit3A_43 = arith.constant 40 : i32
    %jit3A_44 = arith.constant 39 : i32
    %select_n3A_45 = arith.select %eq3A_42, %jit3A_43, %jit3A_44 : i32
    %while3A_46 = arith.constant 0 : i32
    %while3A_47 = arith.constant 0 : i32
    %while3A_48 = arith.subi %select_n3A_45, %while3A_46 : i32
    %while3A_49 = arith.addi %while3A_46, %while3A_48 : i32
    %while3A_50 = arith.constant 1 : i32
    %while3A_51 = arith.divsi %while3A_48, %while3A_50 : i32
    %while3A_52 = arith.muli %while3A_51, %while3A_50 : i32
    %while3A_53 = arith.addi %while3A_46, %while3A_52 : i32
    %while3A_54 = arith.constant 1 : i32
    %while3A_55 = scf.for %while3A_58 = %while3A_46 to %while3A_53 step %while3A_54 iter_args(%while3A_59 = %while3A_47) -> (i32)  : i32 {
      %mul3A_60 = arith.constant 16 : i32
      %mul3A_61 = arith.muli %while3A_58, %mul3A_60 : i32
      %add3A_62 = arith.addi %mul3A_11, %mul3A_61 : i32
      "tpu.region"() ({
        %run_scoped3A = tpu.sem_alloc : memref<!tpu.dma_semaphore, #tpu.memory_space<semaphore_mem>>
        %dma_start3A = arith.constant 0 : i32
        %dma_start3A_64 = tpu.memref_slice %arg6[%add3A_62, %dma_start3A] : memref<10016x128xf32, #tpu.memory_space<vmem_shared>> -> memref<16x128xf32, #tpu.memory_space<vmem_shared>>
        %dma_start3A_65 = arith.constant 0 : i32
        %dma_start3A_66 = tpu.memref_slice %arg6[%add3A_62, %dma_start3A_65] : memref<10016x128xf32, #tpu.memory_space<vmem_shared>> -> memref<16x128xf32, #tpu.memory_space<vmem_shared>>
        tpu.enqueue_dma source(%dma_start3A_66 : memref<16x128xf32, #tpu.memory_space<vmem_shared>>) target(%arg10 : memref<16x128xf32, #tpu.memory_space<vmem>>) target_semaphore(%run_scoped3A : memref<!tpu.dma_semaphore, #tpu.memory_space<semaphore_mem>>)
        %dma_wait3A = arith.constant 0 : i32
        %dma_wait3A_67 = tpu.memref_slice %arg6[%add3A_62, %dma_wait3A] : memref<10016x128xf32, #tpu.memory_space<vmem_shared>> -> memref<16x128xf32, #tpu.memory_space<vmem_shared>>
        %dma_wait3A_68 = arith.constant 0 : i32
        %dma_wait3A_69 = tpu.memref_slice %arg6[%add3A_62, %dma_wait3A_68] : memref<10016x128xf32, #tpu.memory_space<vmem_shared>> -> memref<16x128xf32, #tpu.memory_space<vmem_shared>>
        tpu.wait_dma2 semaphore(%run_scoped3A : memref<!tpu.dma_semaphore, #tpu.memory_space<semaphore_mem>>) src(%dma_wait3A_69 : memref<16x128xf32, #tpu.memory_space<vmem_shared>>) dst(%arg10 : memref<16x128xf32, #tpu.memory_space<vmem>>)
        tpu.yield
      }) : () -> ()
      "tpu.region"() ({
        %run_scoped3A = tpu.sem_alloc : memref<!tpu.dma_semaphore, #tpu.memory_space<semaphore_mem>>
        %dma_start3A = arith.constant 0 : i32
        %dma_start3A_64 = tpu.memref_slice %arg5[%arg0, %add3A_62, %dma_start3A] : memref<2x10000x128xf32, #tpu.memory_space<hbm>> -> memref<1x16x128xf32, #tpu.memory_space<hbm>>
        %dma_start3A_65 = tpu.memref_squeeze %dma_start3A_64 : memref<1x16x128xf32, #tpu.memory_space<hbm>> -> memref<16x128xf32, #tpu.memory_space<hbm>>
        %dma_start3A_66 = arith.constant 0 : i32
        %dma_start3A_67 = tpu.memref_slice %arg5[%arg0, %add3A_62, %dma_start3A_66] : memref<2x10000x128xf32, #tpu.memory_space<hbm>> -> memref<1x16x128xf32, #tpu.memory_space<hbm>>
        %dma_start3A_68 = tpu.memref_squeeze %dma_start3A_67 : memref<1x16x128xf32, #tpu.memory_space<hbm>> -> memref<16x128xf32, #tpu.memory_space<hbm>>
        tpu.enqueue_dma source(%arg10 : memref<16x128xf32, #tpu.memory_space<vmem>>) target(%dma_start3A_68 : memref<16x128xf32, #tpu.memory_space<hbm>>) target_semaphore(%run_scoped3A : memref<!tpu.dma_semaphore, #tpu.memory_space<semaphore_mem>>)
        %dma_wait3A = arith.constant 0 : i32
        %dma_wait3A_69 = tpu.memref_slice %arg5[%arg0, %add3A_62, %dma_wait3A] : memref<2x10000x128xf32, #tpu.memory_space<hbm>> -> memref<1x16x128xf32, #tpu.memory_space<hbm>>
        %dma_wait3A_70 = tpu.memref_squeeze %dma_wait3A_69 : memref<1x16x128xf32, #tpu.memory_space<hbm>> -> memref<16x128xf32, #tpu.memory_space<hbm>>
        %dma_wait3A_71 = arith.constant 0 : i32
        %dma_wait3A_72 = tpu.memref_slice %arg5[%arg0, %add3A_62, %dma_wait3A_71] : memref<2x10000x128xf32, #tpu.memory_space<hbm>> -> memref<1x16x128xf32, #tpu.memory_space<hbm>>
        %dma_wait3A_73 = tpu.memref_squeeze %dma_wait3A_72 : memref<1x16x128xf32, #tpu.memory_space<hbm>> -> memref<16x128xf32, #tpu.memory_space<hbm>>
        tpu.wait_dma2 semaphore(%run_scoped3A : memref<!tpu.dma_semaphore, #tpu.memory_space<semaphore_mem>>) src(%arg10 : memref<16x128xf32, #tpu.memory_space<vmem>>) dst(%dma_wait3A_73 : memref<16x128xf32, #tpu.memory_space<hbm>>)
        tpu.yield
      }) : () -> ()
      %while3A_63 = arith.constant 0 : i32
      scf.yield %while3A_63 : i32
    }
    %while3A_56 = arith.constant 1 : i32
    %while3A_57 = scf.for %while3A_58 = %while3A_53 to %while3A_49 step %while3A_56 iter_args(%while3A_59 = %while3A_55) -> (i32)  : i32 {
      %mul3A_60 = arith.constant 16 : i32
      %mul3A_61 = arith.muli %while3A_58, %mul3A_60 : i32
      %add3A_62 = arith.addi %mul3A_11, %mul3A_61 : i32
      "tpu.region"() ({
        %run_scoped3A = tpu.sem_alloc : memref<!tpu.dma_semaphore, #tpu.memory_space<semaphore_mem>>
        %dma_start3A = arith.constant 0 : i32
        %dma_start3A_64 = tpu.memref_slice %arg6[%add3A_62, %dma_start3A] : memref<10016x128xf32, #tpu.memory_space<vmem_shared>> -> memref<16x128xf32, #tpu.memory_space<vmem_shared>>
        %dma_start3A_65 = arith.constant 0 : i32
        %dma_start3A_66 = tpu.memref_slice %arg6[%add3A_62, %dma_start3A_65] : memref<10016x128xf32, #tpu.memory_space<vmem_shared>> -> memref<16x128xf32, #tpu.memory_space<vmem_shared>>
        tpu.enqueue_dma source(%dma_start3A_66 : memref<16x128xf32, #tpu.memory_space<vmem_shared>>) target(%arg10 : memref<16x128xf32, #tpu.memory_space<vmem>>) target_semaphore(%run_scoped3A : memref<!tpu.dma_semaphore, #tpu.memory_space<semaphore_mem>>)
        %dma_wait3A = arith.constant 0 : i32
        %dma_wait3A_67 = tpu.memref_slice %arg6[%add3A_62, %dma_wait3A] : memref<10016x128xf32, #tpu.memory_space<vmem_shared>> -> memref<16x128xf32, #tpu.memory_space<vmem_shared>>
        %dma_wait3A_68 = arith.constant 0 : i32
        %dma_wait3A_69 = tpu.memref_slice %arg6[%add3A_62, %dma_wait3A_68] : memref<10016x128xf32, #tpu.memory_space<vmem_shared>> -> memref<16x128xf32, #tpu.memory_space<vmem_shared>>
        tpu.wait_dma2 semaphore(%run_scoped3A : memref<!tpu.dma_semaphore, #tpu.memory_space<semaphore_mem>>) src(%dma_wait3A_69 : memref<16x128xf32, #tpu.memory_space<vmem_shared>>) dst(%arg10 : memref<16x128xf32, #tpu.memory_space<vmem>>)
        tpu.yield
      }) : () -> ()
      "tpu.region"() ({
        %run_scoped3A = tpu.sem_alloc : memref<!tpu.dma_semaphore, #tpu.memory_space<semaphore_mem>>
        %dma_start3A = arith.constant 0 : i32
        %dma_start3A_64 = tpu.memref_slice %arg5[%arg0, %add3A_62, %dma_start3A] : memref<2x10000x128xf32, #tpu.memory_space<hbm>> -> memref<1x16x128xf32, #tpu.memory_space<hbm>>
        %dma_start3A_65 = tpu.memref_squeeze %dma_start3A_64 : memref<1x16x128xf32, #tpu.memory_space<hbm>> -> memref<16x128xf32, #tpu.memory_space<hbm>>
        %dma_start3A_66 = arith.constant 0 : i32
        %dma_start3A_67 = tpu.memref_slice %arg5[%arg0, %add3A_62, %dma_start3A_66] : memref<2x10000x128xf32, #tpu.memory_space<hbm>> -> memref<1x16x128xf32, #tpu.memory_space<hbm>>
        %dma_start3A_68 = tpu.memref_squeeze %dma_start3A_67 : memref<1x16x128xf32, #tpu.memory_space<hbm>> -> memref<16x128xf32, #tpu.memory_space<hbm>>
        tpu.enqueue_dma source(%arg10 : memref<16x128xf32, #tpu.memory_space<vmem>>) target(%dma_start3A_68 : memref<16x128xf32, #tpu.memory_space<hbm>>) target_semaphore(%run_scoped3A : memref<!tpu.dma_semaphore, #tpu.memory_space<semaphore_mem>>)
        %dma_wait3A = arith.constant 0 : i32
        %dma_wait3A_69 = tpu.memref_slice %arg5[%arg0, %add3A_62, %dma_wait3A] : memref<2x10000x128xf32, #tpu.memory_space<hbm>> -> memref<1x16x128xf32, #tpu.memory_space<hbm>>
        %dma_wait3A_70 = tpu.memref_squeeze %dma_wait3A_69 : memref<1x16x128xf32, #tpu.memory_space<hbm>> -> memref<16x128xf32, #tpu.memory_space<hbm>>
        %dma_wait3A_71 = arith.constant 0 : i32
        %dma_wait3A_72 = tpu.memref_slice %arg5[%arg0, %add3A_62, %dma_wait3A_71] : memref<2x10000x128xf32, #tpu.memory_space<hbm>> -> memref<1x16x128xf32, #tpu.memory_space<hbm>>
        %dma_wait3A_73 = tpu.memref_squeeze %dma_wait3A_72 : memref<1x16x128xf32, #tpu.memory_space<hbm>> -> memref<16x128xf32, #tpu.memory_space<hbm>>
        tpu.wait_dma2 semaphore(%run_scoped3A : memref<!tpu.dma_semaphore, #tpu.memory_space<semaphore_mem>>) src(%arg10 : memref<16x128xf32, #tpu.memory_space<vmem>>) dst(%dma_wait3A_73 : memref<16x128xf32, #tpu.memory_space<hbm>>)
        tpu.yield
      }) : () -> ()
      %while3A_63 = arith.constant 0 : i32
      scf.yield %while3A_63 : i32
    }
    return
  }
}

module attributes {stable_mosaic.version = 14 : i64} {
  func.func @_fc1_body(%arg0: i32, %arg1: memref<2000x128xf32, #tpu.memory_space<vmem>>, %arg2: memref<128x128xf32, #tpu.memory_space<vmem>>, %arg3: memref<1x128xf32, #tpu.memory_space<vmem>>, %arg4: memref<2000x2xf32, #tpu.memory_space<vmem>>, %arg5: memref<2000x128xf32, #tpu.memory_space<vmem>>, %arg6: memref<2000x128xf32, #tpu.memory_space<vmem>>) attributes {dimension_semantics = [#tpu.dimension_semantics<arbitrary>], iteration_bounds = array<i64: 5>, scalar_prefetch = 0 : i64, scratch_operands = 0 : i64, tpu.core_type = #tpu.core_type<tc>, window_params = [{transform_indices = @transform_0, window_bounds = array<i64: 2000, 128>}, {pipeline_mode = #tpu.pipeline_mode<synchronous>, transform_indices = @transform_1, window_bounds = array<i64: 128, 128>}, {pipeline_mode = #tpu.pipeline_mode<synchronous>, transform_indices = @transform_2, window_bounds = array<i64: 1, 128>}, {transform_indices = @transform_3, window_bounds = array<i64: 2000, 2>}, {transform_indices = @transform_4, window_bounds = array<i64: 2000, 128>}, {transform_indices = @transform_5, window_bounds = array<i64: 2000, 128>}]} {
    %get3A = arith.constant 0 : index
    %get3A_0 = arith.constant 0 : index
    %get3A_1 = vector.load %arg1[%get3A, %get3A_0] : memref<2000x128xf32, #tpu.memory_space<vmem>>, vector<2000x128xf32>
    %get3A_2 = arith.constant 0 : index
    %get3A_3 = arith.constant 0 : index
    %get3A_4 = vector.load %arg2[%get3A_2, %get3A_3] : memref<128x128xf32, #tpu.memory_space<vmem>>, vector<128x128xf32>
    %dot_general3A = arith.constant dense<0.000000e+00> : vector<2000x128xf32>
    %dot_general3A_5 = tpu.matmul %get3A_1, %get3A_4, %dot_general3A {dimension_numbers = #tpu.dot_dimension_numbers<[1], [0], [0], [1], [0, 0, 1, 1], [], []>, transpose_lhs_hint = false} : vector<2000x128xf32>, vector<128x128xf32>, vector<2000x128xf32> -> vector<2000x128xf32>
    %get3A_6 = arith.constant 0 : index
    %get3A_7 = arith.constant 0 : index
    %get3A_8 = vector.load %arg3[%get3A_6, %get3A_7] : memref<1x128xf32, #tpu.memory_space<vmem>>, vector<1x128xf32>
    %add3A = vector.broadcast %get3A_8 : vector<1x128xf32> to vector<2000x128xf32>
    %add3A_9 = arith.addf %dot_general3A_5, %add3A : vector<2000x128xf32>
    %max3A = arith.constant 0.000000e+00 : f32
    %max3A_10 = vector.broadcast %max3A : f32 to vector<2000x128xf32>
    %max3A_11 = arith.maximumf %add3A_9, %max3A_10 : vector<2000x128xf32>
    %swap3A = arith.constant 0 : index
    %swap3A_12 = arith.constant 0 : index
    %swap3A_13 = vector.load %arg5[%swap3A, %swap3A_12] : memref<2000x128xf32, #tpu.memory_space<vmem>>, vector<2000x128xf32>
    tpu.vector_store %arg5[%swap3A, %swap3A_12], %max3A_11 {strides = array<i32>} : memref<2000x128xf32, #tpu.memory_space<vmem>>, vector<2000x128xf32>,
    %get3A_14 = arith.constant 0 : index
    %get3A_15 = arith.constant 0 : index
    %get3A_16 = vector.load %arg4[%get3A_14, %get3A_15] : memref<2000x2xf32, #tpu.memory_space<vmem>>, vector<2000x2xf32>
    %slice3A = vector.extract_strided_slice %get3A_16 {offsets = [0, 0], sizes = [2000, 1], strides = [1, 1]} : vector<2000x2xf32> to vector<2000x1xf32>
    %squeeze3A = vector.shape_cast %slice3A : vector<2000x1xf32> to vector<2000xf32>
    %slice3A_17 = vector.extract_strided_slice %get3A_16 {offsets = [0, 1], sizes = [2000, 1], strides = [1, 1]} : vector<2000x2xf32> to vector<2000x1xf32>
    %squeeze3A_18 = vector.shape_cast %slice3A_17 : vector<2000x1xf32> to vector<2000xf32>
    %add3A_19 = arith.addf %squeeze3A, %squeeze3A_18 : vector<2000xf32>
    %gt3A = arith.constant 0.000000e+00 : f32
    %gt3A_20 = vector.broadcast %gt3A : f32 to vector<2000xf32>
    %gt3A_21 = arith.cmpf ogt, %add3A_19, %gt3A_20 : vector<2000xf32>
    %rsqrt3A = math.rsqrt %add3A_19 : vector<2000xf32>
    %jit3A = arith.constant 0.000000e+00 : f32
    %broadcast_in_dim3A = vector.broadcast %jit3A : f32 to vector<2000xf32>
    %select_n3A = arith.select %gt3A_21, %rsqrt3A, %broadcast_in_dim3A : vector<2000xi1>, vector<2000xf32>
    %broadcast_in_dim3A_22 = vector.shape_cast %select_n3A : vector<2000xf32> to vector<2000x1xf32>
    %mul3A = vector.broadcast %broadcast_in_dim3A_22 : vector<2000x1xf32> to vector<2000x128xf32>
    %mul3A_23 = arith.mulf %max3A_11, %mul3A : vector<2000x128xf32>
    %swap3A_24 = arith.constant 0 : index
    %swap3A_25 = arith.constant 0 : index
    %swap3A_26 = vector.load %arg6[%swap3A_24, %swap3A_25] : memref<2000x128xf32, #tpu.memory_space<vmem>>, vector<2000x128xf32>
    tpu.vector_store %arg6[%swap3A_24, %swap3A_25], %mul3A_23 {strides = array<i32>} : memref<2000x128xf32, #tpu.memory_space<vmem>>, vector<2000x128xf32>,
    return
  }
  func.func @transform_0(%arg0: i32) -> (i32, i32) {
    %c0_i32 = arith.constant 0 : i32
    %c0_i32_0 = arith.constant 0 : i32
    return %arg0, %c0_i32 : i32, i32
  }
  func.func @transform_1(%arg0: i32) -> (i32, i32) {
    %c0_i32 = arith.constant 0 : i32
    %c0_i32_0 = arith.constant 0 : i32
    %c0_i32_1 = arith.constant 0 : i32
    return %c0_i32, %c0_i32_0 : i32, i32
  }
  func.func @transform_2(%arg0: i32) -> (i32, i32) {
    %c0_i32 = arith.constant 0 : i32
    %c0_i32_0 = arith.constant 0 : i32
    %c0_i32_1 = arith.constant 0 : i32
    return %c0_i32, %c0_i32_0 : i32, i32
  }
  func.func @transform_3(%arg0: i32) -> (i32, i32) {
    %c0_i32 = arith.constant 0 : i32
    %c0_i32_0 = arith.constant 0 : i32
    return %arg0, %c0_i32 : i32, i32
  }
  func.func @transform_4(%arg0: i32) -> (i32, i32) {
    %c0_i32 = arith.constant 0 : i32
    %c0_i32_0 = arith.constant 0 : i32
    return %arg0, %c0_i32 : i32, i32
  }
  func.func @transform_5(%arg0: i32) -> (i32, i32) {
    %c0_i32 = arith.constant 0 : i32
    %c0_i32_0 = arith.constant 0 : i32
    return %arg0, %c0_i32 : i32, i32
  }
}

module attributes {stable_mosaic.version = 14 : i64} {
  func.func @_layer_body(%arg0: i32, %arg1: memref<2x2000x128xf32, #tpu.memory_space<vmem>>, %arg2: memref<2000x128xf32, #tpu.memory_space<vmem>>, %arg3: memref<2000x2xf32, #tpu.memory_space<vmem>>, %arg4: memref<128x128xf32, #tpu.memory_space<vmem>>, %arg5: memref<2000x128xf32, #tpu.memory_space<vmem>>) attributes {dimension_semantics = [#tpu.dimension_semantics<arbitrary>], iteration_bounds = array<i64: 5>, scalar_prefetch = 0 : i64, scratch_operands = 0 : i64, tpu.core_type = #tpu.core_type<tc>, window_params = [{transform_indices = @transform_0, window_bounds = array<i64: 2, 2000, 128>}, {transform_indices = @transform_1, window_bounds = array<i64: 2000, 128>}, {transform_indices = @transform_2, window_bounds = array<i64: 2000, 2>}, {pipeline_mode = #tpu.pipeline_mode<synchronous>, transform_indices = @transform_3, window_bounds = array<i64: 128, 128>}, {transform_indices = @transform_4, window_bounds = array<i64: 2000, 128>}]} {
    %get3A = arith.constant 0 : index
    %get3A_0 = arith.constant 0 : index
    %get3A_1 = vector.load %arg3[%get3A, %get3A_0] : memref<2000x2xf32, #tpu.memory_space<vmem>>, vector<2000x2xf32>
    %slice3A = vector.extract_strided_slice %get3A_1 {offsets = [0, 0], sizes = [2000, 1], strides = [1, 1]} : vector<2000x2xf32> to vector<2000x1xf32>
    %squeeze3A = vector.shape_cast %slice3A : vector<2000x1xf32> to vector<2000xf32>
    %slice3A_2 = vector.extract_strided_slice %get3A_1 {offsets = [0, 1], sizes = [2000, 1], strides = [1, 1]} : vector<2000x2xf32> to vector<2000x1xf32>
    %squeeze3A_3 = vector.shape_cast %slice3A_2 : vector<2000x1xf32> to vector<2000xf32>
    %add3A = arith.addf %squeeze3A, %squeeze3A_3 : vector<2000xf32>
    %gt3A = arith.constant 0.000000e+00 : f32
    %gt3A_4 = vector.broadcast %gt3A : f32 to vector<2000xf32>
    %gt3A_5 = arith.cmpf ogt, %add3A, %gt3A_4 : vector<2000xf32>
    %rsqrt3A = math.rsqrt %add3A : vector<2000xf32>
    %jit3A = arith.constant 0.000000e+00 : f32
    %broadcast_in_dim3A = vector.broadcast %jit3A : f32 to vector<2000xf32>
    %select_n3A = arith.select %gt3A_5, %rsqrt3A, %broadcast_in_dim3A : vector<2000xi1>, vector<2000xf32>
    %broadcast_in_dim3A_6 = vector.shape_cast %select_n3A : vector<2000xf32> to vector<2000x1xf32>
    %get3A_7 = arith.constant 0 : index
    %get3A_8 = arith.constant 0 : index
    %get3A_9 = arith.constant 0 : index
    %get3A_10 = vector.load %arg1[%get3A_7, %get3A_8, %get3A_9] : memref<2x2000x128xf32, #tpu.memory_space<vmem>>, vector<2x2000x128xf32>
    %mul3A = arith.constant 0.899999976 : f32
    %mul3A_11 = vector.broadcast %mul3A : f32 to vector<2000x1xf32>
    %mul3A_12 = arith.mulf %mul3A_11, %broadcast_in_dim3A_6 : vector<2000x1xf32>
    %slice3A_13 = vector.extract_strided_slice %get3A_10 {offsets = [0, 0, 0], sizes = [1, 2000, 128], strides = [1, 1, 1]} : vector<2x2000x128xf32> to vector<1x2000x128xf32>
    %squeeze3A_14 = vector.shape_cast %slice3A_13 : vector<1x2000x128xf32> to vector<2000x128xf32>
    %slice3A_15 = vector.extract_strided_slice %get3A_10 {offsets = [1, 0, 0], sizes = [1, 2000, 128], strides = [1, 1, 1]} : vector<2x2000x128xf32> to vector<1x2000x128xf32>
    %squeeze3A_16 = vector.shape_cast %slice3A_15 : vector<1x2000x128xf32> to vector<2000x128xf32>
    %add3A_17 = arith.addf %squeeze3A_14, %squeeze3A_16 : vector<2000x128xf32>
    %mul3A_18 = vector.broadcast %mul3A_12 : vector<2000x1xf32> to vector<2000x128xf32>
    %mul3A_19 = arith.mulf %mul3A_18, %add3A_17 : vector<2000x128xf32>
    %get3A_20 = arith.constant 0 : index
    %get3A_21 = arith.constant 0 : index
    %get3A_22 = vector.load %arg2[%get3A_20, %get3A_21] : memref<2000x128xf32, #tpu.memory_space<vmem>>, vector<2000x128xf32>
    %mul3A_23 = arith.constant 1.000000e-01 : f32
    %mul3A_24 = vector.broadcast %mul3A_23 : f32 to vector<2000x128xf32>
    %mul3A_25 = arith.mulf %mul3A_24, %get3A_22 : vector<2000x128xf32>
    %add3A_26 = arith.addf %mul3A_19, %mul3A_25 : vector<2000x128xf32>
    %get3A_27 = arith.constant 0 : index
    %get3A_28 = arith.constant 0 : index
    %get3A_29 = vector.load %arg4[%get3A_27, %get3A_28] : memref<128x128xf32, #tpu.memory_space<vmem>>, vector<128x128xf32>
    %dot_general3A = arith.constant dense<0.000000e+00> : vector<2000x128xf32>
    %dot_general3A_30 = tpu.matmul %add3A_26, %get3A_29, %dot_general3A {dimension_numbers = #tpu.dot_dimension_numbers<[1], [0], [0], [1], [0, 0, 1, 1], [], []>, transpose_lhs_hint = false} : vector<2000x128xf32>, vector<128x128xf32>, vector<2000x128xf32> -> vector<2000x128xf32>
    %max3A = arith.constant 0.000000e+00 : f32
    %max3A_31 = vector.broadcast %max3A : f32 to vector<2000x128xf32>
    %max3A_32 = arith.maximumf %dot_general3A_30, %max3A_31 : vector<2000x128xf32>
    %mul3A_33 = vector.broadcast %broadcast_in_dim3A_6 : vector<2000x1xf32> to vector<2000x128xf32>
    %mul3A_34 = arith.mulf %max3A_32, %mul3A_33 : vector<2000x128xf32>
    %swap3A = arith.constant 0 : index
    %swap3A_35 = arith.constant 0 : index
    %swap3A_36 = vector.load %arg5[%swap3A, %swap3A_35] : memref<2000x128xf32, #tpu.memory_space<vmem>>, vector<2000x128xf32>
    tpu.vector_store %arg5[%swap3A, %swap3A_35], %mul3A_34 {strides = array<i32>} : memref<2000x128xf32, #tpu.memory_space<vmem>>, vector<2000x128xf32>,
    return
  }
  func.func @transform_0(%arg0: i32) -> (i32, i32, i32) {
    %c0_i32 = arith.constant 0 : i32
    %c0_i32_0 = arith.constant 0 : i32
    %c0_i32_1 = arith.constant 0 : i32
    return %c0_i32, %arg0, %c0_i32_0 : i32, i32, i32
  }
  func.func @transform_1(%arg0: i32) -> (i32, i32) {
    %c0_i32 = arith.constant 0 : i32
    %c0_i32_0 = arith.constant 0 : i32
    return %arg0, %c0_i32 : i32, i32
  }
  func.func @transform_2(%arg0: i32) -> (i32, i32) {
    %c0_i32 = arith.constant 0 : i32
    %c0_i32_0 = arith.constant 0 : i32
    return %arg0, %c0_i32 : i32, i32
  }
  func.func @transform_3(%arg0: i32) -> (i32, i32) {
    %c0_i32 = arith.constant 0 : i32
    %c0_i32_0 = arith.constant 0 : i32
    %c0_i32_1 = arith.constant 0 : i32
    return %c0_i32, %c0_i32_0 : i32, i32
  }
  func.func @transform_4(%arg0: i32) -> (i32, i32) {
    %c0_i32 = arith.constant 0 : i32
    %c0_i32_0 = arith.constant 0 : i32
    return %arg0, %c0_i32 : i32, i32
  }
}

module attributes {stable_mosaic.version = 14 : i64} {
  func.func @_final_body(%arg0: i32, %arg1: memref<2x2000x128xf32, #tpu.memory_space<vmem>>, %arg2: memref<2000x128xf32, #tpu.memory_space<vmem>>, %arg3: memref<2000x2xf32, #tpu.memory_space<vmem>>, %arg4: memref<128x128xf32, #tpu.memory_space<vmem>>, %arg5: memref<128x40xf32, #tpu.memory_space<vmem>>, %arg6: memref<1x40xf32, #tpu.memory_space<vmem>>, %arg7: memref<2000x40xf32, #tpu.memory_space<vmem>>) attributes {dimension_semantics = [#tpu.dimension_semantics<arbitrary>], iteration_bounds = array<i64: 5>, scalar_prefetch = 0 : i64, scratch_operands = 0 : i64, tpu.core_type = #tpu.core_type<tc>, window_params = [{transform_indices = @transform_0, window_bounds = array<i64: 2, 2000, 128>}, {transform_indices = @transform_1, window_bounds = array<i64: 2000, 128>}, {transform_indices = @transform_2, window_bounds = array<i64: 2000, 2>}, {pipeline_mode = #tpu.pipeline_mode<synchronous>, transform_indices = @transform_3, window_bounds = array<i64: 128, 128>}, {pipeline_mode = #tpu.pipeline_mode<synchronous>, transform_indices = @transform_4, window_bounds = array<i64: 128, 40>}, {pipeline_mode = #tpu.pipeline_mode<synchronous>, transform_indices = @transform_5, window_bounds = array<i64: 1, 40>}, {transform_indices = @transform_6, window_bounds = array<i64: 2000, 40>}]} {
    %get3A = arith.constant 0 : index
    %get3A_0 = arith.constant 0 : index
    %get3A_1 = vector.load %arg3[%get3A, %get3A_0] : memref<2000x2xf32, #tpu.memory_space<vmem>>, vector<2000x2xf32>
    %slice3A = vector.extract_strided_slice %get3A_1 {offsets = [0, 0], sizes = [2000, 1], strides = [1, 1]} : vector<2000x2xf32> to vector<2000x1xf32>
    %squeeze3A = vector.shape_cast %slice3A : vector<2000x1xf32> to vector<2000xf32>
    %slice3A_2 = vector.extract_strided_slice %get3A_1 {offsets = [0, 1], sizes = [2000, 1], strides = [1, 1]} : vector<2000x2xf32> to vector<2000x1xf32>
    %squeeze3A_3 = vector.shape_cast %slice3A_2 : vector<2000x1xf32> to vector<2000xf32>
    %add3A = arith.addf %squeeze3A, %squeeze3A_3 : vector<2000xf32>
    %gt3A = arith.constant 0.000000e+00 : f32
    %gt3A_4 = vector.broadcast %gt3A : f32 to vector<2000xf32>
    %gt3A_5 = arith.cmpf ogt, %add3A, %gt3A_4 : vector<2000xf32>
    %rsqrt3A = math.rsqrt %add3A : vector<2000xf32>
    %jit3A = arith.constant 0.000000e+00 : f32
    %broadcast_in_dim3A = vector.broadcast %jit3A : f32 to vector<2000xf32>
    %select_n3A = arith.select %gt3A_5, %rsqrt3A, %broadcast_in_dim3A : vector<2000xi1>, vector<2000xf32>
    %broadcast_in_dim3A_6 = vector.shape_cast %select_n3A : vector<2000xf32> to vector<2000x1xf32>
    %get3A_7 = arith.constant 0 : index
    %get3A_8 = arith.constant 0 : index
    %get3A_9 = arith.constant 0 : index
    %get3A_10 = vector.load %arg1[%get3A_7, %get3A_8, %get3A_9] : memref<2x2000x128xf32, #tpu.memory_space<vmem>>, vector<2x2000x128xf32>
    %mul3A = arith.constant 0.899999976 : f32
    %mul3A_11 = vector.broadcast %mul3A : f32 to vector<2000x1xf32>
    %mul3A_12 = arith.mulf %mul3A_11, %broadcast_in_dim3A_6 : vector<2000x1xf32>
    %slice3A_13 = vector.extract_strided_slice %get3A_10 {offsets = [0, 0, 0], sizes = [1, 2000, 128], strides = [1, 1, 1]} : vector<2x2000x128xf32> to vector<1x2000x128xf32>
    %squeeze3A_14 = vector.shape_cast %slice3A_13 : vector<1x2000x128xf32> to vector<2000x128xf32>
    %slice3A_15 = vector.extract_strided_slice %get3A_10 {offsets = [1, 0, 0], sizes = [1, 2000, 128], strides = [1, 1, 1]} : vector<2x2000x128xf32> to vector<1x2000x128xf32>
    %squeeze3A_16 = vector.shape_cast %slice3A_15 : vector<1x2000x128xf32> to vector<2000x128xf32>
    %add3A_17 = arith.addf %squeeze3A_14, %squeeze3A_16 : vector<2000x128xf32>
    %mul3A_18 = vector.broadcast %mul3A_12 : vector<2000x1xf32> to vector<2000x128xf32>
    %mul3A_19 = arith.mulf %mul3A_18, %add3A_17 : vector<2000x128xf32>
    %get3A_20 = arith.constant 0 : index
    %get3A_21 = arith.constant 0 : index
    %get3A_22 = vector.load %arg2[%get3A_20, %get3A_21] : memref<2000x128xf32, #tpu.memory_space<vmem>>, vector<2000x128xf32>
    %mul3A_23 = arith.constant 1.000000e-01 : f32
    %mul3A_24 = vector.broadcast %mul3A_23 : f32 to vector<2000x128xf32>
    %mul3A_25 = arith.mulf %mul3A_24, %get3A_22 : vector<2000x128xf32>
    %add3A_26 = arith.addf %mul3A_19, %mul3A_25 : vector<2000x128xf32>
    %get3A_27 = arith.constant 0 : index
    %get3A_28 = arith.constant 0 : index
    %get3A_29 = vector.load %arg4[%get3A_27, %get3A_28] : memref<128x128xf32, #tpu.memory_space<vmem>>, vector<128x128xf32>
    %dot_general3A = arith.constant dense<0.000000e+00> : vector<2000x128xf32>
    %dot_general3A_30 = tpu.matmul %add3A_26, %get3A_29, %dot_general3A {dimension_numbers = #tpu.dot_dimension_numbers<[1], [0], [0], [1], [0, 0, 1, 1], [], []>, transpose_lhs_hint = false} : vector<2000x128xf32>, vector<128x128xf32>, vector<2000x128xf32> -> vector<2000x128xf32>
    %max3A = arith.constant 0.000000e+00 : f32
    %max3A_31 = vector.broadcast %max3A : f32 to vector<2000x128xf32>
    %max3A_32 = arith.maximumf %dot_general3A_30, %max3A_31 : vector<2000x128xf32>
    %get3A_33 = arith.constant 0 : index
    %get3A_34 = arith.constant 0 : index
    %get3A_35 = vector.load %arg5[%get3A_33, %get3A_34] : memref<128x40xf32, #tpu.memory_space<vmem>>, vector<128x40xf32>
    %dot_general3A_36 = arith.constant dense<0.000000e+00> : vector<2000x40xf32>
    %dot_general3A_37 = tpu.matmul %max3A_32, %get3A_35, %dot_general3A_36 {dimension_numbers = #tpu.dot_dimension_numbers<[1], [0], [0], [1], [0, 0, 1, 1], [], []>, transpose_lhs_hint = false} : vector<2000x128xf32>, vector<128x40xf32>, vector<2000x40xf32> -> vector<2000x40xf32>
    %get3A_38 = arith.constant 0 : index
    %get3A_39 = arith.constant 0 : index
    %get3A_40 = vector.load %arg6[%get3A_38, %get3A_39] : memref<1x40xf32, #tpu.memory_space<vmem>>, vector<1x40xf32>
    %add3A_41 = vector.broadcast %get3A_40 : vector<1x40xf32> to vector<2000x40xf32>
    %add3A_42 = arith.addf %dot_general3A_37, %add3A_41 : vector<2000x40xf32>
    %swap3A = arith.constant 0 : index
    %swap3A_43 = arith.constant 0 : index
    %swap3A_44 = vector.load %arg7[%swap3A, %swap3A_43] : memref<2000x40xf32, #tpu.memory_space<vmem>>, vector<2000x40xf32>
    tpu.vector_store %arg7[%swap3A, %swap3A_43], %add3A_42 {strides = array<i32>} : memref<2000x40xf32, #tpu.memory_space<vmem>>, vector<2000x40xf32>,
    return
  }
  func.func @transform_0(%arg0: i32) -> (i32, i32, i32) {
    %c0_i32 = arith.constant 0 : i32
    %c0_i32_0 = arith.constant 0 : i32
    %c0_i32_1 = arith.constant 0 : i32
    return %c0_i32, %arg0, %c0_i32_0 : i32, i32, i32
  }
  func.func @transform_1(%arg0: i32) -> (i32, i32) {
    %c0_i32 = arith.constant 0 : i32
    %c0_i32_0 = arith.constant 0 : i32
    return %arg0, %c0_i32 : i32, i32
  }
  func.func @transform_2(%arg0: i32) -> (i32, i32) {
    %c0_i32 = arith.constant 0 : i32
    %c0_i32_0 = arith.constant 0 : i32
    return %arg0, %c0_i32 : i32, i32
  }
  func.func @transform_3(%arg0: i32) -> (i32, i32) {
    %c0_i32 = arith.constant 0 : i32
    %c0_i32_0 = arith.constant 0 : i32
    %c0_i32_1 = arith.constant 0 : i32
    return %c0_i32, %c0_i32_0 : i32, i32
  }
  func.func @transform_4(%arg0: i32) -> (i32, i32) {
    %c0_i32 = arith.constant 0 : i32
    %c0_i32_0 = arith.constant 0 : i32
    %c0_i32_1 = arith.constant 0 : i32
    return %c0_i32, %c0_i32_0 : i32, i32
  }
  func.func @transform_5(%arg0: i32) -> (i32, i32) {
    %c0_i32 = arith.constant 0 : i32
    %c0_i32_0 = arith.constant 0 : i32
    %c0_i32_1 = arith.constant 0 : i32
    return %c0_i32, %c0_i32_0 : i32, i32
  }
  func.func @transform_6(%arg0: i32) -> (i32, i32) {
    %c0_i32 = arith.constant 0 : i32
    %c0_i32_0 = arith.constant 0 : i32
    return %arg0, %c0_i32 : i32, i32
  }
}

</mosaic_0001>

<sc_bundles>
// kernel: kernel.12.cloned.1.call-start
scs
__scs_entry_jumppad:
0x0: {  	(pc) =	sbr.rel $0x88, $3  }
0x1: {  	(tag) =	ssettag $0x0;
	lr =	simm.s32 $0x1  }
0x2: {  	[smem:$0x3F9A] =	sst lr;
	_ =	strace $0xD0000000  }
0x3: {  	_ = 	snop  }
0x4: {  	_ = 	snop  }
0x5: {  	_ = 	snop  }
0x6: {  	_ = 	snop  }
0x7: {  	_ = 	snop  }
__scs_overlays_trampoline_lowered:
0x8: {  	[smem:$0x3FA9] =	sst s0  }
0x9: {  	[smem:$0x3FAA] =	sst s1  }
0xa: {  	[smem:$0x3FAB] =	sst s2  }
0xb: {  	[smem:$0x3FAC] =	sst s3  }
0xc: {  	[smem:$0x3FAD] =	sst s4  }
0xd: {  	[smem:$0x3FAE] =	sst s5  }
0xe: {  	[smem:$0x3FAF] =	sst s6  }
0xf: {  	[smem:$0x3FB0] =	sst s7  }
0x10: {  	[smem:$0x3FB1] =	sst s8  }
0x11: {  	[smem:$0x3FB2] =	sst s9;
	s0 =	simm.s32 @!p0 $0x0  }
0x12: {  	s1 =	sld [smem:$0x3F98];
	s0 =	simm.s32 @p0 $0x1  }
0x13: {  	[smem:$0x3FB3] =	sst s0;
	s0 =	simm.s32 @!p1 $0x0  }
0x14: {  	s2 =	sld [smem:$0x3F97];
	s0 =	simm.s32 @p1 $0x1  }
0x15: {  	[smem:$0x3FB4] =	sst s0;
	s0 =	simm.s32 @!p2 $0x0  }
0x16: {  	s3 =	sld [smem:$0x3FDB];
	s0 =	simm.s32 @p2 $0x1  }
0x17: {  	s4 =	simm.s32 $0x1BF5;
	[smem:$0x3FB6] =	sst s0  }
0x18: {  	s0 =	sld [smem:$0x3F99];
	_ =	swait.ge [sflag:s4], $0x0  }
0x19: {  	s7 =	sld [smem:$0x3F9A]  }
0x1a: {  	s8 =	sadd.s32 $0xFFFFE003, lr  }
0x1b: {  	s9 =	sadd.s32 $0xFFFFFEF7, lr;
	s5 =	simm.s32 $0xFFFFFFFF;
	p2 =	slt.u32 s8, $0xFFFFF086  }
0x1c: {  	p1 =	slt.u32 s9, $0xF7A;
	s5 =	simm.s32 @!p2 $0x0  }
0x1d: {  	s5 =	simm.s32 @p1 $0x1;
	p0 =	seq.s32 s7, s2  }
0x1e: {  	s7 =	smul.u32 @!p0 $0xF7A, s2;
	p2 =	seq.s32 @!p0 s5, $0x0  }
0x1f: {  	s9 =	smul.u32 $0xF7A, s1;
	s8 =	simm.s32 @!p0 $0x1BF5;
	p2 =	por !p2, p0  }
0x20: {  	[sflag:s8] =	ssyncset.s32 @!p0 $0xFFFFF086;
	s6 =	sadd.s32 @!p0 s3, s7;
	s7 =	simm.s32 @!p0 $0x108  }
0x21: {  	s3 =	sadd.s32 s3, s9;
	s6 =	sadd.s32 @!p0 $0x88, s6;
	s7 =	simm.s32 @p2 $0x1082  }
0x22: {  	[simem:s7], [sflag:s8] =	dma.local @!p0 [hbm:s6], $0xF7A  }
0x23: {  	s9 =	sor.u32 $0xD0000000, s2;
	s6 =	simm.s32 $0x108;
	_ =	swait.ge @!p0 [sflag:s8], $0x0  }
0x24: {  	s3 =	sadd.s32 $0x88, s3;
	s6 =	simm.s32 @!p1 $0x1082;
	[sflag:s4] =	ssyncset.s32 $0xFFFFF086  }
0x25: {  	[simem:s6], [sflag:s4] =	dma.local [hbm:s3], $0xF7A  }
0x26: {  	[smem:$0x3F9A] =	sst s1;
	(tag) =	ssettag s2;
	_ =	strace s9  }
0x27: {  	s1 =	sld [smem:$0x3FAA]  }
0x28: {  	s2 =	sld [smem:$0x3FAB]  }
0x29: {  	s4 =	sld [smem:$0x3FAD]  }
0x2a: {  	p0 =	seq.s32 s5, $0x0;
	s5 =	sld [smem:$0x3FAE]  }
0x2b: {  	s6 =	sld [smem:$0x3FAF]  }
0x2c: {  	s7 =	sld [smem:$0x3FB0]  }
0x2d: {  	s3 =	simm.s32 $0x108;
	s8 =	sld [smem:$0x3FB1]  }
0x2e: {  	s3 =	simm.s32 @!p0 $0x1082;
	s9 =	sld [smem:$0x3FB2]  }
0x2f: {  	lr =	sadd.s32 s0, s3;
	s0 =	sld [smem:$0x3FA9]  }
0x30: {  	s3 =	sld [smem:$0x3FAC]  }
0x31: {  	[smem:$0x3FB5] =	sst s10  }
0x32: {  	s10 =	sld [smem:$0x3FB3];
	_ =	sdelay $0x3  }
0x33: {  	p0 =	seq.s32 s10, $0x1;
	s10 =	sld [smem:$0x3FB5];
	_ =	sdelay $0x3  }
0x34: {  	[smem:$0x3FB5] =	sst s10  }
0x35: {  	s10 =	sld [smem:$0x3FB4];
	_ =	sdelay $0x3  }
0x36: {  	p1 =	seq.s32 s10, $0x1;
	s10 =	sld [smem:$0x3FB5];
	_ =	sdelay $0x3  }
0x37: {  	[smem:$0x3FB5] =	sst s10  }
0x38: {  	s10 =	sld [smem:$0x3FB6]  }
0x39: {  	_ = 	snop;
	(pc) =	sbr.ind lr, $3  }
0x3a: {  	_ = 	snop  }
0x3b: {  	_ = 	snop  }
0x3c: {  	p2 =	seq.s32 s10, $0x1;
	s10 =	sld [smem:$0x3FB5]  }
0x3d: {  	_ =	shalt  }
0x3e: {  	_ =	shalt  }
0x3f: {  	_ =	shalt  }
0x40: {  	_ =	shalt  }
0x41: {  	_ =	shalt  }
0x42: {  	_ =	shalt  }
0x43: {  	_ =	shalt  }
0x44: {  	_ =	shalt  }
0x45: {  	_ =	shalt  }
0x46: {  	_ =	shalt  }
0x47: {  	_ =	shalt  }
0x48: {  	_ =	shalt  }
0x49: {  	_ =	shalt  }
0x4a: {  	_ =	shalt  }
0x4b: {  	_ =	shalt  }
0x4c: {  	_ =	shalt  }
0x4d: {  	_ =	shalt  }
0x4e: {  	_ =	shalt  }
0x4f: {  	_ =	shalt  }
0x50: {  	_ =	shalt  }
0x51: {  	_ =	shalt  }
0x52: {  	_ =	shalt  }
0x53: {  	_ =	shalt  }
0x54: {  	_ =	shalt  }
0x55: {  	_ =	shalt  }
0x56: {  	_ =	shalt  }
0x57: {  	_ =	shalt  }
0x58: {  	_ =	shalt  }
0x59: {  	_ =	shalt  }
0x5a: {  	_ =	shalt  }
0x5b: {  	_ =	shalt  }
0x5c: {  	_ =	shalt  }
0x5d: {  	_ =	shalt  }
0x5e: {  	_ =	shalt  }
0x5f: {  	_ =	shalt  }
0x60: {  	_ =	shalt  }
0x61: {  	_ =	shalt  }
0x62: {  	_ =	shalt  }
0x63: {  	_ =	shalt  }
0x64: {  	_ =	shalt  }
0x65: {  	_ =	shalt  }
0x66: {  	_ =	shalt  }
0x67: {  	_ =	shalt  }
0x68: {  	_ =	shalt  }
0x69: {  	_ =	shalt  }
0x6a: {  	_ =	shalt  }
0x6b: {  	_ =	shalt  }
0x6c: {  	_ =	shalt  }
0x6d: {  	_ =	shalt  }
0x6e: {  	_ =	shalt  }
0x6f: {  	_ =	shalt  }
0x70: {  	_ =	shalt  }
0x71: {  	_ =	shalt  }
0x72: {  	_ =	shalt  }
0x73: {  	_ =	shalt  }
0x74: {  	_ =	shalt  }
0x75: {  	_ =	shalt  }
0x76: {  	_ =	shalt  }
0x77: {  	_ =	shalt  }
0x78: {  	_ =	shalt  }
0x79: {  	_ =	shalt  }
0x7a: {  	_ =	shalt  }
0x7b: {  	_ =	shalt  }
0x7c: {  	_ =	shalt  }
0x7d: {  	_ =	shalt  }
0x7e: {  	_ =	shalt  }
0x7f: {  	_ =	shalt  }
0x80: {  	_ =	shalt  }
0x81: {  	_ =	shalt  }
0x82: {  	_ =	shalt  }
0x83: {  	_ =	shalt  }
0x84: {  	_ =	shalt  }
0x85: {  	_ =	shalt  }
0x86: {  	_ =	shalt  }
0x87: {  	_ =	shalt  }
.Lfunc_end0:
.L_simem_size_0:
called_computation_lowered:
.L_overlay_start_0:
0x88: {  	s2 =	sld [smem:$0x3FD9]  }
0x89: {  	s3 =	sld [smem:$0x3FFE];
	_ =	sdelay $0x1  }
0x8a: {  	s1 =	srdreg.scid  }
0x8b: {  	s0 =	sand.u32 $0x1, s1  }
0x8c: {  	s17 =	sshll.u32 s0, $0xA;
	s2 =	sadd.s32 s3, s2  }
0x8d: {  	s2 =	sadd.s32 s2, s17  }
0x8e: {  	[smem:$0x3FC1] =	sst s2  }
0x8f: {  	_ = 	snop  }
0x90: {  	s2 =	sld [smem:$0x3FD0];
	(tm) =	ssettm $0x1  }
0x91: {  	s18 =	sld [smem:$0x3FFB];
	_ =	sdelay $0x3  }
0x92: {  	_ =	strace s18  }
0x93: {  	s3 =	sld [smem:$0x3FFC];
	_ =	sdelay $0x3  }
0x94: {  	_ =	strace s3  }
0x95: {  	s3 =	sld [smem:$0x3FFD];
	_ =	sdelay $0x3  }
0x96: {  	_ =	strace s3  }
0x97: {  	_ =	strace $0x8FFFFFFF  }
0x98: {  	s19 =	sld [smem:$0x3FDB];
	_ =	sdelay $0x1  }
0x99: {  	s4 =	simm.s32 $_scs_section_size  }
0x9a: {  	s5 =	simm.s32 $_size__tile_overlayer_lowered;
	s6 =	simm.s32 $_tile_overlayer_lowered  }
0x9b: {  	s22 =	simm.s32 $0x1BFF;
	s21 =	sshll.u32 s6, $0x1;
	s3 =	sadd.s32 s4, s19  }
0x9c: {  	s7 =	simm.s32 $0x0;
	s20 =	sshll.u32 s5, $0x1;
	s5 =	sadd.s32 s21, s3  }
0x9d: {  	[timem:s7], [sflag:s22] =	dma.local [hbm:s5], s20  }
0x9e: {  	_ =	swait.ge [sflag:s22], s20  }
0x9f: {  	s4 =	ssub.s32 $0x0, s20;
	[sflag:s22] =	ssyncset.done $0x0  }
0xa0: {  	[sflag:s22] =	ssyncadd.s32 s4;
	_ =	sdelay $0x1  }
0xa1: {  	s23 =	simm.s32 $0x1B8B  }
0xa2: {  	_ =	swait.ge [sflag:s23], $0x1  }
0xa3: {  	[sflag:s23] =	ssyncset.done $0x0  }
0xa4: {  	s25 =	simm.s32 $0x1B8E;
	s24 =	sld [smem:$0x3FFE];
	[sflag:s23] =	ssyncadd.s32 $0xFFFFFFFF  }
0xa5: {  	s26 =	simm.s32 $execute0_lowered;
	[smem:$0x3FD2] =	sst s25  }
0xa6: {  	s5 =	sshll.u32 s26, $0x1;
	_ =	strace $0x80000046;
	[dreg:$0x1] =	wrdreg $0xFFFFFFFF  }
0xa7: {  	s28 =	simm.s32 $_size_execute0_lowered;
	s3 =	sadd.s32 s3, s5;
	[dreg:$0x0] =	wrdreg $0x0  }
0xa8: {  	s5 =	sshll.u32 s28, $0x1;
	[dreg:$0x2] =	wrdreg s3  }
0xa9: {  	[dreg:$0x3] =	wrdreg s5  }
0xaa: {  	[dreg:$0x4] =	wrdreg $0xC0  }
0xab: {  	_ =	task [dreg:s7], $0x5FFFF  }
0xac: {  	[dreg:$0x1] =	wrdreg $0xFFFFFFFF  }
0xad: {  	[dreg:$0x0] =	wrdreg $0x60  }
0xae: {  	[dreg:$0x2] =	wrdreg s24  }
0xaf: {  	[dreg:$0x3] =	wrdreg s2  }
0xb0: {  	[dreg:$0x4] =	wrdreg $0x0  }
0xb1: {  	[dreg:$0x5] =	wrdreg $0x9  }
0xb2: {  	_ =	task.clear_ibuf [dreg:s7], $0x6FFFF;
	_ =	strace $0x90000046  }
0xb3: {  	s29 =	simm.s32 $0x9;
	_ =	strace $0x80000048  }
0xb4: {  	_ =	swait.ge [sflag:s29], $0x1  }
0xb5: {  	[sflag:s29] =	ssyncadd.s32 $0xFFFFFFFF  }
0xb6: {  	_ =	strace $0x90000048  }
0xb7: {  	_ =	sfence  }
0xb8: {  	s30 =	sld [smem:$0x0];
	_ =	sdelay $0x2  }
0xb9: {  	s31 =	sshll.u32 s1, $0xD;
	s1 =	sshrl.u32 s1, $0x2  }
0xba: {  	s3 =	sand.u32 $0x4000, s31;
	s1 =	sadd.s32 s1, s30  }
0xbb: {  	s0 =	sor.u32 s3, s0;
	s1 =	sshll.u32 s1, $0x11  }
0xbc: {  	s0 =	sor.u32 s1, s0  }
0xbd: {  	s0 =	sadd.s32 $0x8F2B, s0  }
0xbe: {  	[sflag:s0] =	ssyncadd.remote.s32 $0x1  }
0xbf: {  	_ =	sfence.sel $0xFFFF  }
0xc0: {  	[dreg:$0x0] =	wrdreg $0xFFFFFFFF;
	(pc) =	sbr.abs _section_cstart, $3  }
0xc1: {  	[dreg:$0x1] =	wrdreg $0xFFFFFFFF  }
0xc2: {  	_ =	task.clear_ibuf [dreg:s7], $0x2FFFF;
	_ =	strace $0x9FFFFFFF  }
0xc3: {  	(tm) =	ssettm $0x7FFFFFFF  }
tec
execute0_lowered:
.L_overlay_start_1:
0x0: {  	(tag) =	ssettag $0x1  }
0x1: {  	s4 =	rddreg [dreg:$0x0]  }
0x2: {  	s1 =	srdreg.scid;
	s8 =	rddreg [dreg:$0x1]  }
0x3: {  	s0 =	stileid.u32;
	s2 =	rddreg [dreg:$0x2];
	s3 =	simm.s32 $0x0  }
0x4: {  	s11 =	simm.s32 $0x1;
	s12 =	simm.s32 $0x36F8;
	s13 =	simm.s32 $0x80  }
0x5: {  	s14 =	simm.s32 $0x3678;
	s15 =	simm.s32 $0x0;
	s5 =	sand.u32 $0x1, s1  }
0x6: {  	s28 =	sshll.u32 s0, $0x1;
	s7 =	smul.u32 $0x270, s0;
	[smem:$0x7FF] =	sst s3  }
0x7: {  	p0 =	sne.s32 s0, $0xF;
	s1 =	sor.u32 s5, s28;
	s10 =	smul.u32 $0x2710, s5  }
0x8: {  	s9 =	ssub.s32 $0x2, s5;
	s6 =	smul.u32 $0x680, s1;
	s1 =	rddreg [dreg:$0x3]  }
0x9: {  	_ =	strace $0x80000047;
	s29 =	sshrl.u32 s9, $0x1;
	s5 =	sadd.s32 s7, s2  }
0xa: {  	s9 =	ssub.s32 s9, s29;
	s30 =	sadd.s32 s7, s10;
	s10 =	sshrl.u32 s10, $0x3  }
0xb: {  	s4 =	sadd.s32 s6, s4;
	s31 =	sshrl.u32 s30, $0x3;
	s6 =	sadd.s32 $0x2700, s2  }
0xc: {  	s9 =	smax.u32 s9, $0x1;
	s7 =	sadd.s32 s8, s31;
	s8 =	sadd.s32 s8, s10  }
0xd: {  	v0 =	vimm.f32 $1.000000000e+00;
	v1 =	vimm.f32 $0.0e+00;
	s4 =	sadd.s32 $0x2E00, s4;
	s10 =	simm.s32 $0x278;
	s8 =	sadd.s32 $0x4E0, s8  }
.LBB2_1:
0xe: {  	[tilespmem:s10], [sflag:$0x1] =	stream.linear.gather [hbm4b:s4+s3], $0x3400, $0x38;
	[tilespmem:$0x3978] =	vst v63  }
0xf: {  	_ =	swait.ge [sflag:s11], $0x3400  }
0x10: {  	[sflag:s11] =	ssyncset.done $0x0  }
0x11: {  	[sflag:s11] =	ssyncadd.s32 $0xFFFFCC00  }
0x12: {  	[tilespmem:$0x3678] =	vst v0  }
0x13: {  	[tilespmem:$0x3688] =	vst v0  }
0x14: {  	[tilespmem:$0x3698] =	vst v0  }
0x15: {  	[tilespmem:$0x36A8] =	vst v0  }
0x16: {  	[tilespmem:$0x36B8] =	vst v0  }
0x17: {  	[tilespmem:$0x36C8] =	vst v0  }
0x18: {  	[tilespmem:$0x36D8] =	vst v0  }
0x19: {  	[tilespmem:$0x36E8] =	vst v0  }
0x1a: {  	[tilespmem:$0x36F8] =	vst v1  }
0x1b: {  	[tilespmem:$0x3708] =	vst v1  }
0x1c: {  	[tilespmem:$0x3718] =	vst v1  }
0x1d: {  	[tilespmem:$0x3728] =	vst v1  }
0x1e: {  	[tilespmem:$0x3738] =	vst v1  }
0x1f: {  	[tilespmem:$0x3748] =	vst v1  }
0x20: {  	[tilespmem:$0x3758] =	vst v1  }
0x21: {  	[tilespmem:$0x3768] =	vst v1  }
0x22: {  	[tilespmem:$0x3778] =	vst v1  }
0x23: {  	[tilespmem:$0x3788] =	vst v1  }
0x24: {  	[tilespmem:$0x3798] =	vst v1  }
0x25: {  	[tilespmem:$0x37A8] =	vst v1  }
0x26: {  	[tilespmem:$0x37B8] =	vst v1  }
0x27: {  	[tilespmem:$0x37C8] =	vst v1  }
0x28: {  	[tilespmem:$0x37D8] =	vst v1  }
0x29: {  	[tilespmem:$0x37E8] =	vst v1  }
0x2a: {  	[tilespmem:$0x37F8] =	vst v1  }
0x2b: {  	[tilespmem:$0x3808] =	vst v1  }
0x2c: {  	[tilespmem:$0x3818] =	vst v1  }
0x2d: {  	[tilespmem:$0x3828] =	vst v1  }
0x2e: {  	[tilespmem:$0x3838] =	vst v1  }
0x2f: {  	[tilespmem:$0x3848] =	vst v1  }
0x30: {  	[tilespmem:$0x3858] =	vst v1  }
0x31: {  	[tilespmem:$0x3868] =	vst v1  }
0x32: {  	[tilespmem:$0x3878] =	vst v1  }
0x33: {  	[tilespmem:$0x3888] =	vst v1  }
0x34: {  	[tilespmem:$0x3898] =	vst v1  }
0x35: {  	[tilespmem:$0x38A8] =	vst v1  }
0x36: {  	[tilespmem:$0x38B8] =	vst v1  }
0x37: {  	[tilespmem:$0x38C8] =	vst v1  }
0x38: {  	[tilespmem:$0x38D8] =	vst v1  }
0x39: {  	[tilespmem:$0x38E8] =	vst v1  }
0x3a: {  	[tilespmem:$0x38F8] =	vst v1  }
0x3b: {  	[tilespmem:$0x3908] =	vst v1  }
0x3c: {  	[tilespmem:$0x3918] =	vst v1  }
0x3d: {  	[tilespmem:$0x3928] =	vst v1  }
0x3e: {  	[tilespmem:$0x3938] =	vst v1  }
0x3f: {  	[tilespmem:$0x3948] =	vst v1  }
0x40: {  	[tilespmem:$0x3958] =	vst v1  }
0x41: {  	[tilespmem:$0x3968] =	vst v1  }
0x42: {  	[spmem:s5] =	stream.linear.scatter [tilespmem:s12], [sflag:$0x1], $0x270, $0x38;
	[tilespmem:$0x3978] =	vst v63  }
0x43: {  	_ =	swait.ge [sflag:s11], $0x270  }
0x44: {  	[sflag:s11] =	ssyncset.done $0x0  }
0x45: {  	s16 =	simm.s32 @!p0 $0x36F8;
	[sflag:s11] =	ssyncadd.s32 $0xFFFFFD90  }
0x46: {  	[spmem:s6] =	stream.linear.scatter @!p0 [tilespmem:s16], [sflag:$0x1], $0x20, $0x38;
	[tilespmem:$0x3978] =	vst v63  }
0x47: {  	s16 =	simm.s32 @!p0 $0x1  }
0x48: {  	_ =	swait.ge @!p0 [sflag:s16], $0x20  }
0x49: {  	[sflag:s16] =	ssyncset.done @!p0 $0x0  }
0x4a: {  	[sflag:s16] =	ssyncadd.s32 @!p0 $0xFFFFFFE0  }
0x4b: {  	s31 =	simm.s32 $0x278;
	[bflag:$0x0] =	sbarrier.arrive $0xFFFF  }
0x4c: {  	[spmem:s2] =	stream.indirect.scatter.add.f32 [tilespmem:s14], [sflag:$0x1], $0x1, s31, s13, $0xb8;
	[tilespmem:$0x3978] =	vst v63  }
0x4d: {  	s16 =	simm.s32 $0x200;
	_ =	swait.ge [sflag:s11], $0x80  }
.LBB2_2:
0x4e: {  	s17 =	sshra.s32 s16, $0x2;
	[sflag:s11] =	ssyncset.done $0x0;
	p1 =	sne.s32 s16, $0xCE00  }
.Ltmp0:
0x4f: {  	s17 =	sadd.s32 $0x278, s17;
	[sflag:s11] =	ssyncadd.s32 $0xFFFFFF80;
	(pc) =	sbr.rel @p1 .LBB2_2-.Ltmp0, $3  }
0x50: {  	[spmem:s2] =	stream.indirect.scatter.add.f32 [tilespmem:s14], [sflag:$0x1], $0x1, s17, s13, $0xb8;
	[tilespmem:$0x3978] =	vst v63  }
0x51: {  	s16 =	sadd.s32 $0x200, s16;
	_ =	sdelay $0x1  }
0x52: {  	_ =	swait.ge [sflag:s11], $0x80  }
0x53: {  	[sflag:s11] =	ssyncset.done $0x0  }
0x54: {  	[sflag:s11] =	ssyncadd.s32 $0xFFFFFF80  }
0x55: {  	[bflag:$0x0] =	sbarrier.arrive $0xFFFF  }
0x56: {  	[tilespmem:s12], [sflag:$0x1] =	stream.linear.gather [spmem:s5], $0x270, $0x38;
	[tilespmem:$0x3978] =	vst v63  }
0x57: {  	_ =	swait.ge [sflag:s11], $0x270  }
0x58: {  	[sflag:s11] =	ssyncset.done $0x0  }
0x59: {  	[sflag:s11] =	ssyncadd.s32 $0xFFFFFD90  }
0x5a: {  	[hbm4b:s7+s3] =	stream.linear.scatter [tilespmem:s12], [sflag:$0x1], $0x270, $0x38;
	[tilespmem:$0x3978] =	vst v63  }
0x5b: {  	_ =	swait.ge [sflag:s11], $0x270  }
0x5c: {  	[sflag:s11] =	ssyncset.done $0x0  }
0x5d: {  	s16 =	simm.s32 @!p0 $0x36F8;
	s17 =	simm.s32 @!p0 $0x1;
	[sflag:s11] =	ssyncadd.s32 $0xFFFFFD90  }
0x5e: {  	[tilespmem:s16], [sflag:$0x1] =	stream.linear.gather @!p0 [spmem:s6], $0x10, $0x38;
	[tilespmem:$0x3978] =	vst v63  }
0x5f: {  	s15 =	sadd.s32 $0x1, s15;
	_ =	swait.ge @!p0 [sflag:s17], $0x10  }
0x60: {  	p1 =	sne.s32 s15, s9;
	[sflag:s17] =	ssyncset.done @!p0 $0x0  }
.Ltmp1:
0x61: {  	s18 =	simm.s32 @!p0 $0x0;
	[sflag:s17] =	ssyncadd.s32 @!p0 $0xFFFFFFF0;
	(pc) =	sbr.rel @p1 .LBB2_1-.Ltmp1, $4  }
0x62: {  	[hbm4b:s8+s18] =	stream.linear.scatter @!p0 [tilespmem:s16], [sflag:$0x1], $0x10, $0x38;
	[tilespmem:$0x3978] =	vst v63  }
0x63: {  	_ =	swait.ge @!p0 [sflag:s17], $0x10  }
0x64: {  	[sflag:s17] =	ssyncset.done @!p0 $0x0  }
0x65: {  	[sflag:s17] =	ssyncadd.s32 @!p0 $0xFFFFFFF0  }
0x66: {  	_ =	sfence.sel $0x180000  }
0x67: {  	[bflag:$0x0] =	sbarrier.arrive $0xFFFF  }
0x68: {  	p0 =	sne.s32 s0, $0x0;
	_ =	strace $0x90000047  }
0x69: {  	s0 =	sadd.s32 @!p0 $0x100000, s1;
	[bflag:$0x2] =	sbarrier.arrive $0xFFFF  }
0x6a: {  	[sflag:s0] =	ssyncadd.tile.s32 @!p0 $0x1;
	_ =	shalt  }
.Lfunc_end2:
_tile_overlayer_lowered:
.L_overlay_start_2:
0x6b: {  	(tag) =	ssettag $0x2  }
0x6c: {  	s0 =	rddreg [dreg:$0x0];
	s2 =	stileid.u32  }
0x6d: {  	s1 =	rddreg [dreg:$0x1];
	p0 =	sne.s32 s2, $0x0  }
0x6e: {  	s3 =	rddreg [dreg:$0x2];
	[bflag:$0x3] =	sbarrier.arrive $0xFFFF;
	s2 =	simm.s32 @!p0 $0x1C01  }
0x6f: {  	[timem:s3], [sflag:s2] =	dma.local @!p0 [hbm:s0], s1  }
0x70: {  	s0 =	simm.s32 @!p0 $0x1  }
0x71: {  	_ =	swait.ge @!p0 [sflag:s0], s1  }
0x72: {  	s1 =	ssub.s32 @!p0 $0x0, s1;
	[sflag:s0] =	ssyncset.done @!p0 $0x0  }
0x73: {  	[sflag:s0] =	ssyncadd.s32 @!p0 s1  }
0x74: {  	[bflag:$0x3] =	sbarrier.arrive $0xFFFF  }
0x75: {  	_ =	shalt  }

// kernel: kernel.15.cloned.1.call-start
scs
__scs_entry_jumppad:
0x0: {  	(pc) =	sbr.rel $0x88, $3  }
0x1: {  	(tag) =	ssettag $0x0;
	lr =	simm.s32 $0x1  }
0x2: {  	[smem:$0x3F9A] =	sst lr;
	_ =	strace $0xD0000000  }
0x3: {  	_ = 	snop  }
0x4: {  	_ = 	snop  }
0x5: {  	_ = 	snop  }
0x6: {  	_ = 	snop  }
0x7: {  	_ = 	snop  }
__scs_overlays_trampoline_lowered:
0x8: {  	[smem:$0x3FA9] =	sst s0  }
0x9: {  	[smem:$0x3FAA] =	sst s1  }
0xa: {  	[smem:$0x3FAB] =	sst s2  }
0xb: {  	[smem:$0x3FAC] =	sst s3  }
0xc: {  	[smem:$0x3FAD] =	sst s4  }
0xd: {  	[smem:$0x3FAE] =	sst s5  }
0xe: {  	[smem:$0x3FAF] =	sst s6  }
0xf: {  	[smem:$0x3FB0] =	sst s7  }
0x10: {  	[smem:$0x3FB1] =	sst s8  }
0x11: {  	[smem:$0x3FB2] =	sst s9;
	s0 =	simm.s32 @!p0 $0x0  }
0x12: {  	s1 =	sld [smem:$0x3F98];
	s0 =	simm.s32 @p0 $0x1  }
0x13: {  	[smem:$0x3FB3] =	sst s0;
	s0 =	simm.s32 @!p1 $0x0  }
0x14: {  	s2 =	sld [smem:$0x3F97];
	s0 =	simm.s32 @p1 $0x1  }
0x15: {  	[smem:$0x3FB4] =	sst s0;
	s0 =	simm.s32 @!p2 $0x0  }
0x16: {  	s3 =	sld [smem:$0x3FDB];
	s0 =	simm.s32 @p2 $0x1  }
0x17: {  	s4 =	simm.s32 $0x1BF5;
	[smem:$0x3FB6] =	sst s0  }
0x18: {  	s0 =	sld [smem:$0x3F99];
	_ =	swait.ge [sflag:s4], $0x0  }
0x19: {  	s7 =	sld [smem:$0x3F9A]  }
0x1a: {  	s8 =	sadd.s32 $0xFFFFE003, lr  }
0x1b: {  	s9 =	sadd.s32 $0xFFFFFEF7, lr;
	s5 =	simm.s32 $0xFFFFFFFF;
	p2 =	slt.u32 s8, $0xFFFFF086  }
0x1c: {  	p1 =	slt.u32 s9, $0xF7A;
	s5 =	simm.s32 @!p2 $0x0  }
0x1d: {  	s5 =	simm.s32 @p1 $0x1;
	p0 =	seq.s32 s7, s2  }
0x1e: {  	s7 =	smul.u32 @!p0 $0xF7A, s2;
	p2 =	seq.s32 @!p0 s5, $0x0  }
0x1f: {  	s9 =	smul.u32 $0xF7A, s1;
	s8 =	simm.s32 @!p0 $0x1BF5;
	p2 =	por !p2, p0  }
0x20: {  	[sflag:s8] =	ssyncset.s32 @!p0 $0xFFFFF086;
	s6 =	sadd.s32 @!p0 s3, s7;
	s7 =	simm.s32 @!p0 $0x108  }
0x21: {  	s3 =	sadd.s32 s3, s9;
	s6 =	sadd.s32 @!p0 $0x88, s6;
	s7 =	simm.s32 @p2 $0x1082  }
0x22: {  	[simem:s7], [sflag:s8] =	dma.local @!p0 [hbm:s6], $0xF7A  }
0x23: {  	s9 =	sor.u32 $0xD0000000, s2;
	s6 =	simm.s32 $0x108;
	_ =	swait.ge @!p0 [sflag:s8], $0x0  }
0x24: {  	s3 =	sadd.s32 $0x88, s3;
	s6 =	simm.s32 @!p1 $0x1082;
	[sflag:s4] =	ssyncset.s32 $0xFFFFF086  }
0x25: {  	[simem:s6], [sflag:s4] =	dma.local [hbm:s3], $0xF7A  }
0x26: {  	[smem:$0x3F9A] =	sst s1;
	(tag) =	ssettag s2;
	_ =	strace s9  }
0x27: {  	s1 =	sld [smem:$0x3FAA]  }
0x28: {  	s2 =	sld [smem:$0x3FAB]  }
0x29: {  	s4 =	sld [smem:$0x3FAD]  }
0x2a: {  	p0 =	seq.s32 s5, $0x0;
	s5 =	sld [smem:$0x3FAE]  }
0x2b: {  	s6 =	sld [smem:$0x3FAF]  }
0x2c: {  	s7 =	sld [smem:$0x3FB0]  }
0x2d: {  	s3 =	simm.s32 $0x108;
	s8 =	sld [smem:$0x3FB1]  }
0x2e: {  	s3 =	simm.s32 @!p0 $0x1082;
	s9 =	sld [smem:$0x3FB2]  }
0x2f: {  	lr =	sadd.s32 s0, s3;
	s0 =	sld [smem:$0x3FA9]  }
0x30: {  	s3 =	sld [smem:$0x3FAC]  }
0x31: {  	[smem:$0x3FB5] =	sst s10  }
0x32: {  	s10 =	sld [smem:$0x3FB3];
	_ =	sdelay $0x3  }
0x33: {  	p0 =	seq.s32 s10, $0x1;
	s10 =	sld [smem:$0x3FB5];
	_ =	sdelay $0x3  }
0x34: {  	[smem:$0x3FB5] =	sst s10  }
0x35: {  	s10 =	sld [smem:$0x3FB4];
	_ =	sdelay $0x3  }
0x36: {  	p1 =	seq.s32 s10, $0x1;
	s10 =	sld [smem:$0x3FB5];
	_ =	sdelay $0x3  }
0x37: {  	[smem:$0x3FB5] =	sst s10  }
0x38: {  	s10 =	sld [smem:$0x3FB6]  }
0x39: {  	_ = 	snop;
	(pc) =	sbr.ind lr, $3  }
0x3a: {  	_ = 	snop  }
0x3b: {  	_ = 	snop  }
0x3c: {  	p2 =	seq.s32 s10, $0x1;
	s10 =	sld [smem:$0x3FB5]  }
0x3d: {  	_ =	shalt  }
0x3e: {  	_ =	shalt  }
0x3f: {  	_ =	shalt  }
0x40: {  	_ =	shalt  }
0x41: {  	_ =	shalt  }
0x42: {  	_ =	shalt  }
0x43: {  	_ =	shalt  }
0x44: {  	_ =	shalt  }
0x45: {  	_ =	shalt  }
0x46: {  	_ =	shalt  }
0x47: {  	_ =	shalt  }
0x48: {  	_ =	shalt  }
0x49: {  	_ =	shalt  }
0x4a: {  	_ =	shalt  }
0x4b: {  	_ =	shalt  }
0x4c: {  	_ =	shalt  }
0x4d: {  	_ =	shalt  }
0x4e: {  	_ =	shalt  }
0x4f: {  	_ =	shalt  }
0x50: {  	_ =	shalt  }
0x51: {  	_ =	shalt  }
0x52: {  	_ =	shalt  }
0x53: {  	_ =	shalt  }
0x54: {  	_ =	shalt  }
0x55: {  	_ =	shalt  }
0x56: {  	_ =	shalt  }
0x57: {  	_ =	shalt  }
0x58: {  	_ =	shalt  }
0x59: {  	_ =	shalt  }
0x5a: {  	_ =	shalt  }
0x5b: {  	_ =	shalt  }
0x5c: {  	_ =	shalt  }
0x5d: {  	_ =	shalt  }
0x5e: {  	_ =	shalt  }
0x5f: {  	_ =	shalt  }
0x60: {  	_ =	shalt  }
0x61: {  	_ =	shalt  }
0x62: {  	_ =	shalt  }
0x63: {  	_ =	shalt  }
0x64: {  	_ =	shalt  }
0x65: {  	_ =	shalt  }
0x66: {  	_ =	shalt  }
0x67: {  	_ =	shalt  }
0x68: {  	_ =	shalt  }
0x69: {  	_ =	shalt  }
0x6a: {  	_ =	shalt  }
0x6b: {  	_ =	shalt  }
0x6c: {  	_ =	shalt  }
0x6d: {  	_ =	shalt  }
0x6e: {  	_ =	shalt  }
0x6f: {  	_ =	shalt  }
0x70: {  	_ =	shalt  }
0x71: {  	_ =	shalt  }
0x72: {  	_ =	shalt  }
0x73: {  	_ =	shalt  }
0x74: {  	_ =	shalt  }
0x75: {  	_ =	shalt  }
0x76: {  	_ =	shalt  }
0x77: {  	_ =	shalt  }
0x78: {  	_ =	shalt  }
0x79: {  	_ =	shalt  }
0x7a: {  	_ =	shalt  }
0x7b: {  	_ =	shalt  }
0x7c: {  	_ =	shalt  }
0x7d: {  	_ =	shalt  }
0x7e: {  	_ =	shalt  }
0x7f: {  	_ =	shalt  }
0x80: {  	_ =	shalt  }
0x81: {  	_ =	shalt  }
0x82: {  	_ =	shalt  }
0x83: {  	_ =	shalt  }
0x84: {  	_ =	shalt  }
0x85: {  	_ =	shalt  }
0x86: {  	_ =	shalt  }
0x87: {  	_ =	shalt  }
.Lfunc_end0:
.L_simem_size_0:
called_computation.1_lowered:
.L_overlay_start_0:
0x88: {  	s2 =	sld [smem:$0x3FD9]  }
0x89: {  	s3 =	sld [smem:$0x3FFE];
	_ =	sdelay $0x1  }
0x8a: {  	s1 =	srdreg.scid  }
0x8b: {  	s0 =	sand.u32 $0x1, s1  }
0x8c: {  	s16 =	sshll.u32 s0, $0xA;
	s2 =	sadd.s32 s3, s2  }
0x8d: {  	s2 =	sadd.s32 s2, s16  }
0x8e: {  	[smem:$0x3FC1] =	sst s2  }
0x8f: {  	_ = 	snop  }
0x90: {  	(tm) =	ssettm $0x1  }
0x91: {  	s17 =	sld [smem:$0x3FFB];
	_ =	sdelay $0x3  }
0x92: {  	_ =	strace s17  }
0x93: {  	s2 =	sld [smem:$0x3FFC];
	_ =	sdelay $0x3  }
0x94: {  	_ =	strace s2  }
0x95: {  	s2 =	sld [smem:$0x3FFD];
	_ =	sdelay $0x3  }
0x96: {  	_ =	strace s2  }
0x97: {  	_ =	strace $0x8FFFFFFF  }
0x98: {  	s18 =	sld [smem:$0x3FDB];
	_ =	sdelay $0x1  }
0x99: {  	s19 =	simm.s32 $_scs_section_size  }
0x9a: {  	s4 =	simm.s32 $_size__tile_overlayer_lowered;
	s5 =	simm.s32 $_tile_overlayer_lowered  }
0x9b: {  	s22 =	simm.s32 $0x1BFF;
	s21 =	sshll.u32 s5, $0x1;
	s2 =	sadd.s32 s19, s18  }
0x9c: {  	s6 =	simm.s32 $0x0;
	s20 =	sshll.u32 s4, $0x1;
	s4 =	sadd.s32 s21, s2  }
0x9d: {  	[timem:s6], [sflag:s22] =	dma.local [hbm:s4], s20  }
0x9e: {  	_ =	swait.ge [sflag:s22], s20  }
0x9f: {  	s3 =	ssub.s32 $0x0, s20;
	[sflag:s22] =	ssyncset.done $0x0  }
0xa0: {  	[sflag:s22] =	ssyncadd.s32 s3;
	_ =	sdelay $0x1  }
0xa1: {  	s23 =	simm.s32 $0x1B8B  }
0xa2: {  	_ =	swait.ge [sflag:s23], $0x1  }
0xa3: {  	[sflag:s23] =	ssyncset.done $0x0  }
0xa4: {  	s25 =	simm.s32 $0x1B8E;
	s24 =	sld [smem:$0x3FFE];
	[sflag:s23] =	ssyncadd.s32 $0xFFFFFFFF  }
0xa5: {  	s26 =	simm.s32 $execute0_lowered;
	[smem:$0x3FD2] =	sst s25  }
0xa6: {  	s4 =	sshll.u32 s26, $0x1;
	_ =	strace $0x80000049;
	[dreg:$0x1] =	wrdreg $0xFFFFFFFF  }
0xa7: {  	s28 =	simm.s32 $_size_execute0_lowered;
	s2 =	sadd.s32 s2, s4;
	[dreg:$0x0] =	wrdreg $0x0  }
0xa8: {  	s4 =	sshll.u32 s28, $0x1;
	[dreg:$0x2] =	wrdreg s2  }
0xa9: {  	[dreg:$0x3] =	wrdreg s4  }
0xaa: {  	[dreg:$0x4] =	wrdreg $0xC0  }
0xab: {  	_ =	task [dreg:s6], $0x5FFFF  }
0xac: {  	[dreg:$0x1] =	wrdreg $0xFFFFFFFF  }
0xad: {  	[dreg:$0x0] =	wrdreg $0x60  }
0xae: {  	[dreg:$0x2] =	wrdreg s24  }
0xaf: {  	[dreg:$0x3] =	wrdreg $0x0  }
0xb0: {  	[dreg:$0x4] =	wrdreg $0x9  }
0xb1: {  	_ =	task.clear_ibuf [dreg:s6], $0x5FFFF;
	_ =	strace $0x90000049  }
0xb2: {  	s29 =	simm.s32 $0x9;
	_ =	strace $0x8000004B  }
0xb3: {  	_ =	swait.ge [sflag:s29], $0x1  }
0xb4: {  	[sflag:s29] =	ssyncadd.s32 $0xFFFFFFFF  }
0xb5: {  	_ =	strace $0x9000004B  }
0xb6: {  	_ =	sfence  }
0xb7: {  	s30 =	sld [smem:$0x0];
	_ =	sdelay $0x2  }
0xb8: {  	s31 =	sshll.u32 s1, $0xD;
	s1 =	sshrl.u32 s1, $0x2  }
0xb9: {  	s3 =	sand.u32 $0x4000, s31;
	s1 =	sadd.s32 s1, s30  }
0xba: {  	s0 =	sor.u32 s3, s0;
	s1 =	sshll.u32 s1, $0x11  }
0xbb: {  	s0 =	sor.u32 s1, s0  }
0xbc: {  	s0 =	sadd.s32 $0x8F2B, s0  }
0xbd: {  	[sflag:s0] =	ssyncadd.remote.s32 $0x1  }
0xbe: {  	_ =	sfence.sel $0xFFFF  }
0xbf: {  	[dreg:$0x0] =	wrdreg $0xFFFFFFFF;
	(pc) =	sbr.abs _section_cstart, $3  }
0xc0: {  	[dreg:$0x1] =	wrdreg $0xFFFFFFFF  }
0xc1: {  	_ =	task.clear_ibuf [dreg:s6], $0x2FFFF;
	_ =	strace $0x9FFFFFFF  }
0xc2: {  	(tm) =	ssettm $0x7FFFFFFF  }
0xc3: {  	_ =	shalt  }
tec
execute0_lowered:
.L_overlay_start_1:
0x0: {  	(tag) =	ssettag $0x1  }
0x1: {  	s5 =	rddreg [dreg:$0x0]  }
0x2: {  	s2 =	rddreg [dreg:$0x1];
	s1 =	srdreg.scid  }
0x3: {  	s0 =	rddreg [dreg:$0x2];
	s3 =	simm.s32 $0x0;
	s13 =	simm.s32 $0x13900  }
0x4: {  	s14 =	simm.s32 $0x2;
	s15 =	simm.s32 $0x16D00;
	s16 =	simm.s32 $0x1E100  }
0x5: {  	s17 =	simm.s32 $0x80;
	s18 =	simm.s32 $0x1A100;
	s19 =	simm.s32 $0x1  }
0x6: {  	s20 =	simm.s32 $0x0;
	s6 =	sand.u32 $0x1, s1;
	s1 =	stileid.u32  }
0x7: {  	[smem:$0x7FF] =	sst s3;
	s4 =	smul.u32 $0x138800, s6;
	s7 =	sshll.u32 s1, $0x1  }
0x8: {  	s8 =	smul.u32 $0x13800, s1;
	_ =	strace $0x8000004A;
	s9 =	ssub.s32 $0x2, s6  }
0x9: {  	p0 =	seq.s32 s6, $0x0;
	s31 =	smul.u32 $0x4E000, s1;
	s7 =	sor.u32 s6, s7  }
0xa: {  	s30 =	sshrl.u32 s9, $0x1;
	s7 =	smul.u32 $0x680, s7;
	s8 =	sadd.s32 s8, s4  }
0xb: {  	s4 =	sadd.s32 $0x1CE00, s5;
	s11 =	ssub.s32 s9, s30;
	s10 =	sshrl.u32 s31, $0x2  }
0xc: {  	s9 =	simm.s32 $0x28;
	s8 =	sshrl.u32 s8, $0x3;
	s10 =	sadd.s32 s10, s2  }
0xd: {  	s7 =	sadd.s32 s7, s5;
	s12 =	sadd.s32 s8, s5;
	s5 =	simm.s32 $0x68  }
0xe: {  	s11 =	smax.u32 s11, $0x1;
	s8 =	simm.s32 $0x29;
	s5 =	simm.s32 @!p0 $0x38  }
0xf: {  	s6 =	sadd.s32 $0xFE00, s7;
	s7 =	sadd.s32 $0x2E00, s7;
	p0 =	seq.s32 s1, $0xF  }
0x10: {  	v0 =	vimm.f32 $0.0e+00;
	s12 =	sadd.s32 $0x44000, s12;
	s8 =	simm.s32 @!p0 $0x27;
	s9 =	simm.s32 @!p0 $0x27  }
.LBB2_1:
0x11: {  	[tilespmem:s13], [sflag:$0x2] =	stream.linear.gather [hbm4b:s6+s3], $0x3400, $0x38;
	[tilespmem:$0x1E900] =	vst v63  }
0x12: {  	_ =	swait.ge [sflag:s14], $0x3400  }
0x13: {  	[sflag:s14] =	ssyncset.done $0x0  }
0x14: {  	[sflag:s14] =	ssyncadd.s32 $0xFFFFCC00  }
0x15: {  	[tilespmem:s15], [sflag:$0x2] =	stream.linear.gather [hbm4b:s7+s3], $0x3400, $0x38;
	[tilespmem:$0x1E900] =	vst v63  }
0x16: {  	s21 =	sand.u32 $0x1E00, s3;
	s22 =	sand.u32 $0x70, s3;
	_ =	swait.ge [sflag:s14], $0x3400  }
0x17: {  	s23 =	sshrl.u32 s21, $0x2;
	s21 =	simm.s32 $0x40;
	[sflag:s14] =	ssyncset.done $0x0  }
0x18: {  	s23 =	sor.u32 s22, s23;
	s22 =	simm.s32 $0x0;
	[sflag:s14] =	ssyncadd.s32 $0xFFFFCC00  }
.LBB2_2:
0x19: {  	p0 =	sne.s32 s21, $0x1FC0  }
0x1a: {  	[tilespmem:s23+$0x1E100] =	vst v0;
	s22 =	sadd.s32 $0x10, s22;
	s23 =	smov.u32 s21;
	s21 =	sadd.s32 $0x40, s21  }
.Ltmp0:
0x1b: {  	(pc) =	sbr.rel @p0 .LBB2_2-.Ltmp0, $4  }
0x1c: {  	_ = 	snop  }
0x1d: {  	s23 =	sand.u32 $0x1E00, s23  }
0x1e: {  	s24 =	sand.u32 $0x70, s22;
	s23 =	sshrl.u32 s23, $0x2  }
0x1f: {  	s23 =	sor.u32 s24, s23  }
0x20: {  	p0 =	sne.s32 s8, $0x1  }
.Ltmp1:
0x21: {  	_ = 	snop;
	(pc) =	sbr.rel @!p0 .LBB2_5-.Ltmp1, $4  }
0x22: {  	[tilespmem:s23+$0x1E100] =	vst v0  }
0x23: {  	[spmem:s10] =	stream.linear.scatter [tilespmem:s16], [sflag:$0x2], $0x800, $0x38;
	[tilespmem:$0x1E900] =	vst v63  }
0x24: {  	_ =	swait.ge [sflag:s14], $0x800  }
0x25: {  	s21 =	sadd.s32 $0xFFFFFFFF, s8;
	s22 =	smov.u32 s10;
	[sflag:s14] =	ssyncset.done $0x0  }
.LBB2_4:
0x26: {  	p0 =	sne.s32 s21, $0x1;
	[sflag:s14] =	ssyncadd.s32 $0xFFFFF800;
	s22 =	sadd.s32 $0x800, s22  }
.Ltmp2:
0x27: {  	s21 =	sadd.s32 $0xFFFFFFFF, s21;
	(pc) =	sbr.rel @p0 .LBB2_4-.Ltmp2, $4  }
0x28: {  	_ = 	snop  }
0x29: {  	[spmem:s22] =	stream.linear.scatter [tilespmem:s16], [sflag:$0x2], $0x800, $0x38;
	[tilespmem:$0x1E900] =	vst v63  }
0x2a: {  	_ =	swait.ge [sflag:s14], $0x800  }
0x2b: {  	[sflag:s14] =	ssyncset.done $0x0  }
.LBB2_5:
0x2c: {  	[sflag:s14] =	ssyncadd.s32 $0xFFFFF800  }
0x2d: {  	s21 =	simm.s32 $0x13900;
	[bflag:$0x0] =	sbarrier.arrive $0xFFFF  }
0x2e: {  	[tilespmem:s18], [sflag:$0x1] =	stream.indirect.gather [hbm4b:s4+s17], $0x80, s21, s17, $0xb8;
	[tilespmem:$0x1E900] =	vst v63  }
0x2f: {  	p0 =	sne.s32 s5, $0x1;
	_ =	swait.ge [sflag:s19], $0x4000  }
.Ltmp3:
0x30: {  	[sflag:s19] =	ssyncset.done $0x0;
	(pc) =	sbr.rel @!p0 .LBB2_7-.Ltmp3, $4  }
0x31: {  	s22 =	simm.s32 $0x16D00;
	[sflag:s19] =	ssyncadd.s32 $0xFFFFC000  }
0x32: {  	[spmem:s2] =	stream.indirect.scatter.add.f32 [tilespmem:s18], [sflag:$0x2], $0x80, s22, s17, $0xb8;
	[tilespmem:$0x1E900] =	vst v63  }
0x33: {  	_ =	swait.ge [sflag:s14], $0x4000  }
0x34: {  	s23 =	sadd.s32 $0xFFFFFFFF, s5;
	[sflag:s14] =	ssyncset.done $0x0  }
.LBB2_6:
0x35: {  	[sflag:s14] =	ssyncadd.s32 $0xFFFFC000;
	s21 =	sadd.s32 $0x80, s21;
	s22 =	sadd.s32 $0x80, s22  }
0x36: {  	[tilespmem:s18], [sflag:$0x1] =	stream.indirect.gather [hbm4b:s4+s17], $0x80, s21, s17, $0xb8;
	[tilespmem:$0x1E900] =	vst v63  }
0x37: {  	p0 =	sne.s32 s23, $0x1;
	s23 =	sadd.s32 $0xFFFFFFFF, s23;
	_ =	swait.ge [sflag:s19], $0x4000  }
.Ltmp4:
0x38: {  	[sflag:s19] =	ssyncset.done $0x0;
	(pc) =	sbr.rel @p0 .LBB2_6-.Ltmp4, $4  }
0x39: {  	[sflag:s19] =	ssyncadd.s32 $0xFFFFC000  }
0x3a: {  	[spmem:s2] =	stream.indirect.scatter.add.f32 [tilespmem:s18], [sflag:$0x2], $0x80, s22, s17, $0xb8;
	[tilespmem:$0x1E900] =	vst v63  }
0x3b: {  	_ =	swait.ge [sflag:s14], $0x4000  }
0x3c: {  	[sflag:s14] =	ssyncset.done $0x0  }
.LBB2_7:
0x3d: {  	[sflag:s14] =	ssyncadd.s32 $0xFFFFC000  }
0x3e: {  	[bflag:$0x0] =	sbarrier.arrive $0xFFFF  }
0x3f: {  	[tilespmem:s16], [sflag:$0x2] =	stream.linear.gather [spmem:s10], $0x800, $0x38;
	[tilespmem:$0x1E900] =	vst v63  }
0x40: {  	p0 =	sne.s32 s9, $0x1;
	_ =	swait.ge [sflag:s14], $0x800  }
.Ltmp5:
0x41: {  	[sflag:s14] =	ssyncset.done $0x0;
	(pc) =	sbr.rel @!p0 .LBB2_9-.Ltmp5, $4  }
0x42: {  	[sflag:s14] =	ssyncadd.s32 $0xFFFFF800  }
0x43: {  	[hbm4b:s12+s3] =	stream.linear.scatter [tilespmem:s16], [sflag:$0x2], $0x800, $0x38;
	[tilespmem:$0x1E900] =	vst v63  }
0x44: {  	s21 =	sadd.s32 $0xFFFFFFFF, s9;
	_ =	swait.ge [sflag:s14], $0x800  }
0x45: {  	s22 =	smov.u32 s12;
	s23 =	smov.u32 s10;
	[sflag:s14] =	ssyncset.done $0x0  }
.LBB2_8:
0x46: {  	[sflag:s14] =	ssyncadd.s32 $0xFFFFF800;
	s22 =	sadd.s32 $0x100, s22;
	s23 =	sadd.s32 $0x800, s23  }
0x47: {  	[tilespmem:s16], [sflag:$0x2] =	stream.linear.gather [spmem:s23], $0x800, $0x38;
	[tilespmem:$0x1E900] =	vst v63  }
0x48: {  	p0 =	sne.s32 s21, $0x1;
	s21 =	sadd.s32 $0xFFFFFFFF, s21;
	_ =	swait.ge [sflag:s14], $0x800  }
.Ltmp6:
0x49: {  	[sflag:s14] =	ssyncset.done $0x0;
	(pc) =	sbr.rel @p0 .LBB2_8-.Ltmp6, $4  }
0x4a: {  	[sflag:s14] =	ssyncadd.s32 $0xFFFFF800  }
0x4b: {  	[hbm4b:s22+s3] =	stream.linear.scatter [tilespmem:s16], [sflag:$0x2], $0x800, $0x38;
	[tilespmem:$0x1E900] =	vst v63  }
0x4c: {  	_ =	swait.ge [sflag:s14], $0x800  }
0x4d: {  	[sflag:s14] =	ssyncset.done $0x0  }
.LBB2_9:
0x4e: {  	s20 =	sadd.s32 $0x1, s20  }
0x4f: {  	p0 =	sne.s32 s20, s11  }
.Ltmp7:
0x50: {  	_ = 	snop;
	(pc) =	sbr.rel @p0 .LBB2_1-.Ltmp7, $2  }
0x51: {  	_ =	sdelay $0x2  }
0x52: {  	[sflag:s14] =	ssyncadd.s32 $0xFFFFF800  }
0x53: {  	_ =	sfence.sel $0x180000  }
0x54: {  	[bflag:$0x0] =	sbarrier.arrive $0xFFFF  }
0x55: {  	p0 =	sne.s32 s1, $0x0;
	_ =	strace $0x9000004A  }
0x56: {  	s0 =	sadd.s32 @!p0 $0x100000, s0;
	[bflag:$0x2] =	sbarrier.arrive $0xFFFF  }
0x57: {  	[sflag:s0] =	ssyncadd.tile.s32 @!p0 $0x1;
	_ =	shalt  }
.Lfunc_end2:
_tile_overlayer_lowered:
.L_overlay_start_2:
0x58: {  	(tag) =	ssettag $0x2  }
0x59: {  	s0 =	rddreg [dreg:$0x0];
	s2 =	stileid.u32  }
0x5a: {  	s1 =	rddreg [dreg:$0x1];
	p0 =	sne.s32 s2, $0x0  }
0x5b: {  	s3 =	rddreg [dreg:$0x2];
	[bflag:$0x3] =	sbarrier.arrive $0xFFFF;
	s2 =	simm.s32 @!p0 $0x1C02  }
0x5c: {  	[timem:s3], [sflag:s2] =	dma.local @!p0 [hbm:s0], s1  }
0x5d: {  	s0 =	simm.s32 @!p0 $0x2  }
0x5e: {  	_ =	swait.ge @!p0 [sflag:s0], s1  }
0x5f: {  	s1 =	ssub.s32 @!p0 $0x0, s1;
	[sflag:s0] =	ssyncset.done @!p0 $0x0  }
0x60: {  	[sflag:s0] =	ssyncadd.s32 @!p0 s1  }
0x61: {  	[bflag:$0x3] =	sbarrier.arrive $0xFFFF  }
0x62: {  	_ =	shalt  }

// kernel: kernel.18.cloned.1.call-start
scs
__scs_entry_jumppad:
0x0: {  	(pc) =	sbr.rel $0x88, $3  }
0x1: {  	(tag) =	ssettag $0x0;
	lr =	simm.s32 $0x1  }
0x2: {  	[smem:$0x3F9A] =	sst lr;
	_ =	strace $0xD0000000  }
0x3: {  	_ = 	snop  }
0x4: {  	_ = 	snop  }
0x5: {  	_ = 	snop  }
0x6: {  	_ = 	snop  }
0x7: {  	_ = 	snop  }
__scs_overlays_trampoline_lowered:
0x8: {  	[smem:$0x3FA9] =	sst s0  }
0x9: {  	[smem:$0x3FAA] =	sst s1  }
0xa: {  	[smem:$0x3FAB] =	sst s2  }
0xb: {  	[smem:$0x3FAC] =	sst s3  }
0xc: {  	[smem:$0x3FAD] =	sst s4  }
0xd: {  	[smem:$0x3FAE] =	sst s5  }
0xe: {  	[smem:$0x3FAF] =	sst s6  }
0xf: {  	[smem:$0x3FB0] =	sst s7  }
0x10: {  	[smem:$0x3FB1] =	sst s8  }
0x11: {  	[smem:$0x3FB2] =	sst s9;
	s0 =	simm.s32 @!p0 $0x0  }
0x12: {  	s1 =	sld [smem:$0x3F98];
	s0 =	simm.s32 @p0 $0x1  }
0x13: {  	[smem:$0x3FB3] =	sst s0;
	s0 =	simm.s32 @!p1 $0x0  }
0x14: {  	s2 =	sld [smem:$0x3F97];
	s0 =	simm.s32 @p1 $0x1  }
0x15: {  	[smem:$0x3FB4] =	sst s0;
	s0 =	simm.s32 @!p2 $0x0  }
0x16: {  	s3 =	sld [smem:$0x3FDB];
	s0 =	simm.s32 @p2 $0x1  }
0x17: {  	s4 =	simm.s32 $0x1BF5;
	[smem:$0x3FB6] =	sst s0  }
0x18: {  	s0 =	sld [smem:$0x3F99];
	_ =	swait.ge [sflag:s4], $0x0  }
0x19: {  	s7 =	sld [smem:$0x3F9A]  }
0x1a: {  	s8 =	sadd.s32 $0xFFFFE003, lr  }
0x1b: {  	s9 =	sadd.s32 $0xFFFFFEF7, lr;
	s5 =	simm.s32 $0xFFFFFFFF;
	p2 =	slt.u32 s8, $0xFFFFF086  }
0x1c: {  	p1 =	slt.u32 s9, $0xF7A;
	s5 =	simm.s32 @!p2 $0x0  }
0x1d: {  	s5 =	simm.s32 @p1 $0x1;
	p0 =	seq.s32 s7, s2  }
0x1e: {  	s7 =	smul.u32 @!p0 $0xF7A, s2;
	p2 =	seq.s32 @!p0 s5, $0x0  }
0x1f: {  	s9 =	smul.u32 $0xF7A, s1;
	s8 =	simm.s32 @!p0 $0x1BF5;
	p2 =	por !p2, p0  }
0x20: {  	[sflag:s8] =	ssyncset.s32 @!p0 $0xFFFFF086;
	s6 =	sadd.s32 @!p0 s3, s7;
	s7 =	simm.s32 @!p0 $0x108  }
0x21: {  	s3 =	sadd.s32 s3, s9;
	s6 =	sadd.s32 @!p0 $0x88, s6;
	s7 =	simm.s32 @p2 $0x1082  }
0x22: {  	[simem:s7], [sflag:s8] =	dma.local @!p0 [hbm:s6], $0xF7A  }
0x23: {  	s9 =	sor.u32 $0xD0000000, s2;
	s6 =	simm.s32 $0x108;
	_ =	swait.ge @!p0 [sflag:s8], $0x0  }
0x24: {  	s3 =	sadd.s32 $0x88, s3;
	s6 =	simm.s32 @!p1 $0x1082;
	[sflag:s4] =	ssyncset.s32 $0xFFFFF086  }
0x25: {  	[simem:s6], [sflag:s4] =	dma.local [hbm:s3], $0xF7A  }
0x26: {  	[smem:$0x3F9A] =	sst s1;
	(tag) =	ssettag s2;
	_ =	strace s9  }
0x27: {  	s1 =	sld [smem:$0x3FAA]  }
0x28: {  	s2 =	sld [smem:$0x3FAB]  }
0x29: {  	s4 =	sld [smem:$0x3FAD]  }
0x2a: {  	p0 =	seq.s32 s5, $0x0;
	s5 =	sld [smem:$0x3FAE]  }
0x2b: {  	s6 =	sld [smem:$0x3FAF]  }
0x2c: {  	s7 =	sld [smem:$0x3FB0]  }
0x2d: {  	s3 =	simm.s32 $0x108;
	s8 =	sld [smem:$0x3FB1]  }
0x2e: {  	s3 =	simm.s32 @!p0 $0x1082;
	s9 =	sld [smem:$0x3FB2]  }
0x2f: {  	lr =	sadd.s32 s0, s3;
	s0 =	sld [smem:$0x3FA9]  }
0x30: {  	s3 =	sld [smem:$0x3FAC]  }
0x31: {  	[smem:$0x3FB5] =	sst s10  }
0x32: {  	s10 =	sld [smem:$0x3FB3];
	_ =	sdelay $0x3  }
0x33: {  	p0 =	seq.s32 s10, $0x1;
	s10 =	sld [smem:$0x3FB5];
	_ =	sdelay $0x3  }
0x34: {  	[smem:$0x3FB5] =	sst s10  }
0x35: {  	s10 =	sld [smem:$0x3FB4];
	_ =	sdelay $0x3  }
0x36: {  	p1 =	seq.s32 s10, $0x1;
	s10 =	sld [smem:$0x3FB5];
	_ =	sdelay $0x3  }
0x37: {  	[smem:$0x3FB5] =	sst s10  }
0x38: {  	s10 =	sld [smem:$0x3FB6]  }
0x39: {  	_ = 	snop;
	(pc) =	sbr.ind lr, $3  }
0x3a: {  	_ = 	snop  }
0x3b: {  	_ = 	snop  }
0x3c: {  	p2 =	seq.s32 s10, $0x1;
	s10 =	sld [smem:$0x3FB5]  }
0x3d: {  	_ =	shalt  }
0x3e: {  	_ =	shalt  }
0x3f: {  	_ =	shalt  }
0x40: {  	_ =	shalt  }
0x41: {  	_ =	shalt  }
0x42: {  	_ =	shalt  }
0x43: {  	_ =	shalt  }
0x44: {  	_ =	shalt  }
0x45: {  	_ =	shalt  }
0x46: {  	_ =	shalt  }
0x47: {  	_ =	shalt  }
0x48: {  	_ =	shalt  }
0x49: {  	_ =	shalt  }
0x4a: {  	_ =	shalt  }
0x4b: {  	_ =	shalt  }
0x4c: {  	_ =	shalt  }
0x4d: {  	_ =	shalt  }
0x4e: {  	_ =	shalt  }
0x4f: {  	_ =	shalt  }
0x50: {  	_ =	shalt  }
0x51: {  	_ =	shalt  }
0x52: {  	_ =	shalt  }
0x53: {  	_ =	shalt  }
0x54: {  	_ =	shalt  }
0x55: {  	_ =	shalt  }
0x56: {  	_ =	shalt  }
0x57: {  	_ =	shalt  }
0x58: {  	_ =	shalt  }
0x59: {  	_ =	shalt  }
0x5a: {  	_ =	shalt  }
0x5b: {  	_ =	shalt  }
0x5c: {  	_ =	shalt  }
0x5d: {  	_ =	shalt  }
0x5e: {  	_ =	shalt  }
0x5f: {  	_ =	shalt  }
0x60: {  	_ =	shalt  }
0x61: {  	_ =	shalt  }
0x62: {  	_ =	shalt  }
0x63: {  	_ =	shalt  }
0x64: {  	_ =	shalt  }
0x65: {  	_ =	shalt  }
0x66: {  	_ =	shalt  }
0x67: {  	_ =	shalt  }
0x68: {  	_ =	shalt  }
0x69: {  	_ =	shalt  }
0x6a: {  	_ =	shalt  }
0x6b: {  	_ =	shalt  }
0x6c: {  	_ =	shalt  }
0x6d: {  	_ =	shalt  }
0x6e: {  	_ =	shalt  }
0x6f: {  	_ =	shalt  }
0x70: {  	_ =	shalt  }
0x71: {  	_ =	shalt  }
0x72: {  	_ =	shalt  }
0x73: {  	_ =	shalt  }
0x74: {  	_ =	shalt  }
0x75: {  	_ =	shalt  }
0x76: {  	_ =	shalt  }
0x77: {  	_ =	shalt  }
0x78: {  	_ =	shalt  }
0x79: {  	_ =	shalt  }
0x7a: {  	_ =	shalt  }
0x7b: {  	_ =	shalt  }
0x7c: {  	_ =	shalt  }
0x7d: {  	_ =	shalt  }
0x7e: {  	_ =	shalt  }
0x7f: {  	_ =	shalt  }
0x80: {  	_ =	shalt  }
0x81: {  	_ =	shalt  }
0x82: {  	_ =	shalt  }
0x83: {  	_ =	shalt  }
0x84: {  	_ =	shalt  }
0x85: {  	_ =	shalt  }
0x86: {  	_ =	shalt  }
0x87: {  	_ =	shalt  }
.Lfunc_end0:
.L_simem_size_0:
called_computation.2_lowered:
.L_overlay_start_0:
0x88: {  	s2 =	sld [smem:$0x3FD9]  }
0x89: {  	s3 =	sld [smem:$0x3FFE];
	_ =	sdelay $0x1  }
0x8a: {  	s1 =	srdreg.scid  }
0x8b: {  	s0 =	sand.u32 $0x1, s1  }
0x8c: {  	s16 =	sshll.u32 s0, $0xA;
	s2 =	sadd.s32 s3, s2  }
0x8d: {  	s2 =	sadd.s32 s2, s16  }
0x8e: {  	[smem:$0x3FC1] =	sst s2  }
0x8f: {  	_ = 	snop  }
0x90: {  	(tm) =	ssettm $0x1  }
0x91: {  	s17 =	sld [smem:$0x3FFB];
	_ =	sdelay $0x3  }
0x92: {  	_ =	strace s17  }
0x93: {  	s2 =	sld [smem:$0x3FFC];
	_ =	sdelay $0x3  }
0x94: {  	_ =	strace s2  }
0x95: {  	s2 =	sld [smem:$0x3FFD];
	_ =	sdelay $0x3  }
0x96: {  	_ =	strace s2  }
0x97: {  	_ =	strace $0x8FFFFFFF  }
0x98: {  	s18 =	sld [smem:$0x3FDB];
	_ =	sdelay $0x1  }
0x99: {  	s19 =	simm.s32 $_scs_section_size  }
0x9a: {  	s4 =	simm.s32 $_size__tile_overlayer_lowered;
	s5 =	simm.s32 $_tile_overlayer_lowered  }
0x9b: {  	s22 =	simm.s32 $0x1BFF;
	s21 =	sshll.u32 s5, $0x1;
	s2 =	sadd.s32 s19, s18  }
0x9c: {  	s6 =	simm.s32 $0x0;
	s20 =	sshll.u32 s4, $0x1;
	s4 =	sadd.s32 s21, s2  }
0x9d: {  	[timem:s6], [sflag:s22] =	dma.local [hbm:s4], s20  }
0x9e: {  	_ =	swait.ge [sflag:s22], s20  }
0x9f: {  	s3 =	ssub.s32 $0x0, s20;
	[sflag:s22] =	ssyncset.done $0x0  }
0xa0: {  	[sflag:s22] =	ssyncadd.s32 s3;
	_ =	sdelay $0x1  }
0xa1: {  	s23 =	simm.s32 $0x1B8B  }
0xa2: {  	_ =	swait.ge [sflag:s23], $0x1  }
0xa3: {  	[sflag:s23] =	ssyncset.done $0x0  }
0xa4: {  	s25 =	simm.s32 $0x1B8E;
	s24 =	sld [smem:$0x3FFE];
	[sflag:s23] =	ssyncadd.s32 $0xFFFFFFFF  }
0xa5: {  	s26 =	simm.s32 $execute0_lowered;
	[smem:$0x3FD2] =	sst s25  }
0xa6: {  	s4 =	sshll.u32 s26, $0x1;
	_ =	strace $0x8000004C;
	[dreg:$0x1] =	wrdreg $0xFFFFFFFF  }
0xa7: {  	s28 =	simm.s32 $_size_execute0_lowered;
	s2 =	sadd.s32 s2, s4;
	[dreg:$0x0] =	wrdreg $0x0  }
0xa8: {  	s4 =	sshll.u32 s28, $0x1;
	[dreg:$0x2] =	wrdreg s2  }
0xa9: {  	[dreg:$0x3] =	wrdreg s4  }
0xaa: {  	[dreg:$0x4] =	wrdreg $0xC0  }
0xab: {  	_ =	task [dreg:s6], $0x5FFFF  }
0xac: {  	[dreg:$0x1] =	wrdreg $0xFFFFFFFF  }
0xad: {  	[dreg:$0x0] =	wrdreg $0x60  }
0xae: {  	[dreg:$0x2] =	wrdreg s24  }
0xaf: {  	[dreg:$0x3] =	wrdreg $0x0  }
0xb0: {  	[dreg:$0x4] =	wrdreg $0x9  }
0xb1: {  	_ =	task.clear_ibuf [dreg:s6], $0x5FFFF;
	_ =	strace $0x9000004C  }
0xb2: {  	s29 =	simm.s32 $0x9;
	_ =	strace $0x8000004E  }
0xb3: {  	_ =	swait.ge [sflag:s29], $0x1  }
0xb4: {  	[sflag:s29] =	ssyncadd.s32 $0xFFFFFFFF  }
0xb5: {  	_ =	strace $0x9000004E  }
0xb6: {  	_ =	sfence  }
0xb7: {  	s30 =	sld [smem:$0x0];
	_ =	sdelay $0x2  }
0xb8: {  	s31 =	sshll.u32 s1, $0xD;
	s1 =	sshrl.u32 s1, $0x2  }
0xb9: {  	s3 =	sand.u32 $0x4000, s31;
	s1 =	sadd.s32 s1, s30  }
0xba: {  	s0 =	sor.u32 s3, s0;
	s1 =	sshll.u32 s1, $0x11  }
0xbb: {  	s0 =	sor.u32 s1, s0  }
0xbc: {  	s0 =	sadd.s32 $0x8F2B, s0  }
0xbd: {  	[sflag:s0] =	ssyncadd.remote.s32 $0x1  }
0xbe: {  	_ =	sfence.sel $0xFFFF  }
0xbf: {  	[dreg:$0x0] =	wrdreg $0xFFFFFFFF;
	(pc) =	sbr.abs _section_cstart, $3  }
0xc0: {  	[dreg:$0x1] =	wrdreg $0xFFFFFFFF  }
0xc1: {  	_ =	task.clear_ibuf [dreg:s6], $0x2FFFF;
	_ =	strace $0x9FFFFFFF  }
0xc2: {  	(tm) =	ssettm $0x7FFFFFFF  }
0xc3: {  	_ =	shalt  }
tec
execute0_lowered:
.L_overlay_start_1:
0x0: {  	(tag) =	ssettag $0x1  }
0x1: {  	s5 =	rddreg [dreg:$0x0]  }
0x2: {  	s2 =	rddreg [dreg:$0x1];
	s1 =	srdreg.scid  }
0x3: {  	s0 =	rddreg [dreg:$0x2];
	s3 =	simm.s32 $0x0;
	s13 =	simm.s32 $0x13900  }
0x4: {  	s14 =	simm.s32 $0x2;
	s15 =	simm.s32 $0x16D00;
	s16 =	simm.s32 $0x1E100  }
0x5: {  	s17 =	simm.s32 $0x80;
	s18 =	simm.s32 $0x1A100;
	s19 =	simm.s32 $0x1  }
0x6: {  	s20 =	simm.s32 $0x0;
	s6 =	sand.u32 $0x1, s1;
	s1 =	stileid.u32  }
0x7: {  	[smem:$0x7FF] =	sst s3;
	s4 =	smul.u32 $0x138800, s6;
	s7 =	sshll.u32 s1, $0x1  }
0x8: {  	s8 =	smul.u32 $0x13800, s1;
	_ =	strace $0x8000004D;
	s9 =	ssub.s32 $0x2, s6  }
0x9: {  	p0 =	seq.s32 s6, $0x0;
	s31 =	smul.u32 $0x4E000, s1;
	s7 =	sor.u32 s6, s7  }
0xa: {  	s30 =	sshrl.u32 s9, $0x1;
	s7 =	smul.u32 $0x680, s7;
	s8 =	sadd.s32 s8, s4  }
0xb: {  	s4 =	sadd.s32 $0x1CE00, s5;
	s11 =	ssub.s32 s9, s30;
	s10 =	sshrl.u32 s31, $0x2  }
0xc: {  	s9 =	simm.s32 $0x28;
	s8 =	sshrl.u32 s8, $0x3;
	s10 =	sadd.s32 s10, s2  }
0xd: {  	s7 =	sadd.s32 s7, s5;
	s12 =	sadd.s32 s8, s5;
	s5 =	simm.s32 $0x68  }
0xe: {  	s11 =	smax.u32 s11, $0x1;
	s8 =	simm.s32 $0x29;
	s5 =	simm.s32 @!p0 $0x38  }
0xf: {  	s6 =	sadd.s32 $0xFE00, s7;
	s7 =	sadd.s32 $0x2E00, s7;
	p0 =	seq.s32 s1, $0xF  }
0x10: {  	v0 =	vimm.f32 $0.0e+00;
	s12 =	sadd.s32 $0x44000, s12;
	s8 =	simm.s32 @!p0 $0x27;
	s9 =	simm.s32 @!p0 $0x27  }
.LBB2_1:
0x11: {  	[tilespmem:s13], [sflag:$0x2] =	stream.linear.gather [hbm4b:s6+s3], $0x3400, $0x38;
	[tilespmem:$0x1E900] =	vst v63  }
0x12: {  	_ =	swait.ge [sflag:s14], $0x3400  }
0x13: {  	[sflag:s14] =	ssyncset.done $0x0  }
0x14: {  	[sflag:s14] =	ssyncadd.s32 $0xFFFFCC00  }
0x15: {  	[tilespmem:s15], [sflag:$0x2] =	stream.linear.gather [hbm4b:s7+s3], $0x3400, $0x38;
	[tilespmem:$0x1E900] =	vst v63  }
0x16: {  	s21 =	sand.u32 $0x1E00, s3;
	s22 =	sand.u32 $0x70, s3;
	_ =	swait.ge [sflag:s14], $0x3400  }
0x17: {  	s23 =	sshrl.u32 s21, $0x2;
	s21 =	simm.s32 $0x40;
	[sflag:s14] =	ssyncset.done $0x0  }
0x18: {  	s23 =	sor.u32 s22, s23;
	s22 =	simm.s32 $0x0;
	[sflag:s14] =	ssyncadd.s32 $0xFFFFCC00  }
.LBB2_2:
0x19: {  	p0 =	sne.s32 s21, $0x1FC0  }
0x1a: {  	[tilespmem:s23+$0x1E100] =	vst v0;
	s22 =	sadd.s32 $0x10, s22;
	s23 =	smov.u32 s21;
	s21 =	sadd.s32 $0x40, s21  }
.Ltmp0:
0x1b: {  	(pc) =	sbr.rel @p0 .LBB2_2-.Ltmp0, $4  }
0x1c: {  	_ = 	snop  }
0x1d: {  	s23 =	sand.u32 $0x1E00, s23  }
0x1e: {  	s24 =	sand.u32 $0x70, s22;
	s23 =	sshrl.u32 s23, $0x2  }
0x1f: {  	s23 =	sor.u32 s24, s23  }
0x20: {  	p0 =	sne.s32 s8, $0x1  }
.Ltmp1:
0x21: {  	_ = 	snop;
	(pc) =	sbr.rel @!p0 .LBB2_5-.Ltmp1, $4  }
0x22: {  	[tilespmem:s23+$0x1E100] =	vst v0  }
0x23: {  	[spmem:s10] =	stream.linear.scatter [tilespmem:s16], [sflag:$0x2], $0x800, $0x38;
	[tilespmem:$0x1E900] =	vst v63  }
0x24: {  	_ =	swait.ge [sflag:s14], $0x800  }
0x25: {  	s21 =	sadd.s32 $0xFFFFFFFF, s8;
	s22 =	smov.u32 s10;
	[sflag:s14] =	ssyncset.done $0x0  }
.LBB2_4:
0x26: {  	p0 =	sne.s32 s21, $0x1;
	[sflag:s14] =	ssyncadd.s32 $0xFFFFF800;
	s22 =	sadd.s32 $0x800, s22  }
.Ltmp2:
0x27: {  	s21 =	sadd.s32 $0xFFFFFFFF, s21;
	(pc) =	sbr.rel @p0 .LBB2_4-.Ltmp2, $4  }
0x28: {  	_ = 	snop  }
0x29: {  	[spmem:s22] =	stream.linear.scatter [tilespmem:s16], [sflag:$0x2], $0x800, $0x38;
	[tilespmem:$0x1E900] =	vst v63  }
0x2a: {  	_ =	swait.ge [sflag:s14], $0x800  }
0x2b: {  	[sflag:s14] =	ssyncset.done $0x0  }
.LBB2_5:
0x2c: {  	[sflag:s14] =	ssyncadd.s32 $0xFFFFF800  }
0x2d: {  	s21 =	simm.s32 $0x13900;
	[bflag:$0x0] =	sbarrier.arrive $0xFFFF  }
0x2e: {  	[tilespmem:s18], [sflag:$0x1] =	stream.indirect.gather [hbm4b:s4+s17], $0x80, s21, s17, $0xb8;
	[tilespmem:$0x1E900] =	vst v63  }
0x2f: {  	p0 =	sne.s32 s5, $0x1;
	_ =	swait.ge [sflag:s19], $0x4000  }
.Ltmp3:
0x30: {  	[sflag:s19] =	ssyncset.done $0x0;
	(pc) =	sbr.rel @!p0 .LBB2_7-.Ltmp3, $4  }
0x31: {  	s22 =	simm.s32 $0x16D00;
	[sflag:s19] =	ssyncadd.s32 $0xFFFFC000  }
0x32: {  	[spmem:s2] =	stream.indirect.scatter.add.f32 [tilespmem:s18], [sflag:$0x2], $0x80, s22, s17, $0xb8;
	[tilespmem:$0x1E900] =	vst v63  }
0x33: {  	_ =	swait.ge [sflag:s14], $0x4000  }
0x34: {  	s23 =	sadd.s32 $0xFFFFFFFF, s5;
	[sflag:s14] =	ssyncset.done $0x0  }
.LBB2_6:
0x35: {  	[sflag:s14] =	ssyncadd.s32 $0xFFFFC000;
	s21 =	sadd.s32 $0x80, s21;
	s22 =	sadd.s32 $0x80, s22  }
0x36: {  	[tilespmem:s18], [sflag:$0x1] =	stream.indirect.gather [hbm4b:s4+s17], $0x80, s21, s17, $0xb8;
	[tilespmem:$0x1E900] =	vst v63  }
0x37: {  	p0 =	sne.s32 s23, $0x1;
	s23 =	sadd.s32 $0xFFFFFFFF, s23;
	_ =	swait.ge [sflag:s19], $0x4000  }
.Ltmp4:
0x38: {  	[sflag:s19] =	ssyncset.done $0x0;
	(pc) =	sbr.rel @p0 .LBB2_6-.Ltmp4, $4  }
0x39: {  	[sflag:s19] =	ssyncadd.s32 $0xFFFFC000  }
0x3a: {  	[spmem:s2] =	stream.indirect.scatter.add.f32 [tilespmem:s18], [sflag:$0x2], $0x80, s22, s17, $0xb8;
	[tilespmem:$0x1E900] =	vst v63  }
0x3b: {  	_ =	swait.ge [sflag:s14], $0x4000  }
0x3c: {  	[sflag:s14] =	ssyncset.done $0x0  }
.LBB2_7:
0x3d: {  	[sflag:s14] =	ssyncadd.s32 $0xFFFFC000  }
0x3e: {  	[bflag:$0x0] =	sbarrier.arrive $0xFFFF  }
0x3f: {  	[tilespmem:s16], [sflag:$0x2] =	stream.linear.gather [spmem:s10], $0x800, $0x38;
	[tilespmem:$0x1E900] =	vst v63  }
0x40: {  	p0 =	sne.s32 s9, $0x1;
	_ =	swait.ge [sflag:s14], $0x800  }
.Ltmp5:
0x41: {  	[sflag:s14] =	ssyncset.done $0x0;
	(pc) =	sbr.rel @!p0 .LBB2_9-.Ltmp5, $4  }
0x42: {  	[sflag:s14] =	ssyncadd.s32 $0xFFFFF800  }
0x43: {  	[hbm4b:s12+s3] =	stream.linear.scatter [tilespmem:s16], [sflag:$0x2], $0x800, $0x38;
	[tilespmem:$0x1E900] =	vst v63  }
0x44: {  	s21 =	sadd.s32 $0xFFFFFFFF, s9;
	_ =	swait.ge [sflag:s14], $0x800  }
0x45: {  	s22 =	smov.u32 s12;
	s23 =	smov.u32 s10;
	[sflag:s14] =	ssyncset.done $0x0  }
.LBB2_8:
0x46: {  	[sflag:s14] =	ssyncadd.s32 $0xFFFFF800;
	s22 =	sadd.s32 $0x100, s22;
	s23 =	sadd.s32 $0x800, s23  }
0x47: {  	[tilespmem:s16], [sflag:$0x2] =	stream.linear.gather [spmem:s23], $0x800, $0x38;
	[tilespmem:$0x1E900] =	vst v63  }
0x48: {  	p0 =	sne.s32 s21, $0x1;
	s21 =	sadd.s32 $0xFFFFFFFF, s21;
	_ =	swait.ge [sflag:s14], $0x800  }
.Ltmp6:
0x49: {  	[sflag:s14] =	ssyncset.done $0x0;
	(pc) =	sbr.rel @p0 .LBB2_8-.Ltmp6, $4  }
0x4a: {  	[sflag:s14] =	ssyncadd.s32 $0xFFFFF800  }
0x4b: {  	[hbm4b:s22+s3] =	stream.linear.scatter [tilespmem:s16], [sflag:$0x2], $0x800, $0x38;
	[tilespmem:$0x1E900] =	vst v63  }
0x4c: {  	_ =	swait.ge [sflag:s14], $0x800  }
0x4d: {  	[sflag:s14] =	ssyncset.done $0x0  }
.LBB2_9:
0x4e: {  	s20 =	sadd.s32 $0x1, s20  }
0x4f: {  	p0 =	sne.s32 s20, s11  }
.Ltmp7:
0x50: {  	_ = 	snop;
	(pc) =	sbr.rel @p0 .LBB2_1-.Ltmp7, $2  }
0x51: {  	_ =	sdelay $0x2  }
0x52: {  	[sflag:s14] =	ssyncadd.s32 $0xFFFFF800  }
0x53: {  	_ =	sfence.sel $0x180000  }
0x54: {  	[bflag:$0x0] =	sbarrier.arrive $0xFFFF  }
0x55: {  	p0 =	sne.s32 s1, $0x0;
	_ =	strace $0x9000004D  }
0x56: {  	s0 =	sadd.s32 @!p0 $0x100000, s0;
	[bflag:$0x2] =	sbarrier.arrive $0xFFFF  }
0x57: {  	[sflag:s0] =	ssyncadd.tile.s32 @!p0 $0x1;
	_ =	shalt  }
.Lfunc_end2:
_tile_overlayer_lowered:
.L_overlay_start_2:
0x58: {  	(tag) =	ssettag $0x2  }
0x59: {  	s0 =	rddreg [dreg:$0x0];
	s2 =	stileid.u32  }
0x5a: {  	s1 =	rddreg [dreg:$0x1];
	p0 =	sne.s32 s2, $0x0  }
0x5b: {  	s3 =	rddreg [dreg:$0x2];
	[bflag:$0x3] =	sbarrier.arrive $0xFFFF;
	s2 =	simm.s32 @!p0 $0x1C02  }
0x5c: {  	[timem:s3], [sflag:s2] =	dma.local @!p0 [hbm:s0], s1  }
0x5d: {  	s0 =	simm.s32 @!p0 $0x2  }
0x5e: {  	_ =	swait.ge @!p0 [sflag:s0], s1  }
0x5f: {  	s1 =	ssub.s32 @!p0 $0x0, s1;
	[sflag:s0] =	ssyncset.done @!p0 $0x0  }
0x60: {  	[sflag:s0] =	ssyncadd.s32 @!p0 s1  }
0x61: {  	[bflag:$0x3] =	sbarrier.arrive $0xFFFF  }
0x62: {  	_ =	shalt  }

// kernel: kernel.21.cloned.1.call-start
scs
__scs_entry_jumppad:
0x0: {  	(pc) =	sbr.rel $0x88, $3  }
0x1: {  	(tag) =	ssettag $0x0;
	lr =	simm.s32 $0x1  }
0x2: {  	[smem:$0x3F9A] =	sst lr;
	_ =	strace $0xD0000000  }
0x3: {  	_ = 	snop  }
0x4: {  	_ = 	snop  }
0x5: {  	_ = 	snop  }
0x6: {  	_ = 	snop  }
0x7: {  	_ = 	snop  }
__scs_overlays_trampoline_lowered:
0x8: {  	[smem:$0x3FA9] =	sst s0  }
0x9: {  	[smem:$0x3FAA] =	sst s1  }
0xa: {  	[smem:$0x3FAB] =	sst s2  }
0xb: {  	[smem:$0x3FAC] =	sst s3  }
0xc: {  	[smem:$0x3FAD] =	sst s4  }
0xd: {  	[smem:$0x3FAE] =	sst s5  }
0xe: {  	[smem:$0x3FAF] =	sst s6  }
0xf: {  	[smem:$0x3FB0] =	sst s7  }
0x10: {  	[smem:$0x3FB1] =	sst s8  }
0x11: {  	[smem:$0x3FB2] =	sst s9;
	s0 =	simm.s32 @!p0 $0x0  }
0x12: {  	s1 =	sld [smem:$0x3F98];
	s0 =	simm.s32 @p0 $0x1  }
0x13: {  	[smem:$0x3FB3] =	sst s0;
	s0 =	simm.s32 @!p1 $0x0  }
0x14: {  	s2 =	sld [smem:$0x3F97];
	s0 =	simm.s32 @p1 $0x1  }
0x15: {  	[smem:$0x3FB4] =	sst s0;
	s0 =	simm.s32 @!p2 $0x0  }
0x16: {  	s3 =	sld [smem:$0x3FDB];
	s0 =	simm.s32 @p2 $0x1  }
0x17: {  	s4 =	simm.s32 $0x1BF5;
	[smem:$0x3FB6] =	sst s0  }
0x18: {  	s0 =	sld [smem:$0x3F99];
	_ =	swait.ge [sflag:s4], $0x0  }
0x19: {  	s7 =	sld [smem:$0x3F9A]  }
0x1a: {  	s8 =	sadd.s32 $0xFFFFE003, lr  }
0x1b: {  	s9 =	sadd.s32 $0xFFFFFEF7, lr;
	s5 =	simm.s32 $0xFFFFFFFF;
	p2 =	slt.u32 s8, $0xFFFFF086  }
0x1c: {  	p1 =	slt.u32 s9, $0xF7A;
	s5 =	simm.s32 @!p2 $0x0  }
0x1d: {  	s5 =	simm.s32 @p1 $0x1;
	p0 =	seq.s32 s7, s2  }
0x1e: {  	s7 =	smul.u32 @!p0 $0xF7A, s2;
	p2 =	seq.s32 @!p0 s5, $0x0  }
0x1f: {  	s9 =	smul.u32 $0xF7A, s1;
	s8 =	simm.s32 @!p0 $0x1BF5;
	p2 =	por !p2, p0  }
0x20: {  	[sflag:s8] =	ssyncset.s32 @!p0 $0xFFFFF086;
	s6 =	sadd.s32 @!p0 s3, s7;
	s7 =	simm.s32 @!p0 $0x108  }
0x21: {  	s3 =	sadd.s32 s3, s9;
	s6 =	sadd.s32 @!p0 $0x88, s6;
	s7 =	simm.s32 @p2 $0x1082  }
0x22: {  	[simem:s7], [sflag:s8] =	dma.local @!p0 [hbm:s6], $0xF7A  }
0x23: {  	s9 =	sor.u32 $0xD0000000, s2;
	s6 =	simm.s32 $0x108;
	_ =	swait.ge @!p0 [sflag:s8], $0x0  }
0x24: {  	s3 =	sadd.s32 $0x88, s3;
	s6 =	simm.s32 @!p1 $0x1082;
	[sflag:s4] =	ssyncset.s32 $0xFFFFF086  }
0x25: {  	[simem:s6], [sflag:s4] =	dma.local [hbm:s3], $0xF7A  }
0x26: {  	[smem:$0x3F9A] =	sst s1;
	(tag) =	ssettag s2;
	_ =	strace s9  }
0x27: {  	s1 =	sld [smem:$0x3FAA]  }
0x28: {  	s2 =	sld [smem:$0x3FAB]  }
0x29: {  	s4 =	sld [smem:$0x3FAD]  }
0x2a: {  	p0 =	seq.s32 s5, $0x0;
	s5 =	sld [smem:$0x3FAE]  }
0x2b: {  	s6 =	sld [smem:$0x3FAF]  }
0x2c: {  	s7 =	sld [smem:$0x3FB0]  }
0x2d: {  	s3 =	simm.s32 $0x108;
	s8 =	sld [smem:$0x3FB1]  }
0x2e: {  	s3 =	simm.s32 @!p0 $0x1082;
	s9 =	sld [smem:$0x3FB2]  }
0x2f: {  	lr =	sadd.s32 s0, s3;
	s0 =	sld [smem:$0x3FA9]  }
0x30: {  	s3 =	sld [smem:$0x3FAC]  }
0x31: {  	[smem:$0x3FB5] =	sst s10  }
0x32: {  	s10 =	sld [smem:$0x3FB3];
	_ =	sdelay $0x3  }
0x33: {  	p0 =	seq.s32 s10, $0x1;
	s10 =	sld [smem:$0x3FB5];
	_ =	sdelay $0x3  }
0x34: {  	[smem:$0x3FB5] =	sst s10  }
0x35: {  	s10 =	sld [smem:$0x3FB4];
	_ =	sdelay $0x3  }
0x36: {  	p1 =	seq.s32 s10, $0x1;
	s10 =	sld [smem:$0x3FB5];
	_ =	sdelay $0x3  }
0x37: {  	[smem:$0x3FB5] =	sst s10  }
0x38: {  	s10 =	sld [smem:$0x3FB6]  }
0x39: {  	_ = 	snop;
	(pc) =	sbr.ind lr, $3  }
0x3a: {  	_ = 	snop  }
0x3b: {  	_ = 	snop  }
0x3c: {  	p2 =	seq.s32 s10, $0x1;
	s10 =	sld [smem:$0x3FB5]  }
0x3d: {  	_ =	shalt  }
0x3e: {  	_ =	shalt  }
0x3f: {  	_ =	shalt  }
0x40: {  	_ =	shalt  }
0x41: {  	_ =	shalt  }
0x42: {  	_ =	shalt  }
0x43: {  	_ =	shalt  }
0x44: {  	_ =	shalt  }
0x45: {  	_ =	shalt  }
0x46: {  	_ =	shalt  }
0x47: {  	_ =	shalt  }
0x48: {  	_ =	shalt  }
0x49: {  	_ =	shalt  }
0x4a: {  	_ =	shalt  }
0x4b: {  	_ =	shalt  }
0x4c: {  	_ =	shalt  }
0x4d: {  	_ =	shalt  }
0x4e: {  	_ =	shalt  }
0x4f: {  	_ =	shalt  }
0x50: {  	_ =	shalt  }
0x51: {  	_ =	shalt  }
0x52: {  	_ =	shalt  }
0x53: {  	_ =	shalt  }
0x54: {  	_ =	shalt  }
0x55: {  	_ =	shalt  }
0x56: {  	_ =	shalt  }
0x57: {  	_ =	shalt  }
0x58: {  	_ =	shalt  }
0x59: {  	_ =	shalt  }
0x5a: {  	_ =	shalt  }
0x5b: {  	_ =	shalt  }
0x5c: {  	_ =	shalt  }
0x5d: {  	_ =	shalt  }
0x5e: {  	_ =	shalt  }
0x5f: {  	_ =	shalt  }
0x60: {  	_ =	shalt  }
0x61: {  	_ =	shalt  }
0x62: {  	_ =	shalt  }
0x63: {  	_ =	shalt  }
0x64: {  	_ =	shalt  }
0x65: {  	_ =	shalt  }
0x66: {  	_ =	shalt  }
0x67: {  	_ =	shalt  }
0x68: {  	_ =	shalt  }
0x69: {  	_ =	shalt  }
0x6a: {  	_ =	shalt  }
0x6b: {  	_ =	shalt  }
0x6c: {  	_ =	shalt  }
0x6d: {  	_ =	shalt  }
0x6e: {  	_ =	shalt  }
0x6f: {  	_ =	shalt  }
0x70: {  	_ =	shalt  }
0x71: {  	_ =	shalt  }
0x72: {  	_ =	shalt  }
0x73: {  	_ =	shalt  }
0x74: {  	_ =	shalt  }
0x75: {  	_ =	shalt  }
0x76: {  	_ =	shalt  }
0x77: {  	_ =	shalt  }
0x78: {  	_ =	shalt  }
0x79: {  	_ =	shalt  }
0x7a: {  	_ =	shalt  }
0x7b: {  	_ =	shalt  }
0x7c: {  	_ =	shalt  }
0x7d: {  	_ =	shalt  }
0x7e: {  	_ =	shalt  }
0x7f: {  	_ =	shalt  }
0x80: {  	_ =	shalt  }
0x81: {  	_ =	shalt  }
0x82: {  	_ =	shalt  }
0x83: {  	_ =	shalt  }
0x84: {  	_ =	shalt  }
0x85: {  	_ =	shalt  }
0x86: {  	_ =	shalt  }
0x87: {  	_ =	shalt  }
.Lfunc_end0:
.L_simem_size_0:
called_computation.3_lowered:
.L_overlay_start_0:
0x88: {  	s2 =	sld [smem:$0x3FD9]  }
0x89: {  	s3 =	sld [smem:$0x3FFE];
	_ =	sdelay $0x1  }
0x8a: {  	s1 =	srdreg.scid  }
0x8b: {  	s0 =	sand.u32 $0x1, s1  }
0x8c: {  	s16 =	sshll.u32 s0, $0xA;
	s2 =	sadd.s32 s3, s2  }
0x8d: {  	s2 =	sadd.s32 s2, s16  }
0x8e: {  	[smem:$0x3FC1] =	sst s2  }
0x8f: {  	_ = 	snop  }
0x90: {  	(tm) =	ssettm $0x1  }
0x91: {  	s17 =	sld [smem:$0x3FFB];
	_ =	sdelay $0x3  }
0x92: {  	_ =	strace s17  }
0x93: {  	s2 =	sld [smem:$0x3FFC];
	_ =	sdelay $0x3  }
0x94: {  	_ =	strace s2  }
0x95: {  	s2 =	sld [smem:$0x3FFD];
	_ =	sdelay $0x3  }
0x96: {  	_ =	strace s2  }
0x97: {  	_ =	strace $0x8FFFFFFF  }
0x98: {  	s18 =	sld [smem:$0x3FDB];
	_ =	sdelay $0x1  }
0x99: {  	s19 =	simm.s32 $_scs_section_size  }
0x9a: {  	s4 =	simm.s32 $_size__tile_overlayer_lowered;
	s5 =	simm.s32 $_tile_overlayer_lowered  }
0x9b: {  	s22 =	simm.s32 $0x1BFF;
	s21 =	sshll.u32 s5, $0x1;
	s2 =	sadd.s32 s19, s18  }
0x9c: {  	s6 =	simm.s32 $0x0;
	s20 =	sshll.u32 s4, $0x1;
	s4 =	sadd.s32 s21, s2  }
0x9d: {  	[timem:s6], [sflag:s22] =	dma.local [hbm:s4], s20  }
0x9e: {  	_ =	swait.ge [sflag:s22], s20  }
0x9f: {  	s3 =	ssub.s32 $0x0, s20;
	[sflag:s22] =	ssyncset.done $0x0  }
0xa0: {  	[sflag:s22] =	ssyncadd.s32 s3;
	_ =	sdelay $0x1  }
0xa1: {  	s23 =	simm.s32 $0x1B8B  }
0xa2: {  	_ =	swait.ge [sflag:s23], $0x1  }
0xa3: {  	[sflag:s23] =	ssyncset.done $0x0  }
0xa4: {  	s25 =	simm.s32 $0x1B8E;
	s24 =	sld [smem:$0x3FFE];
	[sflag:s23] =	ssyncadd.s32 $0xFFFFFFFF  }
0xa5: {  	s26 =	simm.s32 $execute0_lowered;
	[smem:$0x3FD2] =	sst s25  }
0xa6: {  	s4 =	sshll.u32 s26, $0x1;
	_ =	strace $0x8000004F;
	[dreg:$0x1] =	wrdreg $0xFFFFFFFF  }
0xa7: {  	s28 =	simm.s32 $_size_execute0_lowered;
	s2 =	sadd.s32 s2, s4;
	[dreg:$0x0] =	wrdreg $0x0  }
0xa8: {  	s4 =	sshll.u32 s28, $0x1;
	[dreg:$0x2] =	wrdreg s2  }
0xa9: {  	[dreg:$0x3] =	wrdreg s4  }
0xaa: {  	[dreg:$0x4] =	wrdreg $0xC0  }
0xab: {  	_ =	task [dreg:s6], $0x5FFFF  }
0xac: {  	[dreg:$0x1] =	wrdreg $0xFFFFFFFF  }
0xad: {  	[dreg:$0x0] =	wrdreg $0x60  }
0xae: {  	[dreg:$0x2] =	wrdreg s24  }
0xaf: {  	[dreg:$0x3] =	wrdreg $0x0  }
0xb0: {  	[dreg:$0x4] =	wrdreg $0x9  }
0xb1: {  	_ =	task.clear_ibuf [dreg:s6], $0x5FFFF;
	_ =	strace $0x9000004F  }
0xb2: {  	s29 =	simm.s32 $0x9;
	_ =	strace $0x80000051  }
0xb3: {  	_ =	swait.ge [sflag:s29], $0x1  }
0xb4: {  	[sflag:s29] =	ssyncadd.s32 $0xFFFFFFFF  }
0xb5: {  	_ =	strace $0x90000051  }
0xb6: {  	_ =	sfence  }
0xb7: {  	s30 =	sld [smem:$0x0];
	_ =	sdelay $0x2  }
0xb8: {  	s31 =	sshll.u32 s1, $0xD;
	s1 =	sshrl.u32 s1, $0x2  }
0xb9: {  	s3 =	sand.u32 $0x4000, s31;
	s1 =	sadd.s32 s1, s30  }
0xba: {  	s0 =	sor.u32 s3, s0;
	s1 =	sshll.u32 s1, $0x11  }
0xbb: {  	s0 =	sor.u32 s1, s0  }
0xbc: {  	s0 =	sadd.s32 $0x8F2B, s0  }
0xbd: {  	[sflag:s0] =	ssyncadd.remote.s32 $0x1  }
0xbe: {  	_ =	sfence.sel $0xFFFF  }
0xbf: {  	[dreg:$0x0] =	wrdreg $0xFFFFFFFF;
	(pc) =	sbr.abs _section_cstart, $3  }
0xc0: {  	[dreg:$0x1] =	wrdreg $0xFFFFFFFF  }
0xc1: {  	_ =	task.clear_ibuf [dreg:s6], $0x2FFFF;
	_ =	strace $0x9FFFFFFF  }
0xc2: {  	(tm) =	ssettm $0x7FFFFFFF  }
0xc3: {  	_ =	shalt  }
tec
execute0_lowered:
.L_overlay_start_1:
0x0: {  	(tag) =	ssettag $0x1  }
0x1: {  	s5 =	rddreg [dreg:$0x0]  }
0x2: {  	s2 =	rddreg [dreg:$0x1];
	s1 =	srdreg.scid  }
0x3: {  	s0 =	rddreg [dreg:$0x2];
	s3 =	simm.s32 $0x0;
	s13 =	simm.s32 $0x13900  }
0x4: {  	s14 =	simm.s32 $0x2;
	s15 =	simm.s32 $0x16D00;
	s16 =	simm.s32 $0x1E100  }
0x5: {  	s17 =	simm.s32 $0x80;
	s18 =	simm.s32 $0x1A100;
	s19 =	simm.s32 $0x1  }
0x6: {  	s20 =	simm.s32 $0x0;
	s6 =	sand.u32 $0x1, s1;
	s1 =	stileid.u32  }
0x7: {  	[smem:$0x7FF] =	sst s3;
	s4 =	smul.u32 $0x138800, s6;
	s7 =	sshll.u32 s1, $0x1  }
0x8: {  	s8 =	smul.u32 $0x13800, s1;
	_ =	strace $0x80000050;
	s9 =	ssub.s32 $0x2, s6  }
0x9: {  	p0 =	seq.s32 s6, $0x0;
	s31 =	smul.u32 $0x4E000, s1;
	s7 =	sor.u32 s6, s7  }
0xa: {  	s30 =	sshrl.u32 s9, $0x1;
	s7 =	smul.u32 $0x680, s7;
	s8 =	sadd.s32 s8, s4  }
0xb: {  	s4 =	sadd.s32 $0x1CE00, s5;
	s11 =	ssub.s32 s9, s30;
	s10 =	sshrl.u32 s31, $0x2  }
0xc: {  	s9 =	simm.s32 $0x28;
	s8 =	sshrl.u32 s8, $0x3;
	s10 =	sadd.s32 s10, s2  }
0xd: {  	s7 =	sadd.s32 s7, s5;
	s12 =	sadd.s32 s8, s5;
	s5 =	simm.s32 $0x68  }
0xe: {  	s11 =	smax.u32 s11, $0x1;
	s8 =	simm.s32 $0x29;
	s5 =	simm.s32 @!p0 $0x38  }
0xf: {  	s6 =	sadd.s32 $0xFE00, s7;
	s7 =	sadd.s32 $0x2E00, s7;
	p0 =	seq.s32 s1, $0xF  }
0x10: {  	v0 =	vimm.f32 $0.0e+00;
	s12 =	sadd.s32 $0x44000, s12;
	s8 =	simm.s32 @!p0 $0x27;
	s9 =	simm.s32 @!p0 $0x27  }
.LBB2_1:
0x11: {  	[tilespmem:s13], [sflag:$0x2] =	stream.linear.gather [hbm4b:s6+s3], $0x3400, $0x38;
	[tilespmem:$0x1E900] =	vst v63  }
0x12: {  	_ =	swait.ge [sflag:s14], $0x3400  }
0x13: {  	[sflag:s14] =	ssyncset.done $0x0  }
0x14: {  	[sflag:s14] =	ssyncadd.s32 $0xFFFFCC00  }
0x15: {  	[tilespmem:s15], [sflag:$0x2] =	stream.linear.gather [hbm4b:s7+s3], $0x3400, $0x38;
	[tilespmem:$0x1E900] =	vst v63  }
0x16: {  	s21 =	sand.u32 $0x1E00, s3;
	s22 =	sand.u32 $0x70, s3;
	_ =	swait.ge [sflag:s14], $0x3400  }
0x17: {  	s23 =	sshrl.u32 s21, $0x2;
	s21 =	simm.s32 $0x40;
	[sflag:s14] =	ssyncset.done $0x0  }
0x18: {  	s23 =	sor.u32 s22, s23;
	s22 =	simm.s32 $0x0;
	[sflag:s14] =	ssyncadd.s32 $0xFFFFCC00  }
.LBB2_2:
0x19: {  	p0 =	sne.s32 s21, $0x1FC0  }
0x1a: {  	[tilespmem:s23+$0x1E100] =	vst v0;
	s22 =	sadd.s32 $0x10, s22;
	s23 =	smov.u32 s21;
	s21 =	sadd.s32 $0x40, s21  }
.Ltmp0:
0x1b: {  	(pc) =	sbr.rel @p0 .LBB2_2-.Ltmp0, $4  }
0x1c: {  	_ = 	snop  }
0x1d: {  	s23 =	sand.u32 $0x1E00, s23  }
0x1e: {  	s24 =	sand.u32 $0x70, s22;
	s23 =	sshrl.u32 s23, $0x2  }
0x1f: {  	s23 =	sor.u32 s24, s23  }
0x20: {  	p0 =	sne.s32 s8, $0x1  }
.Ltmp1:
0x21: {  	_ = 	snop;
	(pc) =	sbr.rel @!p0 .LBB2_5-.Ltmp1, $4  }
0x22: {  	[tilespmem:s23+$0x1E100] =	vst v0  }
0x23: {  	[spmem:s10] =	stream.linear.scatter [tilespmem:s16], [sflag:$0x2], $0x800, $0x38;
	[tilespmem:$0x1E900] =	vst v63  }
0x24: {  	_ =	swait.ge [sflag:s14], $0x800  }
0x25: {  	s21 =	sadd.s32 $0xFFFFFFFF, s8;
	s22 =	smov.u32 s10;
	[sflag:s14] =	ssyncset.done $0x0  }
.LBB2_4:
0x26: {  	p0 =	sne.s32 s21, $0x1;
	[sflag:s14] =	ssyncadd.s32 $0xFFFFF800;
	s22 =	sadd.s32 $0x800, s22  }
.Ltmp2:
0x27: {  	s21 =	sadd.s32 $0xFFFFFFFF, s21;
	(pc) =	sbr.rel @p0 .LBB2_4-.Ltmp2, $4  }
0x28: {  	_ = 	snop  }
0x29: {  	[spmem:s22] =	stream.linear.scatter [tilespmem:s16], [sflag:$0x2], $0x800, $0x38;
	[tilespmem:$0x1E900] =	vst v63  }
0x2a: {  	_ =	swait.ge [sflag:s14], $0x800  }
0x2b: {  	[sflag:s14] =	ssyncset.done $0x0  }
.LBB2_5:
0x2c: {  	[sflag:s14] =	ssyncadd.s32 $0xFFFFF800  }
0x2d: {  	s21 =	simm.s32 $0x13900;
	[bflag:$0x0] =	sbarrier.arrive $0xFFFF  }
0x2e: {  	[tilespmem:s18], [sflag:$0x1] =	stream.indirect.gather [hbm4b:s4+s17], $0x80, s21, s17, $0xb8;
	[tilespmem:$0x1E900] =	vst v63  }
0x2f: {  	p0 =	sne.s32 s5, $0x1;
	_ =	swait.ge [sflag:s19], $0x4000  }
.Ltmp3:
0x30: {  	[sflag:s19] =	ssyncset.done $0x0;
	(pc) =	sbr.rel @!p0 .LBB2_7-.Ltmp3, $4  }
0x31: {  	s22 =	simm.s32 $0x16D00;
	[sflag:s19] =	ssyncadd.s32 $0xFFFFC000  }
0x32: {  	[spmem:s2] =	stream.indirect.scatter.add.f32 [tilespmem:s18], [sflag:$0x2], $0x80, s22, s17, $0xb8;
	[tilespmem:$0x1E900] =	vst v63  }
0x33: {  	_ =	swait.ge [sflag:s14], $0x4000  }
0x34: {  	s23 =	sadd.s32 $0xFFFFFFFF, s5;
	[sflag:s14] =	ssyncset.done $0x0  }
.LBB2_6:
0x35: {  	[sflag:s14] =	ssyncadd.s32 $0xFFFFC000;
	s21 =	sadd.s32 $0x80, s21;
	s22 =	sadd.s32 $0x80, s22  }
0x36: {  	[tilespmem:s18], [sflag:$0x1] =	stream.indirect.gather [hbm4b:s4+s17], $0x80, s21, s17, $0xb8;
	[tilespmem:$0x1E900] =	vst v63  }
0x37: {  	p0 =	sne.s32 s23, $0x1;
	s23 =	sadd.s32 $0xFFFFFFFF, s23;
	_ =	swait.ge [sflag:s19], $0x4000  }
.Ltmp4:
0x38: {  	[sflag:s19] =	ssyncset.done $0x0;
	(pc) =	sbr.rel @p0 .LBB2_6-.Ltmp4, $4  }
0x39: {  	[sflag:s19] =	ssyncadd.s32 $0xFFFFC000  }
0x3a: {  	[spmem:s2] =	stream.indirect.scatter.add.f32 [tilespmem:s18], [sflag:$0x2], $0x80, s22, s17, $0xb8;
	[tilespmem:$0x1E900] =	vst v63  }
0x3b: {  	_ =	swait.ge [sflag:s14], $0x4000  }
0x3c: {  	[sflag:s14] =	ssyncset.done $0x0  }
.LBB2_7:
0x3d: {  	[sflag:s14] =	ssyncadd.s32 $0xFFFFC000  }
0x3e: {  	[bflag:$0x0] =	sbarrier.arrive $0xFFFF  }
0x3f: {  	[tilespmem:s16], [sflag:$0x2] =	stream.linear.gather [spmem:s10], $0x800, $0x38;
	[tilespmem:$0x1E900] =	vst v63  }
0x40: {  	p0 =	sne.s32 s9, $0x1;
	_ =	swait.ge [sflag:s14], $0x800  }
.Ltmp5:
0x41: {  	[sflag:s14] =	ssyncset.done $0x0;
	(pc) =	sbr.rel @!p0 .LBB2_9-.Ltmp5, $4  }
0x42: {  	[sflag:s14] =	ssyncadd.s32 $0xFFFFF800  }
0x43: {  	[hbm4b:s12+s3] =	stream.linear.scatter [tilespmem:s16], [sflag:$0x2], $0x800, $0x38;
	[tilespmem:$0x1E900] =	vst v63  }
0x44: {  	s21 =	sadd.s32 $0xFFFFFFFF, s9;
	_ =	swait.ge [sflag:s14], $0x800  }
0x45: {  	s22 =	smov.u32 s12;
	s23 =	smov.u32 s10;
	[sflag:s14] =	ssyncset.done $0x0  }
.LBB2_8:
0x46: {  	[sflag:s14] =	ssyncadd.s32 $0xFFFFF800;
	s22 =	sadd.s32 $0x100, s22;
	s23 =	sadd.s32 $0x800, s23  }
0x47: {  	[tilespmem:s16], [sflag:$0x2] =	stream.linear.gather [spmem:s23], $0x800, $0x38;
	[tilespmem:$0x1E900] =	vst v63  }
0x48: {  	p0 =	sne.s32 s21, $0x1;
	s21 =	sadd.s32 $0xFFFFFFFF, s21;
	_ =	swait.ge [sflag:s14], $0x800  }
.Ltmp6:
0x49: {  	[sflag:s14] =	ssyncset.done $0x0;
	(pc) =	sbr.rel @p0 .LBB2_8-.Ltmp6, $4  }
0x4a: {  	[sflag:s14] =	ssyncadd.s32 $0xFFFFF800  }
0x4b: {  	[hbm4b:s22+s3] =	stream.linear.scatter [tilespmem:s16], [sflag:$0x2], $0x800, $0x38;
	[tilespmem:$0x1E900] =	vst v63  }
0x4c: {  	_ =	swait.ge [sflag:s14], $0x800  }
0x4d: {  	[sflag:s14] =	ssyncset.done $0x0  }
.LBB2_9:
0x4e: {  	s20 =	sadd.s32 $0x1, s20  }
0x4f: {  	p0 =	sne.s32 s20, s11  }
.Ltmp7:
0x50: {  	_ = 	snop;
	(pc) =	sbr.rel @p0 .LBB2_1-.Ltmp7, $2  }
0x51: {  	_ =	sdelay $0x2  }
0x52: {  	[sflag:s14] =	ssyncadd.s32 $0xFFFFF800  }
0x53: {  	_ =	sfence.sel $0x180000  }
0x54: {  	[bflag:$0x0] =	sbarrier.arrive $0xFFFF  }
0x55: {  	p0 =	sne.s32 s1, $0x0;
	_ =	strace $0x90000050  }
0x56: {  	s0 =	sadd.s32 @!p0 $0x100000, s0;
	[bflag:$0x2] =	sbarrier.arrive $0xFFFF  }
0x57: {  	[sflag:s0] =	ssyncadd.tile.s32 @!p0 $0x1;
	_ =	shalt  }
.Lfunc_end2:
_tile_overlayer_lowered:
.L_overlay_start_2:
0x58: {  	(tag) =	ssettag $0x2  }
0x59: {  	s0 =	rddreg [dreg:$0x0];
	s2 =	stileid.u32  }
0x5a: {  	s1 =	rddreg [dreg:$0x1];
	p0 =	sne.s32 s2, $0x0  }
0x5b: {  	s3 =	rddreg [dreg:$0x2];
	[bflag:$0x3] =	sbarrier.arrive $0xFFFF;
	s2 =	simm.s32 @!p0 $0x1C02  }
0x5c: {  	[timem:s3], [sflag:s2] =	dma.local @!p0 [hbm:s0], s1  }
0x5d: {  	s0 =	simm.s32 @!p0 $0x2  }
0x5e: {  	_ =	swait.ge @!p0 [sflag:s0], s1  }
0x5f: {  	s1 =	ssub.s32 @!p0 $0x0, s1;
	[sflag:s0] =	ssyncset.done @!p0 $0x0  }
0x60: {  	[sflag:s0] =	ssyncadd.s32 @!p0 s1  }
0x61: {  	[bflag:$0x3] =	sbarrier.arrive $0xFFFF  }
0x62: {  	_ =	shalt  }

// kernel: kernel.24.cloned.1.call-start
scs
__scs_entry_jumppad:
0x0: {  	(pc) =	sbr.rel $0x88, $3  }
0x1: {  	(tag) =	ssettag $0x0;
	lr =	simm.s32 $0x1  }
0x2: {  	[smem:$0x3F9A] =	sst lr;
	_ =	strace $0xD0000000  }
0x3: {  	_ = 	snop  }
0x4: {  	_ = 	snop  }
0x5: {  	_ = 	snop  }
0x6: {  	_ = 	snop  }
0x7: {  	_ = 	snop  }
__scs_overlays_trampoline_lowered:
0x8: {  	[smem:$0x3FA9] =	sst s0  }
0x9: {  	[smem:$0x3FAA] =	sst s1  }
0xa: {  	[smem:$0x3FAB] =	sst s2  }
0xb: {  	[smem:$0x3FAC] =	sst s3  }
0xc: {  	[smem:$0x3FAD] =	sst s4  }
0xd: {  	[smem:$0x3FAE] =	sst s5  }
0xe: {  	[smem:$0x3FAF] =	sst s6  }
0xf: {  	[smem:$0x3FB0] =	sst s7  }
0x10: {  	[smem:$0x3FB1] =	sst s8  }
0x11: {  	[smem:$0x3FB2] =	sst s9;
	s0 =	simm.s32 @!p0 $0x0  }
0x12: {  	s1 =	sld [smem:$0x3F98];
	s0 =	simm.s32 @p0 $0x1  }
0x13: {  	[smem:$0x3FB3] =	sst s0;
	s0 =	simm.s32 @!p1 $0x0  }
0x14: {  	s2 =	sld [smem:$0x3F97];
	s0 =	simm.s32 @p1 $0x1  }
0x15: {  	[smem:$0x3FB4] =	sst s0;
	s0 =	simm.s32 @!p2 $0x0  }
0x16: {  	s3 =	sld [smem:$0x3FDB];
	s0 =	simm.s32 @p2 $0x1  }
0x17: {  	s4 =	simm.s32 $0x1BF5;
	[smem:$0x3FB6] =	sst s0  }
0x18: {  	s0 =	sld [smem:$0x3F99];
	_ =	swait.ge [sflag:s4], $0x0  }
0x19: {  	s7 =	sld [smem:$0x3F9A]  }
0x1a: {  	s8 =	sadd.s32 $0xFFFFE003, lr  }
0x1b: {  	s9 =	sadd.s32 $0xFFFFFEF7, lr;
	s5 =	simm.s32 $0xFFFFFFFF;
	p2 =	slt.u32 s8, $0xFFFFF086  }
0x1c: {  	p1 =	slt.u32 s9, $0xF7A;
	s5 =	simm.s32 @!p2 $0x0  }
0x1d: {  	s5 =	simm.s32 @p1 $0x1;
	p0 =	seq.s32 s7, s2  }
0x1e: {  	s7 =	smul.u32 @!p0 $0xF7A, s2;
	p2 =	seq.s32 @!p0 s5, $0x0  }
0x1f: {  	s9 =	smul.u32 $0xF7A, s1;
	s8 =	simm.s32 @!p0 $0x1BF5;
	p2 =	por !p2, p0  }
0x20: {  	[sflag:s8] =	ssyncset.s32 @!p0 $0xFFFFF086;
	s6 =	sadd.s32 @!p0 s3, s7;
	s7 =	simm.s32 @!p0 $0x108  }
0x21: {  	s3 =	sadd.s32 s3, s9;
	s6 =	sadd.s32 @!p0 $0x88, s6;
	s7 =	simm.s32 @p2 $0x1082  }
0x22: {  	[simem:s7], [sflag:s8] =	dma.local @!p0 [hbm:s6], $0xF7A  }
0x23: {  	s9 =	sor.u32 $0xD0000000, s2;
	s6 =	simm.s32 $0x108;
	_ =	swait.ge @!p0 [sflag:s8], $0x0  }
0x24: {  	s3 =	sadd.s32 $0x88, s3;
	s6 =	simm.s32 @!p1 $0x1082;
	[sflag:s4] =	ssyncset.s32 $0xFFFFF086  }
0x25: {  	[simem:s6], [sflag:s4] =	dma.local [hbm:s3], $0xF7A  }
0x26: {  	[smem:$0x3F9A] =	sst s1;
	(tag) =	ssettag s2;
	_ =	strace s9  }
0x27: {  	s1 =	sld [smem:$0x3FAA]  }
0x28: {  	s2 =	sld [smem:$0x3FAB]  }
0x29: {  	s4 =	sld [smem:$0x3FAD]  }
0x2a: {  	p0 =	seq.s32 s5, $0x0;
	s5 =	sld [smem:$0x3FAE]  }
0x2b: {  	s6 =	sld [smem:$0x3FAF]  }
0x2c: {  	s7 =	sld [smem:$0x3FB0]  }
0x2d: {  	s3 =	simm.s32 $0x108;
	s8 =	sld [smem:$0x3FB1]  }
0x2e: {  	s3 =	simm.s32 @!p0 $0x1082;
	s9 =	sld [smem:$0x3FB2]  }
0x2f: {  	lr =	sadd.s32 s0, s3;
	s0 =	sld [smem:$0x3FA9]  }
0x30: {  	s3 =	sld [smem:$0x3FAC]  }
0x31: {  	[smem:$0x3FB5] =	sst s10  }
0x32: {  	s10 =	sld [smem:$0x3FB3];
	_ =	sdelay $0x3  }
0x33: {  	p0 =	seq.s32 s10, $0x1;
	s10 =	sld [smem:$0x3FB5];
	_ =	sdelay $0x3  }
0x34: {  	[smem:$0x3FB5] =	sst s10  }
0x35: {  	s10 =	sld [smem:$0x3FB4];
	_ =	sdelay $0x3  }
0x36: {  	p1 =	seq.s32 s10, $0x1;
	s10 =	sld [smem:$0x3FB5];
	_ =	sdelay $0x3  }
0x37: {  	[smem:$0x3FB5] =	sst s10  }
0x38: {  	s10 =	sld [smem:$0x3FB6]  }
0x39: {  	_ = 	snop;
	(pc) =	sbr.ind lr, $3  }
0x3a: {  	_ = 	snop  }
0x3b: {  	_ = 	snop  }
0x3c: {  	p2 =	seq.s32 s10, $0x1;
	s10 =	sld [smem:$0x3FB5]  }
0x3d: {  	_ =	shalt  }
0x3e: {  	_ =	shalt  }
0x3f: {  	_ =	shalt  }
0x40: {  	_ =	shalt  }
0x41: {  	_ =	shalt  }
0x42: {  	_ =	shalt  }
0x43: {  	_ =	shalt  }
0x44: {  	_ =	shalt  }
0x45: {  	_ =	shalt  }
0x46: {  	_ =	shalt  }
0x47: {  	_ =	shalt  }
0x48: {  	_ =	shalt  }
0x49: {  	_ =	shalt  }
0x4a: {  	_ =	shalt  }
0x4b: {  	_ =	shalt  }
0x4c: {  	_ =	shalt  }
0x4d: {  	_ =	shalt  }
0x4e: {  	_ =	shalt  }
0x4f: {  	_ =	shalt  }
0x50: {  	_ =	shalt  }
0x51: {  	_ =	shalt  }
0x52: {  	_ =	shalt  }
0x53: {  	_ =	shalt  }
0x54: {  	_ =	shalt  }
0x55: {  	_ =	shalt  }
0x56: {  	_ =	shalt  }
0x57: {  	_ =	shalt  }
0x58: {  	_ =	shalt  }
0x59: {  	_ =	shalt  }
0x5a: {  	_ =	shalt  }
0x5b: {  	_ =	shalt  }
0x5c: {  	_ =	shalt  }
0x5d: {  	_ =	shalt  }
0x5e: {  	_ =	shalt  }
0x5f: {  	_ =	shalt  }
0x60: {  	_ =	shalt  }
0x61: {  	_ =	shalt  }
0x62: {  	_ =	shalt  }
0x63: {  	_ =	shalt  }
0x64: {  	_ =	shalt  }
0x65: {  	_ =	shalt  }
0x66: {  	_ =	shalt  }
0x67: {  	_ =	shalt  }
0x68: {  	_ =	shalt  }
0x69: {  	_ =	shalt  }
0x6a: {  	_ =	shalt  }
0x6b: {  	_ =	shalt  }
0x6c: {  	_ =	shalt  }
0x6d: {  	_ =	shalt  }
0x6e: {  	_ =	shalt  }
0x6f: {  	_ =	shalt  }
0x70: {  	_ =	shalt  }
0x71: {  	_ =	shalt  }
0x72: {  	_ =	shalt  }
0x73: {  	_ =	shalt  }
0x74: {  	_ =	shalt  }
0x75: {  	_ =	shalt  }
0x76: {  	_ =	shalt  }
0x77: {  	_ =	shalt  }
0x78: {  	_ =	shalt  }
0x79: {  	_ =	shalt  }
0x7a: {  	_ =	shalt  }
0x7b: {  	_ =	shalt  }
0x7c: {  	_ =	shalt  }
0x7d: {  	_ =	shalt  }
0x7e: {  	_ =	shalt  }
0x7f: {  	_ =	shalt  }
0x80: {  	_ =	shalt  }
0x81: {  	_ =	shalt  }
0x82: {  	_ =	shalt  }
0x83: {  	_ =	shalt  }
0x84: {  	_ =	shalt  }
0x85: {  	_ =	shalt  }
0x86: {  	_ =	shalt  }
0x87: {  	_ =	shalt  }
.Lfunc_end0:
.L_simem_size_0:
called_computation.4_lowered:
.L_overlay_start_0:
0x88: {  	s2 =	sld [smem:$0x3FD9]  }
0x89: {  	s3 =	sld [smem:$0x3FFE];
	_ =	sdelay $0x1  }
0x8a: {  	s1 =	srdreg.scid  }
0x8b: {  	s0 =	sand.u32 $0x1, s1  }
0x8c: {  	s16 =	sshll.u32 s0, $0xA;
	s2 =	sadd.s32 s3, s2  }
0x8d: {  	s2 =	sadd.s32 s2, s16  }
0x8e: {  	[smem:$0x3FC1] =	sst s2  }
0x8f: {  	_ = 	snop  }
0x90: {  	(tm) =	ssettm $0x1  }
0x91: {  	s17 =	sld [smem:$0x3FFB];
	_ =	sdelay $0x3  }
0x92: {  	_ =	strace s17  }
0x93: {  	s2 =	sld [smem:$0x3FFC];
	_ =	sdelay $0x3  }
0x94: {  	_ =	strace s2  }
0x95: {  	s2 =	sld [smem:$0x3FFD];
	_ =	sdelay $0x3  }
0x96: {  	_ =	strace s2  }
0x97: {  	_ =	strace $0x8FFFFFFF  }
0x98: {  	s18 =	sld [smem:$0x3FDB];
	_ =	sdelay $0x1  }
0x99: {  	s19 =	simm.s32 $_scs_section_size  }
0x9a: {  	s4 =	simm.s32 $_size__tile_overlayer_lowered;
	s5 =	simm.s32 $_tile_overlayer_lowered  }
0x9b: {  	s22 =	simm.s32 $0x1BFF;
	s21 =	sshll.u32 s5, $0x1;
	s2 =	sadd.s32 s19, s18  }
0x9c: {  	s6 =	simm.s32 $0x0;
	s20 =	sshll.u32 s4, $0x1;
	s4 =	sadd.s32 s21, s2  }
0x9d: {  	[timem:s6], [sflag:s22] =	dma.local [hbm:s4], s20  }
0x9e: {  	_ =	swait.ge [sflag:s22], s20  }
0x9f: {  	s3 =	ssub.s32 $0x0, s20;
	[sflag:s22] =	ssyncset.done $0x0  }
0xa0: {  	[sflag:s22] =	ssyncadd.s32 s3;
	_ =	sdelay $0x1  }
0xa1: {  	s23 =	simm.s32 $0x1B8B  }
0xa2: {  	_ =	swait.ge [sflag:s23], $0x1  }
0xa3: {  	[sflag:s23] =	ssyncset.done $0x0  }
0xa4: {  	s25 =	simm.s32 $0x1B8E;
	s24 =	sld [smem:$0x3FFE];
	[sflag:s23] =	ssyncadd.s32 $0xFFFFFFFF  }
0xa5: {  	s26 =	simm.s32 $execute0_lowered;
	[smem:$0x3FD2] =	sst s25  }
0xa6: {  	s4 =	sshll.u32 s26, $0x1;
	_ =	strace $0x80000052;
	[dreg:$0x1] =	wrdreg $0xFFFFFFFF  }
0xa7: {  	s28 =	simm.s32 $_size_execute0_lowered;
	s2 =	sadd.s32 s2, s4;
	[dreg:$0x0] =	wrdreg $0x0  }
0xa8: {  	s4 =	sshll.u32 s28, $0x1;
	[dreg:$0x2] =	wrdreg s2  }
0xa9: {  	[dreg:$0x3] =	wrdreg s4  }
0xaa: {  	[dreg:$0x4] =	wrdreg $0xC0  }
0xab: {  	_ =	task [dreg:s6], $0x5FFFF  }
0xac: {  	[dreg:$0x1] =	wrdreg $0xFFFFFFFF  }
0xad: {  	[dreg:$0x0] =	wrdreg $0x60  }
0xae: {  	[dreg:$0x2] =	wrdreg s24  }
0xaf: {  	[dreg:$0x3] =	wrdreg $0x0  }
0xb0: {  	[dreg:$0x4] =	wrdreg $0x9  }
0xb1: {  	_ =	task.clear_ibuf [dreg:s6], $0x5FFFF;
	_ =	strace $0x90000052  }
0xb2: {  	s29 =	simm.s32 $0x9;
	_ =	strace $0x80000054  }
0xb3: {  	_ =	swait.ge [sflag:s29], $0x1  }
0xb4: {  	[sflag:s29] =	ssyncadd.s32 $0xFFFFFFFF  }
0xb5: {  	_ =	strace $0x90000054  }
0xb6: {  	_ =	sfence  }
0xb7: {  	s30 =	sld [smem:$0x0];
	_ =	sdelay $0x2  }
0xb8: {  	s31 =	sshll.u32 s1, $0xD;
	s1 =	sshrl.u32 s1, $0x2  }
0xb9: {  	s3 =	sand.u32 $0x4000, s31;
	s1 =	sadd.s32 s1, s30  }
0xba: {  	s0 =	sor.u32 s3, s0;
	s1 =	sshll.u32 s1, $0x11  }
0xbb: {  	s0 =	sor.u32 s1, s0  }
0xbc: {  	s0 =	sadd.s32 $0x8F2B, s0  }
0xbd: {  	[sflag:s0] =	ssyncadd.remote.s32 $0x1  }
0xbe: {  	_ =	sfence.sel $0xFFFF  }
0xbf: {  	[dreg:$0x0] =	wrdreg $0xFFFFFFFF;
	(pc) =	sbr.abs _section_cstart, $3  }
0xc0: {  	[dreg:$0x1] =	wrdreg $0xFFFFFFFF  }
0xc1: {  	_ =	task.clear_ibuf [dreg:s6], $0x2FFFF;
	_ =	strace $0x9FFFFFFF  }
0xc2: {  	(tm) =	ssettm $0x7FFFFFFF  }
0xc3: {  	_ =	shalt  }
tec
execute0_lowered:
.L_overlay_start_1:
0x0: {  	(tag) =	ssettag $0x1  }
0x1: {  	s5 =	rddreg [dreg:$0x0]  }
0x2: {  	s2 =	rddreg [dreg:$0x1];
	s1 =	srdreg.scid  }
0x3: {  	s0 =	rddreg [dreg:$0x2];
	s3 =	simm.s32 $0x0;
	s13 =	simm.s32 $0x13900  }
0x4: {  	s14 =	simm.s32 $0x2;
	s15 =	simm.s32 $0x16D00;
	s16 =	simm.s32 $0x1E100  }
0x5: {  	s17 =	simm.s32 $0x80;
	s18 =	simm.s32 $0x1A100;
	s19 =	simm.s32 $0x1  }
0x6: {  	s20 =	simm.s32 $0x0;
	s6 =	sand.u32 $0x1, s1;
	s1 =	stileid.u32  }
0x7: {  	[smem:$0x7FF] =	sst s3;
	s4 =	smul.u32 $0x138800, s6;
	s7 =	sshll.u32 s1, $0x1  }
0x8: {  	s8 =	smul.u32 $0x13800, s1;
	_ =	strace $0x80000053;
	s9 =	ssub.s32 $0x2, s6  }
0x9: {  	p0 =	seq.s32 s6, $0x0;
	s31 =	smul.u32 $0x4E000, s1;
	s7 =	sor.u32 s6, s7  }
0xa: {  	s30 =	sshrl.u32 s9, $0x1;
	s7 =	smul.u32 $0x680, s7;
	s8 =	sadd.s32 s8, s4  }
0xb: {  	s4 =	sadd.s32 $0x1CE00, s5;
	s11 =	ssub.s32 s9, s30;
	s10 =	sshrl.u32 s31, $0x2  }
0xc: {  	s9 =	simm.s32 $0x28;
	s8 =	sshrl.u32 s8, $0x3;
	s10 =	sadd.s32 s10, s2  }
0xd: {  	s7 =	sadd.s32 s7, s5;
	s12 =	sadd.s32 s8, s5;
	s5 =	simm.s32 $0x68  }
0xe: {  	s11 =	smax.u32 s11, $0x1;
	s8 =	simm.s32 $0x29;
	s5 =	simm.s32 @!p0 $0x38  }
0xf: {  	s6 =	sadd.s32 $0xFE00, s7;
	s7 =	sadd.s32 $0x2E00, s7;
	p0 =	seq.s32 s1, $0xF  }
0x10: {  	v0 =	vimm.f32 $0.0e+00;
	s12 =	sadd.s32 $0x44000, s12;
	s8 =	simm.s32 @!p0 $0x27;
	s9 =	simm.s32 @!p0 $0x27  }
.LBB2_1:
0x11: {  	[tilespmem:s13], [sflag:$0x2] =	stream.linear.gather [hbm4b:s6+s3], $0x3400, $0x38;
	[tilespmem:$0x1E900] =	vst v63  }
0x12: {  	_ =	swait.ge [sflag:s14], $0x3400  }
0x13: {  	[sflag:s14] =	ssyncset.done $0x0  }
0x14: {  	[sflag:s14] =	ssyncadd.s32 $0xFFFFCC00  }
0x15: {  	[tilespmem:s15], [sflag:$0x2] =	stream.linear.gather [hbm4b:s7+s3], $0x3400, $0x38;
	[tilespmem:$0x1E900] =	vst v63  }
0x16: {  	s21 =	sand.u32 $0x1E00, s3;
	s22 =	sand.u32 $0x70, s3;
	_ =	swait.ge [sflag:s14], $0x3400  }
0x17: {  	s23 =	sshrl.u32 s21, $0x2;
	s21 =	simm.s32 $0x40;
	[sflag:s14] =	ssyncset.done $0x0  }
0x18: {  	s23 =	sor.u32 s22, s23;
	s22 =	simm.s32 $0x0;
	[sflag:s14] =	ssyncadd.s32 $0xFFFFCC00  }
.LBB2_2:
0x19: {  	p0 =	sne.s32 s21, $0x1FC0  }
0x1a: {  	[tilespmem:s23+$0x1E100] =	vst v0;
	s22 =	sadd.s32 $0x10, s22;
	s23 =	smov.u32 s21;
	s21 =	sadd.s32 $0x40, s21  }
.Ltmp0:
0x1b: {  	(pc) =	sbr.rel @p0 .LBB2_2-.Ltmp0, $4  }
0x1c: {  	_ = 	snop  }
0x1d: {  	s23 =	sand.u32 $0x1E00, s23  }
0x1e: {  	s24 =	sand.u32 $0x70, s22;
	s23 =	sshrl.u32 s23, $0x2  }
0x1f: {  	s23 =	sor.u32 s24, s23  }
0x20: {  	p0 =	sne.s32 s8, $0x1  }
.Ltmp1:
0x21: {  	_ = 	snop;
	(pc) =	sbr.rel @!p0 .LBB2_5-.Ltmp1, $4  }
0x22: {  	[tilespmem:s23+$0x1E100] =	vst v0  }
0x23: {  	[spmem:s10] =	stream.linear.scatter [tilespmem:s16], [sflag:$0x2], $0x800, $0x38;
	[tilespmem:$0x1E900] =	vst v63  }
0x24: {  	_ =	swait.ge [sflag:s14], $0x800  }
0x25: {  	s21 =	sadd.s32 $0xFFFFFFFF, s8;
	s22 =	smov.u32 s10;
	[sflag:s14] =	ssyncset.done $0x0  }
.LBB2_4:
0x26: {  	p0 =	sne.s32 s21, $0x1;
	[sflag:s14] =	ssyncadd.s32 $0xFFFFF800;
	s22 =	sadd.s32 $0x800, s22  }
.Ltmp2:
0x27: {  	s21 =	sadd.s32 $0xFFFFFFFF, s21;
	(pc) =	sbr.rel @p0 .LBB2_4-.Ltmp2, $4  }
0x28: {  	_ = 	snop  }
0x29: {  	[spmem:s22] =	stream.linear.scatter [tilespmem:s16], [sflag:$0x2], $0x800, $0x38;
	[tilespmem:$0x1E900] =	vst v63  }
0x2a: {  	_ =	swait.ge [sflag:s14], $0x800  }
0x2b: {  	[sflag:s14] =	ssyncset.done $0x0  }
.LBB2_5:
0x2c: {  	[sflag:s14] =	ssyncadd.s32 $0xFFFFF800  }
0x2d: {  	s21 =	simm.s32 $0x13900;
	[bflag:$0x0] =	sbarrier.arrive $0xFFFF  }
0x2e: {  	[tilespmem:s18], [sflag:$0x1] =	stream.indirect.gather [hbm4b:s4+s17], $0x80, s21, s17, $0xb8;
	[tilespmem:$0x1E900] =	vst v63  }
0x2f: {  	p0 =	sne.s32 s5, $0x1;
	_ =	swait.ge [sflag:s19], $0x4000  }
.Ltmp3:
0x30: {  	[sflag:s19] =	ssyncset.done $0x0;
	(pc) =	sbr.rel @!p0 .LBB2_7-.Ltmp3, $4  }
0x31: {  	s22 =	simm.s32 $0x16D00;
	[sflag:s19] =	ssyncadd.s32 $0xFFFFC000  }
0x32: {  	[spmem:s2] =	stream.indirect.scatter.add.f32 [tilespmem:s18], [sflag:$0x2], $0x80, s22, s17, $0xb8;
	[tilespmem:$0x1E900] =	vst v63  }
0x33: {  	_ =	swait.ge [sflag:s14], $0x4000  }
0x34: {  	s23 =	sadd.s32 $0xFFFFFFFF, s5;
	[sflag:s14] =	ssyncset.done $0x0  }
.LBB2_6:
0x35: {  	[sflag:s14] =	ssyncadd.s32 $0xFFFFC000;
	s21 =	sadd.s32 $0x80, s21;
	s22 =	sadd.s32 $0x80, s22  }
0x36: {  	[tilespmem:s18], [sflag:$0x1] =	stream.indirect.gather [hbm4b:s4+s17], $0x80, s21, s17, $0xb8;
	[tilespmem:$0x1E900] =	vst v63  }
0x37: {  	p0 =	sne.s32 s23, $0x1;
	s23 =	sadd.s32 $0xFFFFFFFF, s23;
	_ =	swait.ge [sflag:s19], $0x4000  }
.Ltmp4:
0x38: {  	[sflag:s19] =	ssyncset.done $0x0;
	(pc) =	sbr.rel @p0 .LBB2_6-.Ltmp4, $4  }
0x39: {  	[sflag:s19] =	ssyncadd.s32 $0xFFFFC000  }
0x3a: {  	[spmem:s2] =	stream.indirect.scatter.add.f32 [tilespmem:s18], [sflag:$0x2], $0x80, s22, s17, $0xb8;
	[tilespmem:$0x1E900] =	vst v63  }
0x3b: {  	_ =	swait.ge [sflag:s14], $0x4000  }
0x3c: {  	[sflag:s14] =	ssyncset.done $0x0  }
.LBB2_7:
0x3d: {  	[sflag:s14] =	ssyncadd.s32 $0xFFFFC000  }
0x3e: {  	[bflag:$0x0] =	sbarrier.arrive $0xFFFF  }
0x3f: {  	[tilespmem:s16], [sflag:$0x2] =	stream.linear.gather [spmem:s10], $0x800, $0x38;
	[tilespmem:$0x1E900] =	vst v63  }
0x40: {  	p0 =	sne.s32 s9, $0x1;
	_ =	swait.ge [sflag:s14], $0x800  }
.Ltmp5:
0x41: {  	[sflag:s14] =	ssyncset.done $0x0;
	(pc) =	sbr.rel @!p0 .LBB2_9-.Ltmp5, $4  }
0x42: {  	[sflag:s14] =	ssyncadd.s32 $0xFFFFF800  }
0x43: {  	[hbm4b:s12+s3] =	stream.linear.scatter [tilespmem:s16], [sflag:$0x2], $0x800, $0x38;
	[tilespmem:$0x1E900] =	vst v63  }
0x44: {  	s21 =	sadd.s32 $0xFFFFFFFF, s9;
	_ =	swait.ge [sflag:s14], $0x800  }
0x45: {  	s22 =	smov.u32 s12;
	s23 =	smov.u32 s10;
	[sflag:s14] =	ssyncset.done $0x0  }
.LBB2_8:
0x46: {  	[sflag:s14] =	ssyncadd.s32 $0xFFFFF800;
	s22 =	sadd.s32 $0x100, s22;
	s23 =	sadd.s32 $0x800, s23  }
0x47: {  	[tilespmem:s16], [sflag:$0x2] =	stream.linear.gather [spmem:s23], $0x800, $0x38;
	[tilespmem:$0x1E900] =	vst v63  }
0x48: {  	p0 =	sne.s32 s21, $0x1;
	s21 =	sadd.s32 $0xFFFFFFFF, s21;
	_ =	swait.ge [sflag:s14], $0x800  }
.Ltmp6:
0x49: {  	[sflag:s14] =	ssyncset.done $0x0;
	(pc) =	sbr.rel @p0 .LBB2_8-.Ltmp6, $4  }
0x4a: {  	[sflag:s14] =	ssyncadd.s32 $0xFFFFF800  }
0x4b: {  	[hbm4b:s22+s3] =	stream.linear.scatter [tilespmem:s16], [sflag:$0x2], $0x800, $0x38;
	[tilespmem:$0x1E900] =	vst v63  }
0x4c: {  	_ =	swait.ge [sflag:s14], $0x800  }
0x4d: {  	[sflag:s14] =	ssyncset.done $0x0  }
.LBB2_9:
0x4e: {  	s20 =	sadd.s32 $0x1, s20  }
0x4f: {  	p0 =	sne.s32 s20, s11  }
.Ltmp7:
0x50: {  	_ = 	snop;
	(pc) =	sbr.rel @p0 .LBB2_1-.Ltmp7, $2  }
0x51: {  	_ =	sdelay $0x2  }
0x52: {  	[sflag:s14] =	ssyncadd.s32 $0xFFFFF800  }
0x53: {  	_ =	sfence.sel $0x180000  }
0x54: {  	[bflag:$0x0] =	sbarrier.arrive $0xFFFF  }
0x55: {  	p0 =	sne.s32 s1, $0x0;
	_ =	strace $0x90000053  }
0x56: {  	s0 =	sadd.s32 @!p0 $0x100000, s0;
	[bflag:$0x2] =	sbarrier.arrive $0xFFFF  }
0x57: {  	[sflag:s0] =	ssyncadd.tile.s32 @!p0 $0x1;
	_ =	shalt  }
.Lfunc_end2:
_tile_overlayer_lowered:
.L_overlay_start_2:
0x58: {  	(tag) =	ssettag $0x2  }
0x59: {  	s0 =	rddreg [dreg:$0x0];
	s2 =	stileid.u32  }
0x5a: {  	s1 =	rddreg [dreg:$0x1];
	p0 =	sne.s32 s2, $0x0  }
0x5b: {  	s3 =	rddreg [dreg:$0x2];
	[bflag:$0x3] =	sbarrier.arrive $0xFFFF;
	s2 =	simm.s32 @!p0 $0x1C02  }
0x5c: {  	[timem:s3], [sflag:s2] =	dma.local @!p0 [hbm:s0], s1  }
0x5d: {  	s0 =	simm.s32 @!p0 $0x2  }
0x5e: {  	_ =	swait.ge @!p0 [sflag:s0], s1  }
0x5f: {  	s1 =	ssub.s32 @!p0 $0x0, s1;
	[sflag:s0] =	ssyncset.done @!p0 $0x0  }
0x60: {  	[sflag:s0] =	ssyncadd.s32 @!p0 s1  }
0x61: {  	[bflag:$0x3] =	sbarrier.arrive $0xFFFF  }
0x62: {  	_ =	shalt  }

</sc_bundles>
